<compile_context>
chip_gen: v7x
topology: tpu7x:2x2x1
jax: 0.10.2.dev20260603
libtpu: 0.0.44.dev20260713+nightly
codegen_flags: <defaults>
</compile_context>

<pallas_src>
import functools

import jax
import jax.numpy as jnp
from jax import lax
from jax.experimental import pallas as pl
from jax.experimental.pallas import tpu as pltpu
from jax.experimental.pallas import tpu_sc as plsc

N = 10000
E = 320000
D_IN = 128
H = 64
OUT = 32

NC = 2
NS = 16
NW = NC * NS
CH = 128
NCHUNK = E // CH
T = NCHUNK // NW
XTRA = NCHUNK - T * NW
NB = 4
RND = T // NB
NPAD = 10240
STRIPE = NPAD // NS

_EPS = 1e-5



def _make_sc_agg(width, with_deg):
    mesh = plsc.VectorSubcoreMesh(core_axis_name="c", subcore_axis_name="s")

    out_type = [jax.ShapeDtypeStruct((NC, NPAD, width), jnp.float32)]
    scratch = [
        pltpu.VMEM((T * CH,), jnp.int32),
        pltpu.VMEM((T * CH,), jnp.int32),
        pltpu.VMEM((CH,), jnp.int32),
        pltpu.VMEM((CH,), jnp.int32),
    ] + [pltpu.VMEM((CH, width), jnp.float32) for _ in range(NB)] + [
        pltpu.VMEM_SHARED((NPAD, width), jnp.float32),
    ] + [pltpu.SemaphoreType.DMA for _ in range(2 * NB)]
    if with_deg:
        out_type.append(jax.ShapeDtypeStruct((NC, NPAD, 16), jnp.float32))
        scratch += [
            pltpu.VMEM((CH, 16), jnp.float32),
            pltpu.VMEM_SHARED((NPAD, 16), jnp.float32),
        ] + [pltpu.SemaphoreType.DMA for _ in range(NB)]

    @functools.partial(pl.kernel, mesh=mesh, out_type=out_type,
                       scratch_types=scratch,
                       compiler_params=pltpu.CompilerParams(
                           use_tc_tiling_on_sc=False))
    def body(*refs):
        if with_deg:
            (p_hbm, e_hbm, z_hbm, zd_hbm, s_out, d_out,
             src_v, dst_v, xsrc_v, xdst_v, *rest) = refs
            bufs = rest[:NB]
            acc = rest[NB]
            gsems = rest[NB + 1:2 * NB + 1]
            ssems = rest[2 * NB + 1:3 * NB + 1]
            ones_v, dacc, *dsems = rest[3 * NB + 1:]
        else:
            (p_hbm, e_hbm, z_hbm, s_out,
             src_v, dst_v, xsrc_v, xdst_v, *rest) = refs
            bufs = rest[:NB]
            acc = rest[NB]
            gsems = rest[NB + 1:2 * NB + 1]
            ssems = rest[2 * NB + 1:3 * NB + 1]

        c = lax.axis_index("c")
        s = lax.axis_index("s")
        wid = c * NS + s
        r0 = s * STRIPE

        e0 = wid * (T * CH)
        pltpu.sync_copy(e_hbm.at[0, pl.ds(e0, T * CH)], src_v)
        pltpu.sync_copy(e_hbm.at[1, pl.ds(e0, T * CH)], dst_v)

        @pl.when(wid < XTRA)
        def _stage_extra():
            x0 = NW * T * CH + wid * CH
            pltpu.sync_copy(e_hbm.at[0, pl.ds(x0, CH)], xsrc_v)
            pltpu.sync_copy(e_hbm.at[1, pl.ds(x0, CH)], xdst_v)

        pltpu.sync_copy(z_hbm.at[pl.ds(r0, STRIPE)], acc.at[pl.ds(r0, STRIPE)])
        if with_deg:
            pltpu.sync_copy(zd_hbm.at[pl.ds(r0, STRIPE)],
                            dacc.at[pl.ds(r0, STRIPE)])

            def fill(i, _):
                ones_v[i, :] = jnp.ones((16,), jnp.float32)
                return 0
            lax.fori_loop(0, CH, fill, 0)
        plsc.subcore_barrier()

        def gstart(j, b):
            pltpu.async_copy(p_hbm.at[src_v.at[pl.ds(j * CH, CH)]],
                             bufs[b], gsems[b])

        def gwait(b):
            pltpu.make_async_copy(p_hbm.at[src_v.at[pl.ds(0, CH)]], bufs[b],
                                  gsems[b]).wait()

        def sstart(j, b):
            pltpu.async_copy(bufs[b], acc.at[dst_v.at[pl.ds(j * CH, CH)]],
                             ssems[b], add=True)
            if with_deg:
                pltpu.async_copy(ones_v, dacc.at[dst_v.at[pl.ds(j * CH, CH)]],
                                 dsems[b], add=True)

        def swait(b):
            pltpu.make_async_copy(bufs[b], acc.at[dst_v.at[pl.ds(0, CH)]],
                                  ssems[b]).wait()
            if with_deg:
                pltpu.make_async_copy(ones_v,
                                      dacc.at[dst_v.at[pl.ds(0, CH)]],
                                      dsems[b]).wait()

        for b in range(NB):
            gstart(b, b)

        def rnd(r, _):
            base = r * NB
            for b in range(NB):
                gwait(b)
                sstart(base + b, b)
            for b in range(NB):
                swait(b)
                gstart(base + NB + b, b)
            return 0
        lax.fori_loop(0, RND - 1, rnd, 0)

        for b in range(NB):
            gwait(b)
            sstart(NB * (RND - 1) + b, b)
        TAIL = T - NB * RND
        for t in range(TAIL):
            swait(t)
            gstart(NB * RND + t, t)
        for b in range(TAIL, NB):
            swait(b)
        for t in range(TAIL):
            gwait(t)
            sstart(NB * RND + t, t)
            swait(t)

        @pl.when(wid < XTRA)
        def _extra_chunk():
            pltpu.async_copy(p_hbm.at[xsrc_v], bufs[0], gsems[0])
            pltpu.make_async_copy(p_hbm.at[xsrc_v], bufs[0],
                                  gsems[0]).wait()
            pltpu.sync_copy(bufs[0], acc.at[xdst_v], add=True)
            if with_deg:
                pltpu.sync_copy(ones_v, dacc.at[xdst_v], add=True)

        plsc.subcore_barrier()

        pltpu.sync_copy(acc.at[pl.ds(r0, STRIPE)],
                        s_out.at[c, pl.ds(r0, STRIPE)])
        if with_deg:
            pltpu.sync_copy(dacc.at[pl.ds(r0, STRIPE)],
                            d_out.at[c, pl.ds(r0, STRIPE)])

    return body


_sc_agg_deg = _make_sc_agg(H, True)
_sc_agg_h = _make_sc_agg(H, False)
_sc_agg_out = _make_sc_agg(OUT, False)



def _tc_pre_body(x_ref, wl_ref, wr_ref, p_ref, r_ref):
    x = x_ref[...]
    p_ref[...] = jnp.dot(x, wl_ref[...], preferred_element_type=jnp.float32)
    r_ref[...] = jnp.dot(x, wr_ref[...], preferred_element_type=jnp.float32)


def _tc_pre(x, wl, wr):
    return pl.pallas_call(
        _tc_pre_body,
        out_shape=[jax.ShapeDtypeStruct((N, wl.shape[1]), jnp.float32),
                   jax.ShapeDtypeStruct((N, wr.shape[1]), jnp.float32)],
    )(x, wl, wr)


def _bn_from_parts(s_ref, deg_ref, r_ref, b_ref, g_ref, bb_ref, relu):
    ssum = (s_ref[0] + s_ref[1])[:N]
    deg = (deg_ref[0] + deg_ref[1])[:N, 0:1]
    agg = ssum / jnp.maximum(deg, 1.0)
    z = agg + r_ref[...] + b_ref[...]
    mu = jnp.mean(z, axis=0, keepdims=True)
    var = jnp.mean((z - mu) * (z - mu), axis=0, keepdims=True)
    h = (z - mu) * lax.rsqrt(var + _EPS) * g_ref[...] + bb_ref[...]
    if relu:
        h = jnp.maximum(h, 0.0)
    return h


def _tc_mid_body(s_ref, deg_ref, r_ref, b_ref, g_ref, bb_ref,
                 wl_ref, wr_ref, p_ref, rn_ref):
    h = _bn_from_parts(s_ref, deg_ref, r_ref, b_ref, g_ref, bb_ref, True)
    p_ref[...] = jnp.dot(h, wl_ref[...], preferred_element_type=jnp.float32)
    rn_ref[...] = jnp.dot(h, wr_ref[...], preferred_element_type=jnp.float32)


def _tc_mid(s_parts, deg_parts, r, b, g, bb, wl, wr):
    return pl.pallas_call(
        _tc_mid_body,
        out_shape=[jax.ShapeDtypeStruct((N, wl.shape[1]), jnp.float32),
                   jax.ShapeDtypeStruct((N, wr.shape[1]), jnp.float32)],
    )(s_parts, deg_parts, r, b, g, bb, wl, wr)


def _tc_final_body(s_ref, deg_ref, r_ref, b_ref, g_ref, bb_ref,
                   w1_ref, b1_ref, w2_ref, b2_ref, pred_ref, emb_ref):
    emb = _bn_from_parts(s_ref, deg_ref, r_ref, b_ref, g_ref, bb_ref, False)
    emb_ref[...] = emb
    hid = jnp.maximum(
        jnp.dot(emb, w1_ref[...], preferred_element_type=jnp.float32)
        + b1_ref[...], 0.0)
    logit = jnp.dot(hid, w2_ref[...], preferred_element_type=jnp.float32) \
        + b2_ref[...]
    pred_ref[...] = jax.nn.sigmoid(logit)


def _tc_final(s_parts, deg_parts, r, b, g, bb, w1, b1, w2, b2):
    return pl.pallas_call(
        _tc_final_body,
        out_shape=[jax.ShapeDtypeStruct((N, 1), jnp.float32),
                   jax.ShapeDtypeStruct((N, OUT), jnp.float32)],
    )(s_parts, deg_parts, r, b, g, bb, w1, b1, w2, b2)



def kernel(x, edge_index, W_l0, W_r0, b0, bn_g0, bn_b0, W_l1, W_r1, b1,
           bn_g1, bn_b1, W_l2, W_r2, b2, bn_g2, bn_b2, cls_W1, cls_b1,
           cls_W2, cls_b2):
    z64 = jnp.zeros((NPAD, H), jnp.float32)
    z32 = jnp.zeros((NPAD, OUT), jnp.float32)
    z16 = jnp.zeros((NPAD, 16), jnp.float32)

    p0, r0 = _tc_pre(x, W_l0, W_r0)
    s0, degp = _sc_agg_deg(p0, edge_index, z64, z16)
    p1, r1 = _tc_mid(s0, degp, r0, b0.reshape(1, H), bn_g0.reshape(1, H),
                     bn_b0.reshape(1, H), W_l1, W_r1)
    (s1,) = _sc_agg_h(p1, edge_index, z64)
    p2, r2 = _tc_mid(s1, degp, r1, b1.reshape(1, H), bn_g1.reshape(1, H),
                     bn_b1.reshape(1, H), W_l2, W_r2)
    (s2,) = _sc_agg_out(p2, edge_index, z32)
    pred, emb = _tc_final(s2, degp, r2, b2.reshape(1, OUT),
                          bn_g2.reshape(1, OUT), bn_b2.reshape(1, OUT),
                          cls_W1, cls_b1.reshape(1, H), cls_W2,
                          cls_b2.reshape(1, 1))
    return (pred, emb)

# --- scband reference (transcript-rebuilt; emitter-appended) ---
"""Pipeline reference for scband-phish-guard-gnn-34359738368088 (READ-ONLY COPY).

The authoritative reference and input builder live on the scoring server;
editing this copy changes nothing except your own understanding.
"""

import jax, jax.numpy as jnp
import numpy as np

N = 10000
E = 320000
D_IN = 128
H = 64
OUT = 32

def _glorot(key, shape):
    fan_in, fan_out = shape
    lim = (6.0 / (fan_in + fan_out)) ** 0.5
    return jax.random.uniform(key, shape, dtype=jnp.float32, minval=-lim, maxval=lim)

def setup_inputs(seed: int = 0):
    key = jax.random.key(seed)
    ks = jax.random.split(key, 16)
    inp = {}
    inp["x"] = jax.random.normal(ks[0], (N, D_IN), dtype=jnp.float32)
    inp["edge_index"] = jax.random.randint(ks[1], (2, E), 0, N, dtype=jnp.int32)
    dims = [(D_IN, H), (H, H), (H, OUT)]
    for i, (di, do) in enumerate(dims):
        inp[f"W_l{i}"] = _glorot(ks[2 + 3 * i], (di, do))
        inp[f"W_r{i}"] = _glorot(ks[3 + 3 * i], (di, do))
        inp[f"b{i}"] = jnp.zeros((do,), dtype=jnp.float32)
        inp[f"bn_g{i}"] = jnp.ones((do,), dtype=jnp.float32)
        inp[f"bn_b{i}"] = jnp.zeros((do,), dtype=jnp.float32)
    inp["cls_W1"] = _glorot(ks[11], (OUT, H))
    inp["cls_b1"] = jnp.zeros((H,), dtype=jnp.float32)
    inp["cls_W2"] = _glorot(ks[12], (H, 1))
    inp["cls_b2"] = jnp.zeros((1,), dtype=jnp.float32)
    return inp

def _sage_conv(x, src, dst, Wl, Wr, b):
    n = x.shape[0]
    msgs = jnp.take(x, src, axis=0)
    agg = jax.ops.segment_sum(msgs, dst, num_segments=n)
    deg = jax.ops.segment_sum(jnp.ones((src.shape[0], 1), x.dtype), dst, num_segments=n)
    agg = agg / jnp.clip(deg, 1.0, None)
    return agg @ Wl + x @ Wr + b

def _batch_norm(x, g, b, eps=1e-5):
    mu = jnp.mean(x, axis=0)
    var = jnp.var(x, axis=0)
    return (x - mu) / jnp.sqrt(var + eps) * g + b

def reference(x, edge_index, W_l0, W_r0, b0, bn_g0, bn_b0, W_l1, W_r1, b1, bn_g1, bn_b1, W_l2, W_r2, b2, bn_g2, bn_b2, cls_W1, cls_b1, cls_W2, cls_b2):
    src = edge_index[0]
    dst = edge_index[1]
    Wls = (W_l0, W_l1, W_l2)
    Wrs = (W_r0, W_r1, W_r2)
    bs = (b0, b1, b2)
    gs = (bn_g0, bn_g1, bn_g2)
    bbs = (bn_b0, bn_b1, bn_b2)
    h = x
    for i in range(3):
        h = _sage_conv(h, src, dst, Wls[i], Wrs[i], bs[i])
        h = _batch_norm(h, gs[i], bbs[i])
        if i < 2:
            h = jax.nn.relu(h)
            # dropout is identity in eval/deterministic mode
    embeddings = h
    hid = jax.nn.relu(embeddings @ cls_W1 + cls_b1)
    predictions = jax.nn.sigmoid(hid @ cls_W2 + cls_b2)
    return (predictions, embeddings)

if __name__ == "__main__":
    import jax
    _d = setup_inputs()
    print(jax.jit(kernel)(*tuple(_d.values())))

</pallas_src>

<mosaic_0001>
#map = affine_map<(d0, d1) -> (0, 0)>
#map1 = affine_map<(d0, d1) -> (0, 0, 0)>
module attributes {stable_mosaic.version = 14 : i64} {
  func.func @body(%arg0: i32, %arg1: i32, %arg2: memref<10000x64xf32, #tpu.memory_space<hbm>>, %arg3: memref<2x320000xi32, #tpu.memory_space<hbm>>, %arg4: memref<10240x64xf32, #tpu.memory_space<hbm>>, %arg5: memref<2x10240x64xf32, #tpu.memory_space<hbm>>, %arg6: memref<9984xi32, #tpu.memory_space<vmem>>, %arg7: memref<9984xi32, #tpu.memory_space<vmem>>, %arg8: memref<128xi32, #tpu.memory_space<vmem>>, %arg9: memref<128xi32, #tpu.memory_space<vmem>>, %arg10: memref<128x64xf32, #tpu.memory_space<vmem>>, %arg11: memref<128x64xf32, #tpu.memory_space<vmem>>, %arg12: memref<128x64xf32, #tpu.memory_space<vmem>>, %arg13: memref<128x64xf32, #tpu.memory_space<vmem>>, %arg14: memref<10240x64xf32, #tpu.memory_space<vmem_shared>>, %arg15: memref<!tpu.dma_semaphore, #tpu.memory_space<semaphore_mem>>, %arg16: memref<!tpu.dma_semaphore, #tpu.memory_space<semaphore_mem>>, %arg17: memref<!tpu.dma_semaphore, #tpu.memory_space<semaphore_mem>>, %arg18: memref<!tpu.dma_semaphore, #tpu.memory_space<semaphore_mem>>, %arg19: memref<!tpu.dma_semaphore, #tpu.memory_space<semaphore_mem>>, %arg20: memref<!tpu.dma_semaphore, #tpu.memory_space<semaphore_mem>>, %arg21: memref<!tpu.dma_semaphore, #tpu.memory_space<semaphore_mem>>, %arg22: memref<!tpu.dma_semaphore, #tpu.memory_space<semaphore_mem>>) attributes {dimension_semantics = [#tpu.dimension_semantics<core_parallel>, #tpu.dimension_semantics<subcore_parallel>], iteration_bounds = array<i64: 2, 16>, scalar_prefetch = 0 : i64, scratch_operands = 17 : i64, tpu.core_type = #tpu.core_type<sc_vector_subcore>, window_params = [{transform_indices = #map}, {transform_indices = #map}, {transform_indices = #map}, {transform_indices = #map1}]} {
    %mul3A = arith.constant 16 : i32
    %mul3A_0 = arith.muli %arg0, %mul3A : i32
    %add3A = arith.addi %mul3A_0, %arg1 : i32
    %mul3A_1 = arith.constant 640 : i32
    %mul3A_2 = arith.muli %arg1, %mul3A_1 : i32
    %mul3A_3 = arith.constant 9984 : i32
    %mul3A_4 = arith.muli %add3A, %mul3A_3 : i32
    %run_scoped3A = arith.constant 0 : i32
    "tpu.region"() ({
      %run_scoped3A_138 = tpu.sem_alloc : memref<!tpu.dma_semaphore, #tpu.memory_space<semaphore_mem>>
      %dma_start3A_139 = tpu.memref_slice %arg3[%run_scoped3A, %mul3A_4] : memref<2x320000xi32, #tpu.memory_space<hbm>> -> memref<1x9984xi32, #tpu.memory_space<hbm>>
      %dma_start3A_140 = tpu.memref_squeeze %dma_start3A_139 : memref<1x9984xi32, #tpu.memory_space<hbm>> -> memref<9984xi32, #tpu.memory_space<hbm>>
      %dma_start3A_141 = tpu.memref_slice %arg3[%run_scoped3A, %mul3A_4] : memref<2x320000xi32, #tpu.memory_space<hbm>> -> memref<1x9984xi32, #tpu.memory_space<hbm>>
      %dma_start3A_142 = tpu.memref_squeeze %dma_start3A_141 : memref<1x9984xi32, #tpu.memory_space<hbm>> -> memref<9984xi32, #tpu.memory_space<hbm>>
      tpu.enqueue_dma source(%dma_start3A_142 : memref<9984xi32, #tpu.memory_space<hbm>>) target(%arg6 : memref<9984xi32, #tpu.memory_space<vmem>>) target_semaphore(%run_scoped3A_138 : memref<!tpu.dma_semaphore, #tpu.memory_space<semaphore_mem>>)
      %dma_wait3A_143 = tpu.memref_slice %arg3[%run_scoped3A, %mul3A_4] : memref<2x320000xi32, #tpu.memory_space<hbm>> -> memref<1x9984xi32, #tpu.memory_space<hbm>>
      %dma_wait3A_144 = tpu.memref_squeeze %dma_wait3A_143 : memref<1x9984xi32, #tpu.memory_space<hbm>> -> memref<9984xi32, #tpu.memory_space<hbm>>
      %dma_wait3A_145 = tpu.memref_slice %arg3[%run_scoped3A, %mul3A_4] : memref<2x320000xi32, #tpu.memory_space<hbm>> -> memref<1x9984xi32, #tpu.memory_space<hbm>>
      %dma_wait3A_146 = tpu.memref_squeeze %dma_wait3A_145 : memref<1x9984xi32, #tpu.memory_space<hbm>> -> memref<9984xi32, #tpu.memory_space<hbm>>
      tpu.wait_dma2 semaphore(%run_scoped3A_138 : memref<!tpu.dma_semaphore, #tpu.memory_space<semaphore_mem>>) src(%dma_wait3A_146 : memref<9984xi32, #tpu.memory_space<hbm>>) dst(%arg6 : memref<9984xi32, #tpu.memory_space<vmem>>)
      tpu.yield
    }) : () -> ()
    %run_scoped3A_5 = arith.constant 1 : i32
    "tpu.region"() ({
      %run_scoped3A_138 = tpu.sem_alloc : memref<!tpu.dma_semaphore, #tpu.memory_space<semaphore_mem>>
      %dma_start3A_139 = tpu.memref_slice %arg3[%run_scoped3A_5, %mul3A_4] : memref<2x320000xi32, #tpu.memory_space<hbm>> -> memref<1x9984xi32, #tpu.memory_space<hbm>>
      %dma_start3A_140 = tpu.memref_squeeze %dma_start3A_139 : memref<1x9984xi32, #tpu.memory_space<hbm>> -> memref<9984xi32, #tpu.memory_space<hbm>>
      %dma_start3A_141 = tpu.memref_slice %arg3[%run_scoped3A_5, %mul3A_4] : memref<2x320000xi32, #tpu.memory_space<hbm>> -> memref<1x9984xi32, #tpu.memory_space<hbm>>
      %dma_start3A_142 = tpu.memref_squeeze %dma_start3A_141 : memref<1x9984xi32, #tpu.memory_space<hbm>> -> memref<9984xi32, #tpu.memory_space<hbm>>
      tpu.enqueue_dma source(%dma_start3A_142 : memref<9984xi32, #tpu.memory_space<hbm>>) target(%arg7 : memref<9984xi32, #tpu.memory_space<vmem>>) target_semaphore(%run_scoped3A_138 : memref<!tpu.dma_semaphore, #tpu.memory_space<semaphore_mem>>)
      %dma_wait3A_143 = tpu.memref_slice %arg3[%run_scoped3A_5, %mul3A_4] : memref<2x320000xi32, #tpu.memory_space<hbm>> -> memref<1x9984xi32, #tpu.memory_space<hbm>>
      %dma_wait3A_144 = tpu.memref_squeeze %dma_wait3A_143 : memref<1x9984xi32, #tpu.memory_space<hbm>> -> memref<9984xi32, #tpu.memory_space<hbm>>
      %dma_wait3A_145 = tpu.memref_slice %arg3[%run_scoped3A_5, %mul3A_4] : memref<2x320000xi32, #tpu.memory_space<hbm>> -> memref<1x9984xi32, #tpu.memory_space<hbm>>
      %dma_wait3A_146 = tpu.memref_squeeze %dma_wait3A_145 : memref<1x9984xi32, #tpu.memory_space<hbm>> -> memref<9984xi32, #tpu.memory_space<hbm>>
      tpu.wait_dma2 semaphore(%run_scoped3A_138 : memref<!tpu.dma_semaphore, #tpu.memory_space<semaphore_mem>>) src(%dma_wait3A_146 : memref<9984xi32, #tpu.memory_space<hbm>>) dst(%arg7 : memref<9984xi32, #tpu.memory_space<vmem>>)
      tpu.yield
    }) : () -> ()
    %lt3A = arith.constant 4 : i32
    %lt3A_6 = arith.cmpi slt, %add3A, %lt3A : i32
    %convert_element_type3A = arith.extui %lt3A_6 : i1 to i32
    %cond3A = arith.constant 0 : i32
    %cond3A_7 = arith.cmpi ne, %convert_element_type3A, %cond3A : i32
    scf.if %cond3A_7 {
      %mul3A_138 = arith.constant 128 : i32
      %mul3A_139 = arith.muli %add3A, %mul3A_138 : i32
      %add3A_140 = arith.constant 319488 : i32
      %add3A_141 = arith.addi %add3A_140, %mul3A_139 : i32
      %run_scoped3A_142 = arith.constant 0 : i32
      "tpu.region"() ({
        %run_scoped3A_144 = tpu.sem_alloc : memref<!tpu.dma_semaphore, #tpu.memory_space<semaphore_mem>>
        %dma_start3A_145 = tpu.memref_slice %arg3[%run_scoped3A_142, %add3A_141] : memref<2x320000xi32, #tpu.memory_space<hbm>> -> memref<1x128xi32, #tpu.memory_space<hbm>>
        %dma_start3A_146 = tpu.memref_squeeze %dma_start3A_145 : memref<1x128xi32, #tpu.memory_space<hbm>> -> memref<128xi32, #tpu.memory_space<hbm>>
        %dma_start3A_147 = tpu.memref_slice %arg3[%run_scoped3A_142, %add3A_141] : memref<2x320000xi32, #tpu.memory_space<hbm>> -> memref<1x128xi32, #tpu.memory_space<hbm>>
        %dma_start3A_148 = tpu.memref_squeeze %dma_start3A_147 : memref<1x128xi32, #tpu.memory_space<hbm>> -> memref<128xi32, #tpu.memory_space<hbm>>
        tpu.enqueue_dma source(%dma_start3A_148 : memref<128xi32, #tpu.memory_space<hbm>>) target(%arg8 : memref<128xi32, #tpu.memory_space<vmem>>) target_semaphore(%run_scoped3A_144 : memref<!tpu.dma_semaphore, #tpu.memory_space<semaphore_mem>>)
        %dma_wait3A_149 = tpu.memref_slice %arg3[%run_scoped3A_142, %add3A_141] : memref<2x320000xi32, #tpu.memory_space<hbm>> -> memref<1x128xi32, #tpu.memory_space<hbm>>
        %dma_wait3A_150 = tpu.memref_squeeze %dma_wait3A_149 : memref<1x128xi32, #tpu.memory_space<hbm>> -> memref<128xi32, #tpu.memory_space<hbm>>
        %dma_wait3A_151 = tpu.memref_slice %arg3[%run_scoped3A_142, %add3A_141] : memref<2x320000xi32, #tpu.memory_space<hbm>> -> memref<1x128xi32, #tpu.memory_space<hbm>>
        %dma_wait3A_152 = tpu.memref_squeeze %dma_wait3A_151 : memref<1x128xi32, #tpu.memory_space<hbm>> -> memref<128xi32, #tpu.memory_space<hbm>>
        tpu.wait_dma2 semaphore(%run_scoped3A_144 : memref<!tpu.dma_semaphore, #tpu.memory_space<semaphore_mem>>) src(%dma_wait3A_152 : memref<128xi32, #tpu.memory_space<hbm>>) dst(%arg8 : memref<128xi32, #tpu.memory_space<vmem>>)
        tpu.yield
      }) : () -> ()
      %run_scoped3A_143 = arith.constant 1 : i32
      "tpu.region"() ({
        %run_scoped3A_144 = tpu.sem_alloc : memref<!tpu.dma_semaphore, #tpu.memory_space<semaphore_mem>>
        %dma_start3A_145 = tpu.memref_slice %arg3[%run_scoped3A_143, %add3A_141] : memref<2x320000xi32, #tpu.memory_space<hbm>> -> memref<1x128xi32, #tpu.memory_space<hbm>>
        %dma_start3A_146 = tpu.memref_squeeze %dma_start3A_145 : memref<1x128xi32, #tpu.memory_space<hbm>> -> memref<128xi32, #tpu.memory_space<hbm>>
        %dma_start3A_147 = tpu.memref_slice %arg3[%run_scoped3A_143, %add3A_141] : memref<2x320000xi32, #tpu.memory_space<hbm>> -> memref<1x128xi32, #tpu.memory_space<hbm>>
        %dma_start3A_148 = tpu.memref_squeeze %dma_start3A_147 : memref<1x128xi32, #tpu.memory_space<hbm>> -> memref<128xi32, #tpu.memory_space<hbm>>
        tpu.enqueue_dma source(%dma_start3A_148 : memref<128xi32, #tpu.memory_space<hbm>>) target(%arg9 : memref<128xi32, #tpu.memory_space<vmem>>) target_semaphore(%run_scoped3A_144 : memref<!tpu.dma_semaphore, #tpu.memory_space<semaphore_mem>>)
        %dma_wait3A_149 = tpu.memref_slice %arg3[%run_scoped3A_143, %add3A_141] : memref<2x320000xi32, #tpu.memory_space<hbm>> -> memref<1x128xi32, #tpu.memory_space<hbm>>
        %dma_wait3A_150 = tpu.memref_squeeze %dma_wait3A_149 : memref<1x128xi32, #tpu.memory_space<hbm>> -> memref<128xi32, #tpu.memory_space<hbm>>
        %dma_wait3A_151 = tpu.memref_slice %arg3[%run_scoped3A_143, %add3A_141] : memref<2x320000xi32, #tpu.memory_space<hbm>> -> memref<1x128xi32, #tpu.memory_space<hbm>>
        %dma_wait3A_152 = tpu.memref_squeeze %dma_wait3A_151 : memref<1x128xi32, #tpu.memory_space<hbm>> -> memref<128xi32, #tpu.memory_space<hbm>>
        tpu.wait_dma2 semaphore(%run_scoped3A_144 : memref<!tpu.dma_semaphore, #tpu.memory_space<semaphore_mem>>) src(%dma_wait3A_152 : memref<128xi32, #tpu.memory_space<hbm>>) dst(%arg9 : memref<128xi32, #tpu.memory_space<vmem>>)
        tpu.yield
      }) : () -> ()
    } else {
    }
    "tpu.region"() ({
      %run_scoped3A_138 = tpu.sem_alloc : memref<!tpu.dma_semaphore, #tpu.memory_space<semaphore_mem>>
      %dma_start3A_139 = arith.constant 0 : i32
      %dma_start3A_140 = tpu.memref_slice %arg14[%mul3A_2, %dma_start3A_139] : memref<10240x64xf32, #tpu.memory_space<vmem_shared>> -> memref<640x64xf32, #tpu.memory_space<vmem_shared>>
      %dma_start3A_141 = arith.constant 0 : i32
      %dma_start3A_142 = tpu.memref_slice %arg4[%mul3A_2, %dma_start3A_141] : memref<10240x64xf32, #tpu.memory_space<hbm>> -> memref<640x64xf32, #tpu.memory_space<hbm>>
      tpu.enqueue_dma source(%dma_start3A_142 : memref<640x64xf32, #tpu.memory_space<hbm>>) target(%dma_start3A_140 : memref<640x64xf32, #tpu.memory_space<vmem_shared>>) target_semaphore(%run_scoped3A_138 : memref<!tpu.dma_semaphore, #tpu.memory_space<semaphore_mem>>)
      %dma_wait3A_143 = arith.constant 0 : i32
      %dma_wait3A_144 = tpu.memref_slice %arg14[%mul3A_2, %dma_wait3A_143] : memref<10240x64xf32, #tpu.memory_space<vmem_shared>> -> memref<640x64xf32, #tpu.memory_space<vmem_shared>>
      %dma_wait3A_145 = arith.constant 0 : i32
      %dma_wait3A_146 = tpu.memref_slice %arg4[%mul3A_2, %dma_wait3A_145] : memref<10240x64xf32, #tpu.memory_space<hbm>> -> memref<640x64xf32, #tpu.memory_space<hbm>>
      tpu.wait_dma2 semaphore(%run_scoped3A_138 : memref<!tpu.dma_semaphore, #tpu.memory_space<semaphore_mem>>) src(%dma_wait3A_146 : memref<640x64xf32, #tpu.memory_space<hbm>>) dst(%dma_wait3A_144 : memref<640x64xf32, #tpu.memory_space<vmem_shared>>)
      tpu.yield
    }) : () -> ()
    %barrier3A = arith.constant 0 : index
    tpu.barrier barrier_id(%barrier3A)
    %dma_start3A = arith.constant 0 : i32
    %dma_start3A_8 = tpu.memref_slice %arg6[%dma_start3A] : memref<9984xi32, #tpu.memory_space<vmem>> -> memref<128xi32, #tpu.memory_space<vmem>>
    %dma_start3A_9 = arith.constant 0 : i32
    %dma_start3A_10 = arith.constant 0 : i32
    %dma_start3A_11 = tpu.memref_slice %arg2[%dma_start3A_9, %dma_start3A_10] : memref<10000x64xf32, #tpu.memory_space<hbm>> -> memref<10000x64xf32, #tpu.memory_space<hbm>>
    tpu.enqueue_indirect_dma source(%dma_start3A_11 : memref<10000x64xf32, #tpu.memory_space<hbm>>) target(%arg10 : memref<128x64xf32, #tpu.memory_space<vmem>>) offsets(%dma_start3A_8 : memref<128xi32, #tpu.memory_space<vmem>>) semaphore(%arg15 : memref<!tpu.dma_semaphore, #tpu.memory_space<semaphore_mem>>)
    %dma_start3A_12 = arith.constant 128 : i32
    %dma_start3A_13 = tpu.memref_slice %arg6[%dma_start3A_12] : memref<9984xi32, #tpu.memory_space<vmem>> -> memref<128xi32, #tpu.memory_space<vmem>>
    %dma_start3A_14 = arith.constant 0 : i32
    %dma_start3A_15 = arith.constant 0 : i32
    %dma_start3A_16 = tpu.memref_slice %arg2[%dma_start3A_14, %dma_start3A_15] : memref<10000x64xf32, #tpu.memory_space<hbm>> -> memref<10000x64xf32, #tpu.memory_space<hbm>>
    tpu.enqueue_indirect_dma source(%dma_start3A_16 : memref<10000x64xf32, #tpu.memory_space<hbm>>) target(%arg11 : memref<128x64xf32, #tpu.memory_space<vmem>>) offsets(%dma_start3A_13 : memref<128xi32, #tpu.memory_space<vmem>>) semaphore(%arg16 : memref<!tpu.dma_semaphore, #tpu.memory_space<semaphore_mem>>)
    %dma_start3A_17 = arith.constant 256 : i32
    %dma_start3A_18 = tpu.memref_slice %arg6[%dma_start3A_17] : memref<9984xi32, #tpu.memory_space<vmem>> -> memref<128xi32, #tpu.memory_space<vmem>>
    %dma_start3A_19 = arith.constant 0 : i32
    %dma_start3A_20 = arith.constant 0 : i32
    %dma_start3A_21 = tpu.memref_slice %arg2[%dma_start3A_19, %dma_start3A_20] : memref<10000x64xf32, #tpu.memory_space<hbm>> -> memref<10000x64xf32, #tpu.memory_space<hbm>>
    tpu.enqueue_indirect_dma source(%dma_start3A_21 : memref<10000x64xf32, #tpu.memory_space<hbm>>) target(%arg12 : memref<128x64xf32, #tpu.memory_space<vmem>>) offsets(%dma_start3A_18 : memref<128xi32, #tpu.memory_space<vmem>>) semaphore(%arg17 : memref<!tpu.dma_semaphore, #tpu.memory_space<semaphore_mem>>)
    %dma_start3A_22 = arith.constant 384 : i32
    %dma_start3A_23 = tpu.memref_slice %arg6[%dma_start3A_22] : memref<9984xi32, #tpu.memory_space<vmem>> -> memref<128xi32, #tpu.memory_space<vmem>>
    %dma_start3A_24 = arith.constant 0 : i32
    %dma_start3A_25 = arith.constant 0 : i32
    %dma_start3A_26 = tpu.memref_slice %arg2[%dma_start3A_24, %dma_start3A_25] : memref<10000x64xf32, #tpu.memory_space<hbm>> -> memref<10000x64xf32, #tpu.memory_space<hbm>>
    tpu.enqueue_indirect_dma source(%dma_start3A_26 : memref<10000x64xf32, #tpu.memory_space<hbm>>) target(%arg13 : memref<128x64xf32, #tpu.memory_space<vmem>>) offsets(%dma_start3A_23 : memref<128xi32, #tpu.memory_space<vmem>>) semaphore(%arg18 : memref<!tpu.dma_semaphore, #tpu.memory_space<semaphore_mem>>)
    %scan3A = arith.constant 0 : i32
    %scan3A_27 = arith.constant 0 : i32
    %scan3A_28 = arith.constant 18 : i32
    %scan3A_29 = arith.addi %scan3A_27, %scan3A_28 : i32
    %scan3A_30 = arith.constant 1 : i32
    %scan3A_31 = scf.for %scan3A_138 = %scan3A_27 to %scan3A_29 step %scan3A_30 iter_args(%scan3A_139 = %scan3A) -> (i32)  : i32 {
      %mul3A_140 = arith.constant 4 : i32
      %mul3A_141 = arith.muli %scan3A_138, %mul3A_140 : i32
      %dma_wait3A_142 = arith.constant 0 : i32
      %dma_wait3A_143 = tpu.memref_slice %arg6[%dma_wait3A_142] : memref<9984xi32, #tpu.memory_space<vmem>> -> memref<128xi32, #tpu.memory_space<vmem>>
      %dma_wait3A_144 = arith.constant 0 : i32
      %dma_wait3A_145 = arith.constant 0 : i32
      %dma_wait3A_146 = tpu.memref_slice %arg2[%dma_wait3A_144, %dma_wait3A_145] : memref<10000x64xf32, #tpu.memory_space<hbm>> -> memref<10000x64xf32, #tpu.memory_space<hbm>>
      tpu.wait_indirect_dma semaphore(%arg15 : memref<!tpu.dma_semaphore, #tpu.memory_space<semaphore_mem>>) src(%dma_wait3A_146 : memref<10000x64xf32, #tpu.memory_space<hbm>>) dst(%arg10 : memref<128x64xf32, #tpu.memory_space<vmem>>)
      %add3A_147 = arith.constant 0 : i32
      %add3A_148 = arith.addi %mul3A_141, %add3A_147 : i32
      %mul3A_149 = arith.constant 128 : i32
      %mul3A_150 = arith.muli %add3A_148, %mul3A_149 : i32
      %dma_start3A_151 = tpu.memref_slice %arg7[%mul3A_150] : memref<9984xi32, #tpu.memory_space<vmem>> -> memref<128xi32, #tpu.memory_space<vmem>>
      %dma_start3A_152 = arith.constant 0 : i32
      %dma_start3A_153 = arith.constant 0 : i32
      %dma_start3A_154 = tpu.memref_slice %arg14[%dma_start3A_152, %dma_start3A_153] : memref<10240x64xf32, #tpu.memory_space<vmem_shared>> -> memref<10240x64xf32, #tpu.memory_space<vmem_shared>>
      tpu.enqueue_indirect_dma source(%arg10 : memref<128x64xf32, #tpu.memory_space<vmem>>) target(%dma_start3A_154 : memref<10240x64xf32, #tpu.memory_space<vmem_shared>>) offsets(%dma_start3A_151 : memref<128xi32, #tpu.memory_space<vmem>>) semaphore(%arg19 : memref<!tpu.dma_semaphore, #tpu.memory_space<semaphore_mem>>) {add = true}
      %dma_wait3A_155 = arith.constant 0 : i32
      %dma_wait3A_156 = tpu.memref_slice %arg6[%dma_wait3A_155] : memref<9984xi32, #tpu.memory_space<vmem>> -> memref<128xi32, #tpu.memory_space<vmem>>
      %dma_wait3A_157 = arith.constant 0 : i32
      %dma_wait3A_158 = arith.constant 0 : i32
      %dma_wait3A_159 = tpu.memref_slice %arg2[%dma_wait3A_157, %dma_wait3A_158] : memref<10000x64xf32, #tpu.memory_space<hbm>> -> memref<10000x64xf32, #tpu.memory_space<hbm>>
      tpu.wait_indirect_dma semaphore(%arg16 : memref<!tpu.dma_semaphore, #tpu.memory_space<semaphore_mem>>) src(%dma_wait3A_159 : memref<10000x64xf32, #tpu.memory_space<hbm>>) dst(%arg11 : memref<128x64xf32, #tpu.memory_space<vmem>>)
      %add3A_160 = arith.constant 1 : i32
      %add3A_161 = arith.addi %mul3A_141, %add3A_160 : i32
      %mul3A_162 = arith.constant 128 : i32
      %mul3A_163 = arith.muli %add3A_161, %mul3A_162 : i32
      %dma_start3A_164 = tpu.memref_slice %arg7[%mul3A_163] : memref<9984xi32, #tpu.memory_space<vmem>> -> memref<128xi32, #tpu.memory_space<vmem>>
      %dma_start3A_165 = arith.constant 0 : i32
      %dma_start3A_166 = arith.constant 0 : i32
      %dma_start3A_167 = tpu.memref_slice %arg14[%dma_start3A_165, %dma_start3A_166] : memref<10240x64xf32, #tpu.memory_space<vmem_shared>> -> memref<10240x64xf32, #tpu.memory_space<vmem_shared>>
      tpu.enqueue_indirect_dma source(%arg11 : memref<128x64xf32, #tpu.memory_space<vmem>>) target(%dma_start3A_167 : memref<10240x64xf32, #tpu.memory_space<vmem_shared>>) offsets(%dma_start3A_164 : memref<128xi32, #tpu.memory_space<vmem>>) semaphore(%arg20 : memref<!tpu.dma_semaphore, #tpu.memory_space<semaphore_mem>>) {add = true}
      %dma_wait3A_168 = arith.constant 0 : i32
      %dma_wait3A_169 = tpu.memref_slice %arg6[%dma_wait3A_168] : memref<9984xi32, #tpu.memory_space<vmem>> -> memref<128xi32, #tpu.memory_space<vmem>>
      %dma_wait3A_170 = arith.constant 0 : i32
      %dma_wait3A_171 = arith.constant 0 : i32
      %dma_wait3A_172 = tpu.memref_slice %arg2[%dma_wait3A_170, %dma_wait3A_171] : memref<10000x64xf32, #tpu.memory_space<hbm>> -> memref<10000x64xf32, #tpu.memory_space<hbm>>
      tpu.wait_indirect_dma semaphore(%arg17 : memref<!tpu.dma_semaphore, #tpu.memory_space<semaphore_mem>>) src(%dma_wait3A_172 : memref<10000x64xf32, #tpu.memory_space<hbm>>) dst(%arg12 : memref<128x64xf32, #tpu.memory_space<vmem>>)
      %add3A_173 = arith.constant 2 : i32
      %add3A_174 = arith.addi %mul3A_141, %add3A_173 : i32
      %mul3A_175 = arith.constant 128 : i32
      %mul3A_176 = arith.muli %add3A_174, %mul3A_175 : i32
      %dma_start3A_177 = tpu.memref_slice %arg7[%mul3A_176] : memref<9984xi32, #tpu.memory_space<vmem>> -> memref<128xi32, #tpu.memory_space<vmem>>
      %dma_start3A_178 = arith.constant 0 : i32
      %dma_start3A_179 = arith.constant 0 : i32
      %dma_start3A_180 = tpu.memref_slice %arg14[%dma_start3A_178, %dma_start3A_179] : memref<10240x64xf32, #tpu.memory_space<vmem_shared>> -> memref<10240x64xf32, #tpu.memory_space<vmem_shared>>
      tpu.enqueue_indirect_dma source(%arg12 : memref<128x64xf32, #tpu.memory_space<vmem>>) target(%dma_start3A_180 : memref<10240x64xf32, #tpu.memory_space<vmem_shared>>) offsets(%dma_start3A_177 : memref<128xi32, #tpu.memory_space<vmem>>) semaphore(%arg21 : memref<!tpu.dma_semaphore, #tpu.memory_space<semaphore_mem>>) {add = true}
      %dma_wait3A_181 = arith.constant 0 : i32
      %dma_wait3A_182 = tpu.memref_slice %arg6[%dma_wait3A_181] : memref<9984xi32, #tpu.memory_space<vmem>> -> memref<128xi32, #tpu.memory_space<vmem>>
      %dma_wait3A_183 = arith.constant 0 : i32
      %dma_wait3A_184 = arith.constant 0 : i32
      %dma_wait3A_185 = tpu.memref_slice %arg2[%dma_wait3A_183, %dma_wait3A_184] : memref<10000x64xf32, #tpu.memory_space<hbm>> -> memref<10000x64xf32, #tpu.memory_space<hbm>>
      tpu.wait_indirect_dma semaphore(%arg18 : memref<!tpu.dma_semaphore, #tpu.memory_space<semaphore_mem>>) src(%dma_wait3A_185 : memref<10000x64xf32, #tpu.memory_space<hbm>>) dst(%arg13 : memref<128x64xf32, #tpu.memory_space<vmem>>)
      %add3A_186 = arith.constant 3 : i32
      %add3A_187 = arith.addi %mul3A_141, %add3A_186 : i32
      %mul3A_188 = arith.constant 128 : i32
      %mul3A_189 = arith.muli %add3A_187, %mul3A_188 : i32
      %dma_start3A_190 = tpu.memref_slice %arg7[%mul3A_189] : memref<9984xi32, #tpu.memory_space<vmem>> -> memref<128xi32, #tpu.memory_space<vmem>>
      %dma_start3A_191 = arith.constant 0 : i32
      %dma_start3A_192 = arith.constant 0 : i32
      %dma_start3A_193 = tpu.memref_slice %arg14[%dma_start3A_191, %dma_start3A_192] : memref<10240x64xf32, #tpu.memory_space<vmem_shared>> -> memref<10240x64xf32, #tpu.memory_space<vmem_shared>>
      tpu.enqueue_indirect_dma source(%arg13 : memref<128x64xf32, #tpu.memory_space<vmem>>) target(%dma_start3A_193 : memref<10240x64xf32, #tpu.memory_space<vmem_shared>>) offsets(%dma_start3A_190 : memref<128xi32, #tpu.memory_space<vmem>>) semaphore(%arg22 : memref<!tpu.dma_semaphore, #tpu.memory_space<semaphore_mem>>) {add = true}
      %dma_wait3A_194 = arith.constant 0 : i32
      %dma_wait3A_195 = tpu.memref_slice %arg7[%dma_wait3A_194] : memref<9984xi32, #tpu.memory_space<vmem>> -> memref<128xi32, #tpu.memory_space<vmem>>
      %dma_wait3A_196 = arith.constant 0 : i32
      %dma_wait3A_197 = arith.constant 0 : i32
      %dma_wait3A_198 = tpu.memref_slice %arg14[%dma_wait3A_196, %dma_wait3A_197] : memref<10240x64xf32, #tpu.memory_space<vmem_shared>> -> memref<10240x64xf32, #tpu.memory_space<vmem_shared>>
      tpu.wait_indirect_dma semaphore(%arg19 : memref<!tpu.dma_semaphore, #tpu.memory_space<semaphore_mem>>) src(%arg10 : memref<128x64xf32, #tpu.memory_space<vmem>>) dst(%dma_wait3A_198 : memref<10240x64xf32, #tpu.memory_space<vmem_shared>>)
      %add3A_199 = arith.constant 4 : i32
      %add3A_200 = arith.addi %mul3A_141, %add3A_199 : i32
      %add3A_201 = arith.constant 0 : i32
      %add3A_202 = arith.addi %add3A_200, %add3A_201 : i32
      %mul3A_203 = arith.constant 128 : i32
      %mul3A_204 = arith.muli %add3A_202, %mul3A_203 : i32
      %dma_start3A_205 = tpu.memref_slice %arg6[%mul3A_204] : memref<9984xi32, #tpu.memory_space<vmem>> -> memref<128xi32, #tpu.memory_space<vmem>>
      %dma_start3A_206 = arith.constant 0 : i32
      %dma_start3A_207 = arith.constant 0 : i32
      %dma_start3A_208 = tpu.memref_slice %arg2[%dma_start3A_206, %dma_start3A_207] : memref<10000x64xf32, #tpu.memory_space<hbm>> -> memref<10000x64xf32, #tpu.memory_space<hbm>>
      tpu.enqueue_indirect_dma source(%dma_start3A_208 : memref<10000x64xf32, #tpu.memory_space<hbm>>) target(%arg10 : memref<128x64xf32, #tpu.memory_space<vmem>>) offsets(%dma_start3A_205 : memref<128xi32, #tpu.memory_space<vmem>>) semaphore(%arg15 : memref<!tpu.dma_semaphore, #tpu.memory_space<semaphore_mem>>)
      %dma_wait3A_209 = arith.constant 0 : i32
      %dma_wait3A_210 = tpu.memref_slice %arg7[%dma_wait3A_209] : memref<9984xi32, #tpu.memory_space<vmem>> -> memref<128xi32, #tpu.memory_space<vmem>>
      %dma_wait3A_211 = arith.constant 0 : i32
      %dma_wait3A_212 = arith.constant 0 : i32
      %dma_wait3A_213 = tpu.memref_slice %arg14[%dma_wait3A_211, %dma_wait3A_212] : memref<10240x64xf32, #tpu.memory_space<vmem_shared>> -> memref<10240x64xf32, #tpu.memory_space<vmem_shared>>
      tpu.wait_indirect_dma semaphore(%arg20 : memref<!tpu.dma_semaphore, #tpu.memory_space<semaphore_mem>>) src(%arg11 : memref<128x64xf32, #tpu.memory_space<vmem>>) dst(%dma_wait3A_213 : memref<10240x64xf32, #tpu.memory_space<vmem_shared>>)
      %add3A_214 = arith.constant 4 : i32
      %add3A_215 = arith.addi %mul3A_141, %add3A_214 : i32
      %add3A_216 = arith.constant 1 : i32
      %add3A_217 = arith.addi %add3A_215, %add3A_216 : i32
      %mul3A_218 = arith.constant 128 : i32
      %mul3A_219 = arith.muli %add3A_217, %mul3A_218 : i32
      %dma_start3A_220 = tpu.memref_slice %arg6[%mul3A_219] : memref<9984xi32, #tpu.memory_space<vmem>> -> memref<128xi32, #tpu.memory_space<vmem>>
      %dma_start3A_221 = arith.constant 0 : i32
      %dma_start3A_222 = arith.constant 0 : i32
      %dma_start3A_223 = tpu.memref_slice %arg2[%dma_start3A_221, %dma_start3A_222] : memref<10000x64xf32, #tpu.memory_space<hbm>> -> memref<10000x64xf32, #tpu.memory_space<hbm>>
      tpu.enqueue_indirect_dma source(%dma_start3A_223 : memref<10000x64xf32, #tpu.memory_space<hbm>>) target(%arg11 : memref<128x64xf32, #tpu.memory_space<vmem>>) offsets(%dma_start3A_220 : memref<128xi32, #tpu.memory_space<vmem>>) semaphore(%arg16 : memref<!tpu.dma_semaphore, #tpu.memory_space<semaphore_mem>>)
      %dma_wait3A_224 = arith.constant 0 : i32
      %dma_wait3A_225 = tpu.memref_slice %arg7[%dma_wait3A_224] : memref<9984xi32, #tpu.memory_space<vmem>> -> memref<128xi32, #tpu.memory_space<vmem>>
      %dma_wait3A_226 = arith.constant 0 : i32
      %dma_wait3A_227 = arith.constant 0 : i32
      %dma_wait3A_228 = tpu.memref_slice %arg14[%dma_wait3A_226, %dma_wait3A_227] : memref<10240x64xf32, #tpu.memory_space<vmem_shared>> -> memref<10240x64xf32, #tpu.memory_space<vmem_shared>>
      tpu.wait_indirect_dma semaphore(%arg21 : memref<!tpu.dma_semaphore, #tpu.memory_space<semaphore_mem>>) src(%arg12 : memref<128x64xf32, #tpu.memory_space<vmem>>) dst(%dma_wait3A_228 : memref<10240x64xf32, #tpu.memory_space<vmem_shared>>)
      %add3A_229 = arith.constant 4 : i32
      %add3A_230 = arith.addi %mul3A_141, %add3A_229 : i32
      %add3A_231 = arith.constant 2 : i32
      %add3A_232 = arith.addi %add3A_230, %add3A_231 : i32
      %mul3A_233 = arith.constant 128 : i32
      %mul3A_234 = arith.muli %add3A_232, %mul3A_233 : i32
      %dma_start3A_235 = tpu.memref_slice %arg6[%mul3A_234] : memref<9984xi32, #tpu.memory_space<vmem>> -> memref<128xi32, #tpu.memory_space<vmem>>
      %dma_start3A_236 = arith.constant 0 : i32
      %dma_start3A_237 = arith.constant 0 : i32
      %dma_start3A_238 = tpu.memref_slice %arg2[%dma_start3A_236, %dma_start3A_237] : memref<10000x64xf32, #tpu.memory_space<hbm>> -> memref<10000x64xf32, #tpu.memory_space<hbm>>
      tpu.enqueue_indirect_dma source(%dma_start3A_238 : memref<10000x64xf32, #tpu.memory_space<hbm>>) target(%arg12 : memref<128x64xf32, #tpu.memory_space<vmem>>) offsets(%dma_start3A_235 : memref<128xi32, #tpu.memory_space<vmem>>) semaphore(%arg17 : memref<!tpu.dma_semaphore, #tpu.memory_space<semaphore_mem>>)
      %dma_wait3A_239 = arith.constant 0 : i32
      %dma_wait3A_240 = tpu.memref_slice %arg7[%dma_wait3A_239] : memref<9984xi32, #tpu.memory_space<vmem>> -> memref<128xi32, #tpu.memory_space<vmem>>
      %dma_wait3A_241 = arith.constant 0 : i32
      %dma_wait3A_242 = arith.constant 0 : i32
      %dma_wait3A_243 = tpu.memref_slice %arg14[%dma_wait3A_241, %dma_wait3A_242] : memref<10240x64xf32, #tpu.memory_space<vmem_shared>> -> memref<10240x64xf32, #tpu.memory_space<vmem_shared>>
      tpu.wait_indirect_dma semaphore(%arg22 : memref<!tpu.dma_semaphore, #tpu.memory_space<semaphore_mem>>) src(%arg13 : memref<128x64xf32, #tpu.memory_space<vmem>>) dst(%dma_wait3A_243 : memref<10240x64xf32, #tpu.memory_space<vmem_shared>>)
      %add3A_244 = arith.constant 4 : i32
      %add3A_245 = arith.addi %mul3A_141, %add3A_244 : i32
      %add3A_246 = arith.constant 3 : i32
      %add3A_247 = arith.addi %add3A_245, %add3A_246 : i32
      %mul3A_248 = arith.constant 128 : i32
      %mul3A_249 = arith.muli %add3A_247, %mul3A_248 : i32
      %dma_start3A_250 = tpu.memref_slice %arg6[%mul3A_249] : memref<9984xi32, #tpu.memory_space<vmem>> -> memref<128xi32, #tpu.memory_space<vmem>>
      %dma_start3A_251 = arith.constant 0 : i32
      %dma_start3A_252 = arith.constant 0 : i32
      %dma_start3A_253 = tpu.memref_slice %arg2[%dma_start3A_251, %dma_start3A_252] : memref<10000x64xf32, #tpu.memory_space<hbm>> -> memref<10000x64xf32, #tpu.memory_space<hbm>>
      tpu.enqueue_indirect_dma source(%dma_start3A_253 : memref<10000x64xf32, #tpu.memory_space<hbm>>) target(%arg13 : memref<128x64xf32, #tpu.memory_space<vmem>>) offsets(%dma_start3A_250 : memref<128xi32, #tpu.memory_space<vmem>>) semaphore(%arg18 : memref<!tpu.dma_semaphore, #tpu.memory_space<semaphore_mem>>)
      %scan3A_254 = arith.constant 0 : i32
      scf.yield %scan3A_254 : i32
    }
    %scan3A_32 = arith.constant 18 : i32
    %dma_wait3A = arith.constant 0 : i32
    %dma_wait3A_33 = tpu.memref_slice %arg6[%dma_wait3A] : memref<9984xi32, #tpu.memory_space<vmem>> -> memref<128xi32, #tpu.memory_space<vmem>>
    %dma_wait3A_34 = arith.constant 0 : i32
    %dma_wait3A_35 = arith.constant 0 : i32
    %dma_wait3A_36 = tpu.memref_slice %arg2[%dma_wait3A_34, %dma_wait3A_35] : memref<10000x64xf32, #tpu.memory_space<hbm>> -> memref<10000x64xf32, #tpu.memory_space<hbm>>
    tpu.wait_indirect_dma semaphore(%arg15 : memref<!tpu.dma_semaphore, #tpu.memory_space<semaphore_mem>>) src(%dma_wait3A_36 : memref<10000x64xf32, #tpu.memory_space<hbm>>) dst(%arg10 : memref<128x64xf32, #tpu.memory_space<vmem>>)
    %dma_start3A_37 = arith.constant 9216 : i32
    %dma_start3A_38 = tpu.memref_slice %arg7[%dma_start3A_37] : memref<9984xi32, #tpu.memory_space<vmem>> -> memref<128xi32, #tpu.memory_space<vmem>>
    %dma_start3A_39 = arith.constant 0 : i32
    %dma_start3A_40 = arith.constant 0 : i32
    %dma_start3A_41 = tpu.memref_slice %arg14[%dma_start3A_39, %dma_start3A_40] : memref<10240x64xf32, #tpu.memory_space<vmem_shared>> -> memref<10240x64xf32, #tpu.memory_space<vmem_shared>>
    tpu.enqueue_indirect_dma source(%arg10 : memref<128x64xf32, #tpu.memory_space<vmem>>) target(%dma_start3A_41 : memref<10240x64xf32, #tpu.memory_space<vmem_shared>>) offsets(%dma_start3A_38 : memref<128xi32, #tpu.memory_space<vmem>>) semaphore(%arg19 : memref<!tpu.dma_semaphore, #tpu.memory_space<semaphore_mem>>) {add = true}
    %dma_wait3A_42 = arith.constant 0 : i32
    %dma_wait3A_43 = tpu.memref_slice %arg6[%dma_wait3A_42] : memref<9984xi32, #tpu.memory_space<vmem>> -> memref<128xi32, #tpu.memory_space<vmem>>
    %dma_wait3A_44 = arith.constant 0 : i32
    %dma_wait3A_45 = arith.constant 0 : i32
    %dma_wait3A_46 = tpu.memref_slice %arg2[%dma_wait3A_44, %dma_wait3A_45] : memref<10000x64xf32, #tpu.memory_space<hbm>> -> memref<10000x64xf32, #tpu.memory_space<hbm>>
    tpu.wait_indirect_dma semaphore(%arg16 : memref<!tpu.dma_semaphore, #tpu.memory_space<semaphore_mem>>) src(%dma_wait3A_46 : memref<10000x64xf32, #tpu.memory_space<hbm>>) dst(%arg11 : memref<128x64xf32, #tpu.memory_space<vmem>>)
    %dma_start3A_47 = arith.constant 9344 : i32
    %dma_start3A_48 = tpu.memref_slice %arg7[%dma_start3A_47] : memref<9984xi32, #tpu.memory_space<vmem>> -> memref<128xi32, #tpu.memory_space<vmem>>
    %dma_start3A_49 = arith.constant 0 : i32
    %dma_start3A_50 = arith.constant 0 : i32
    %dma_start3A_51 = tpu.memref_slice %arg14[%dma_start3A_49, %dma_start3A_50] : memref<10240x64xf32, #tpu.memory_space<vmem_shared>> -> memref<10240x64xf32, #tpu.memory_space<vmem_shared>>
    tpu.enqueue_indirect_dma source(%arg11 : memref<128x64xf32, #tpu.memory_space<vmem>>) target(%dma_start3A_51 : memref<10240x64xf32, #tpu.memory_space<vmem_shared>>) offsets(%dma_start3A_48 : memref<128xi32, #tpu.memory_space<vmem>>) semaphore(%arg20 : memref<!tpu.dma_semaphore, #tpu.memory_space<semaphore_mem>>) {add = true}
    %dma_wait3A_52 = arith.constant 0 : i32
    %dma_wait3A_53 = tpu.memref_slice %arg6[%dma_wait3A_52] : memref<9984xi32, #tpu.memory_space<vmem>> -> memref<128xi32, #tpu.memory_space<vmem>>
    %dma_wait3A_54 = arith.constant 0 : i32
    %dma_wait3A_55 = arith.constant 0 : i32
    %dma_wait3A_56 = tpu.memref_slice %arg2[%dma_wait3A_54, %dma_wait3A_55] : memref<10000x64xf32, #tpu.memory_space<hbm>> -> memref<10000x64xf32, #tpu.memory_space<hbm>>
    tpu.wait_indirect_dma semaphore(%arg17 : memref<!tpu.dma_semaphore, #tpu.memory_space<semaphore_mem>>) src(%dma_wait3A_56 : memref<10000x64xf32, #tpu.memory_space<hbm>>) dst(%arg12 : memref<128x64xf32, #tpu.memory_space<vmem>>)
    %dma_start3A_57 = arith.constant 9472 : i32
    %dma_start3A_58 = tpu.memref_slice %arg7[%dma_start3A_57] : memref<9984xi32, #tpu.memory_space<vmem>> -> memref<128xi32, #tpu.memory_space<vmem>>
    %dma_start3A_59 = arith.constant 0 : i32
    %dma_start3A_60 = arith.constant 0 : i32
    %dma_start3A_61 = tpu.memref_slice %arg14[%dma_start3A_59, %dma_start3A_60] : memref<10240x64xf32, #tpu.memory_space<vmem_shared>> -> memref<10240x64xf32, #tpu.memory_space<vmem_shared>>
    tpu.enqueue_indirect_dma source(%arg12 : memref<128x64xf32, #tpu.memory_space<vmem>>) target(%dma_start3A_61 : memref<10240x64xf32, #tpu.memory_space<vmem_shared>>) offsets(%dma_start3A_58 : memref<128xi32, #tpu.memory_space<vmem>>) semaphore(%arg21 : memref<!tpu.dma_semaphore, #tpu.memory_space<semaphore_mem>>) {add = true}
    %dma_wait3A_62 = arith.constant 0 : i32
    %dma_wait3A_63 = tpu.memref_slice %arg6[%dma_wait3A_62] : memref<9984xi32, #tpu.memory_space<vmem>> -> memref<128xi32, #tpu.memory_space<vmem>>
    %dma_wait3A_64 = arith.constant 0 : i32
    %dma_wait3A_65 = arith.constant 0 : i32
    %dma_wait3A_66 = tpu.memref_slice %arg2[%dma_wait3A_64, %dma_wait3A_65] : memref<10000x64xf32, #tpu.memory_space<hbm>> -> memref<10000x64xf32, #tpu.memory_space<hbm>>
    tpu.wait_indirect_dma semaphore(%arg18 : memref<!tpu.dma_semaphore, #tpu.memory_space<semaphore_mem>>) src(%dma_wait3A_66 : memref<10000x64xf32, #tpu.memory_space<hbm>>) dst(%arg13 : memref<128x64xf32, #tpu.memory_space<vmem>>)
    %dma_start3A_67 = arith.constant 9600 : i32
    %dma_start3A_68 = tpu.memref_slice %arg7[%dma_start3A_67] : memref<9984xi32, #tpu.memory_space<vmem>> -> memref<128xi32, #tpu.memory_space<vmem>>
    %dma_start3A_69 = arith.constant 0 : i32
    %dma_start3A_70 = arith.constant 0 : i32
    %dma_start3A_71 = tpu.memref_slice %arg14[%dma_start3A_69, %dma_start3A_70] : memref<10240x64xf32, #tpu.memory_space<vmem_shared>> -> memref<10240x64xf32, #tpu.memory_space<vmem_shared>>
    tpu.enqueue_indirect_dma source(%arg13 : memref<128x64xf32, #tpu.memory_space<vmem>>) target(%dma_start3A_71 : memref<10240x64xf32, #tpu.memory_space<vmem_shared>>) offsets(%dma_start3A_68 : memref<128xi32, #tpu.memory_space<vmem>>) semaphore(%arg22 : memref<!tpu.dma_semaphore, #tpu.memory_space<semaphore_mem>>) {add = true}
    %dma_wait3A_72 = arith.constant 0 : i32
    %dma_wait3A_73 = tpu.memref_slice %arg7[%dma_wait3A_72] : memref<9984xi32, #tpu.memory_space<vmem>> -> memref<128xi32, #tpu.memory_space<vmem>>
    %dma_wait3A_74 = arith.constant 0 : i32
    %dma_wait3A_75 = arith.constant 0 : i32
    %dma_wait3A_76 = tpu.memref_slice %arg14[%dma_wait3A_74, %dma_wait3A_75] : memref<10240x64xf32, #tpu.memory_space<vmem_shared>> -> memref<10240x64xf32, #tpu.memory_space<vmem_shared>>
    tpu.wait_indirect_dma semaphore(%arg19 : memref<!tpu.dma_semaphore, #tpu.memory_space<semaphore_mem>>) src(%arg10 : memref<128x64xf32, #tpu.memory_space<vmem>>) dst(%dma_wait3A_76 : memref<10240x64xf32, #tpu.memory_space<vmem_shared>>)
    %dma_start3A_77 = arith.constant 9728 : i32
    %dma_start3A_78 = tpu.memref_slice %arg6[%dma_start3A_77] : memref<9984xi32, #tpu.memory_space<vmem>> -> memref<128xi32, #tpu.memory_space<vmem>>
    %dma_start3A_79 = arith.constant 0 : i32
    %dma_start3A_80 = arith.constant 0 : i32
    %dma_start3A_81 = tpu.memref_slice %arg2[%dma_start3A_79, %dma_start3A_80] : memref<10000x64xf32, #tpu.memory_space<hbm>> -> memref<10000x64xf32, #tpu.memory_space<hbm>>
    tpu.enqueue_indirect_dma source(%dma_start3A_81 : memref<10000x64xf32, #tpu.memory_space<hbm>>) target(%arg10 : memref<128x64xf32, #tpu.memory_space<vmem>>) offsets(%dma_start3A_78 : memref<128xi32, #tpu.memory_space<vmem>>) semaphore(%arg15 : memref<!tpu.dma_semaphore, #tpu.memory_space<semaphore_mem>>)
    %dma_wait3A_82 = arith.constant 0 : i32
    %dma_wait3A_83 = tpu.memref_slice %arg7[%dma_wait3A_82] : memref<9984xi32, #tpu.memory_space<vmem>> -> memref<128xi32, #tpu.memory_space<vmem>>
    %dma_wait3A_84 = arith.constant 0 : i32
    %dma_wait3A_85 = arith.constant 0 : i32
    %dma_wait3A_86 = tpu.memref_slice %arg14[%dma_wait3A_84, %dma_wait3A_85] : memref<10240x64xf32, #tpu.memory_space<vmem_shared>> -> memref<10240x64xf32, #tpu.memory_space<vmem_shared>>
    tpu.wait_indirect_dma semaphore(%arg20 : memref<!tpu.dma_semaphore, #tpu.memory_space<semaphore_mem>>) src(%arg11 : memref<128x64xf32, #tpu.memory_space<vmem>>) dst(%dma_wait3A_86 : memref<10240x64xf32, #tpu.memory_space<vmem_shared>>)
    %dma_start3A_87 = arith.constant 9856 : i32
    %dma_start3A_88 = tpu.memref_slice %arg6[%dma_start3A_87] : memref<9984xi32, #tpu.memory_space<vmem>> -> memref<128xi32, #tpu.memory_space<vmem>>
    %dma_start3A_89 = arith.constant 0 : i32
    %dma_start3A_90 = arith.constant 0 : i32
    %dma_start3A_91 = tpu.memref_slice %arg2[%dma_start3A_89, %dma_start3A_90] : memref<10000x64xf32, #tpu.memory_space<hbm>> -> memref<10000x64xf32, #tpu.memory_space<hbm>>
    tpu.enqueue_indirect_dma source(%dma_start3A_91 : memref<10000x64xf32, #tpu.memory_space<hbm>>) target(%arg11 : memref<128x64xf32, #tpu.memory_space<vmem>>) offsets(%dma_start3A_88 : memref<128xi32, #tpu.memory_space<vmem>>) semaphore(%arg16 : memref<!tpu.dma_semaphore, #tpu.memory_space<semaphore_mem>>)
    %dma_wait3A_92 = arith.constant 0 : i32
    %dma_wait3A_93 = tpu.memref_slice %arg7[%dma_wait3A_92] : memref<9984xi32, #tpu.memory_space<vmem>> -> memref<128xi32, #tpu.memory_space<vmem>>
    %dma_wait3A_94 = arith.constant 0 : i32
    %dma_wait3A_95 = arith.constant 0 : i32
    %dma_wait3A_96 = tpu.memref_slice %arg14[%dma_wait3A_94, %dma_wait3A_95] : memref<10240x64xf32, #tpu.memory_space<vmem_shared>> -> memref<10240x64xf32, #tpu.memory_space<vmem_shared>>
    tpu.wait_indirect_dma semaphore(%arg21 : memref<!tpu.dma_semaphore, #tpu.memory_space<semaphore_mem>>) src(%arg12 : memref<128x64xf32, #tpu.memory_space<vmem>>) dst(%dma_wait3A_96 : memref<10240x64xf32, #tpu.memory_space<vmem_shared>>)
    %dma_wait3A_97 = arith.constant 0 : i32
    %dma_wait3A_98 = tpu.memref_slice %arg7[%dma_wait3A_97] : memref<9984xi32, #tpu.memory_space<vmem>> -> memref<128xi32, #tpu.memory_space<vmem>>
    %dma_wait3A_99 = arith.constant 0 : i32
    %dma_wait3A_100 = arith.constant 0 : i32
    %dma_wait3A_101 = tpu.memref_slice %arg14[%dma_wait3A_99, %dma_wait3A_100] : memref<10240x64xf32, #tpu.memory_space<vmem_shared>> -> memref<10240x64xf32, #tpu.memory_space<vmem_shared>>
    tpu.wait_indirect_dma semaphore(%arg22 : memref<!tpu.dma_semaphore, #tpu.memory_space<semaphore_mem>>) src(%arg13 : memref<128x64xf32, #tpu.memory_space<vmem>>) dst(%dma_wait3A_101 : memref<10240x64xf32, #tpu.memory_space<vmem_shared>>)
    %dma_wait3A_102 = arith.constant 0 : i32
    %dma_wait3A_103 = tpu.memref_slice %arg6[%dma_wait3A_102] : memref<9984xi32, #tpu.memory_space<vmem>> -> memref<128xi32, #tpu.memory_space<vmem>>
    %dma_wait3A_104 = arith.constant 0 : i32
    %dma_wait3A_105 = arith.constant 0 : i32
    %dma_wait3A_106 = tpu.memref_slice %arg2[%dma_wait3A_104, %dma_wait3A_105] : memref<10000x64xf32, #tpu.memory_space<hbm>> -> memref<10000x64xf32, #tpu.memory_space<hbm>>
    tpu.wait_indirect_dma semaphore(%arg15 : memref<!tpu.dma_semaphore, #tpu.memory_space<semaphore_mem>>) src(%dma_wait3A_106 : memref<10000x64xf32, #tpu.memory_space<hbm>>) dst(%arg10 : memref<128x64xf32, #tpu.memory_space<vmem>>)
    %dma_start3A_107 = arith.constant 9728 : i32
    %dma_start3A_108 = tpu.memref_slice %arg7[%dma_start3A_107] : memref<9984xi32, #tpu.memory_space<vmem>> -> memref<128xi32, #tpu.memory_space<vmem>>
    %dma_start3A_109 = arith.constant 0 : i32
    %dma_start3A_110 = arith.constant 0 : i32
    %dma_start3A_111 = tpu.memref_slice %arg14[%dma_start3A_109, %dma_start3A_110] : memref<10240x64xf32, #tpu.memory_space<vmem_shared>> -> memref<10240x64xf32, #tpu.memory_space<vmem_shared>>
    tpu.enqueue_indirect_dma source(%arg10 : memref<128x64xf32, #tpu.memory_space<vmem>>) target(%dma_start3A_111 : memref<10240x64xf32, #tpu.memory_space<vmem_shared>>) offsets(%dma_start3A_108 : memref<128xi32, #tpu.memory_space<vmem>>) semaphore(%arg19 : memref<!tpu.dma_semaphore, #tpu.memory_space<semaphore_mem>>) {add = true}
    %dma_wait3A_112 = arith.constant 0 : i32
    %dma_wait3A_113 = tpu.memref_slice %arg7[%dma_wait3A_112] : memref<9984xi32, #tpu.memory_space<vmem>> -> memref<128xi32, #tpu.memory_space<vmem>>
    %dma_wait3A_114 = arith.constant 0 : i32
    %dma_wait3A_115 = arith.constant 0 : i32
    %dma_wait3A_116 = tpu.memref_slice %arg14[%dma_wait3A_114, %dma_wait3A_115] : memref<10240x64xf32, #tpu.memory_space<vmem_shared>> -> memref<10240x64xf32, #tpu.memory_space<vmem_shared>>
    tpu.wait_indirect_dma semaphore(%arg19 : memref<!tpu.dma_semaphore, #tpu.memory_space<semaphore_mem>>) src(%arg10 : memref<128x64xf32, #tpu.memory_space<vmem>>) dst(%dma_wait3A_116 : memref<10240x64xf32, #tpu.memory_space<vmem_shared>>)
    %dma_wait3A_117 = arith.constant 0 : i32
    %dma_wait3A_118 = tpu.memref_slice %arg6[%dma_wait3A_117] : memref<9984xi32, #tpu.memory_space<vmem>> -> memref<128xi32, #tpu.memory_space<vmem>>
    %dma_wait3A_119 = arith.constant 0 : i32
    %dma_wait3A_120 = arith.constant 0 : i32
    %dma_wait3A_121 = tpu.memref_slice %arg2[%dma_wait3A_119, %dma_wait3A_120] : memref<10000x64xf32, #tpu.memory_space<hbm>> -> memref<10000x64xf32, #tpu.memory_space<hbm>>
    tpu.wait_indirect_dma semaphore(%arg16 : memref<!tpu.dma_semaphore, #tpu.memory_space<semaphore_mem>>) src(%dma_wait3A_121 : memref<10000x64xf32, #tpu.memory_space<hbm>>) dst(%arg11 : memref<128x64xf32, #tpu.memory_space<vmem>>)
    %dma_start3A_122 = arith.constant 9856 : i32
    %dma_start3A_123 = tpu.memref_slice %arg7[%dma_start3A_122] : memref<9984xi32, #tpu.memory_space<vmem>> -> memref<128xi32, #tpu.memory_space<vmem>>
    %dma_start3A_124 = arith.constant 0 : i32
    %dma_start3A_125 = arith.constant 0 : i32
    %dma_start3A_126 = tpu.memref_slice %arg14[%dma_start3A_124, %dma_start3A_125] : memref<10240x64xf32, #tpu.memory_space<vmem_shared>> -> memref<10240x64xf32, #tpu.memory_space<vmem_shared>>
    tpu.enqueue_indirect_dma source(%arg11 : memref<128x64xf32, #tpu.memory_space<vmem>>) target(%dma_start3A_126 : memref<10240x64xf32, #tpu.memory_space<vmem_shared>>) offsets(%dma_start3A_123 : memref<128xi32, #tpu.memory_space<vmem>>) semaphore(%arg20 : memref<!tpu.dma_semaphore, #tpu.memory_space<semaphore_mem>>) {add = true}
    %dma_wait3A_127 = arith.constant 0 : i32
    %dma_wait3A_128 = tpu.memref_slice %arg7[%dma_wait3A_127] : memref<9984xi32, #tpu.memory_space<vmem>> -> memref<128xi32, #tpu.memory_space<vmem>>
    %dma_wait3A_129 = arith.constant 0 : i32
    %dma_wait3A_130 = arith.constant 0 : i32
    %dma_wait3A_131 = tpu.memref_slice %arg14[%dma_wait3A_129, %dma_wait3A_130] : memref<10240x64xf32, #tpu.memory_space<vmem_shared>> -> memref<10240x64xf32, #tpu.memory_space<vmem_shared>>
    tpu.wait_indirect_dma semaphore(%arg20 : memref<!tpu.dma_semaphore, #tpu.memory_space<semaphore_mem>>) src(%arg11 : memref<128x64xf32, #tpu.memory_space<vmem>>) dst(%dma_wait3A_131 : memref<10240x64xf32, #tpu.memory_space<vmem_shared>>)
    %lt3A_132 = arith.constant 4 : i32
    %lt3A_133 = arith.cmpi slt, %add3A, %lt3A_132 : i32
    %convert_element_type3A_134 = arith.extui %lt3A_133 : i1 to i32
    %cond3A_135 = arith.constant 0 : i32
    %cond3A_136 = arith.cmpi ne, %convert_element_type3A_134, %cond3A_135 : i32
    scf.if %cond3A_136 {
      %dma_start3A_138 = arith.constant 0 : i32
      %dma_start3A_139 = arith.constant 0 : i32
      %dma_start3A_140 = tpu.memref_slice %arg2[%dma_start3A_138, %dma_start3A_139] : memref<10000x64xf32, #tpu.memory_space<hbm>> -> memref<10000x64xf32, #tpu.memory_space<hbm>>
      tpu.enqueue_indirect_dma source(%dma_start3A_140 : memref<10000x64xf32, #tpu.memory_space<hbm>>) target(%arg10 : memref<128x64xf32, #tpu.memory_space<vmem>>) offsets(%arg8 : memref<128xi32, #tpu.memory_space<vmem>>) semaphore(%arg15 : memref<!tpu.dma_semaphore, #tpu.memory_space<semaphore_mem>>)
      %dma_wait3A_141 = arith.constant 0 : i32
      %dma_wait3A_142 = arith.constant 0 : i32
      %dma_wait3A_143 = tpu.memref_slice %arg2[%dma_wait3A_141, %dma_wait3A_142] : memref<10000x64xf32, #tpu.memory_space<hbm>> -> memref<10000x64xf32, #tpu.memory_space<hbm>>
      tpu.wait_indirect_dma semaphore(%arg15 : memref<!tpu.dma_semaphore, #tpu.memory_space<semaphore_mem>>) src(%dma_wait3A_143 : memref<10000x64xf32, #tpu.memory_space<hbm>>) dst(%arg10 : memref<128x64xf32, #tpu.memory_space<vmem>>)
      "tpu.region"() ({
        %run_scoped3A_144 = tpu.sem_alloc : memref<!tpu.dma_semaphore, #tpu.memory_space<semaphore_mem>>
        %dma_start3A_145 = arith.constant 0 : i32
        %dma_start3A_146 = arith.constant 0 : i32
        %dma_start3A_147 = tpu.memref_slice %arg14[%dma_start3A_145, %dma_start3A_146] : memref<10240x64xf32, #tpu.memory_space<vmem_shared>> -> memref<10240x64xf32, #tpu.memory_space<vmem_shared>>
        tpu.enqueue_indirect_dma source(%arg10 : memref<128x64xf32, #tpu.memory_space<vmem>>) target(%dma_start3A_147 : memref<10240x64xf32, #tpu.memory_space<vmem_shared>>) offsets(%arg9 : memref<128xi32, #tpu.memory_space<vmem>>) semaphore(%run_scoped3A_144 : memref<!tpu.dma_semaphore, #tpu.memory_space<semaphore_mem>>) {add = true}
        %dma_wait3A_148 = arith.constant 0 : i32
        %dma_wait3A_149 = arith.constant 0 : i32
        %dma_wait3A_150 = tpu.memref_slice %arg14[%dma_wait3A_148, %dma_wait3A_149] : memref<10240x64xf32, #tpu.memory_space<vmem_shared>> -> memref<10240x64xf32, #tpu.memory_space<vmem_shared>>
        tpu.wait_indirect_dma semaphore(%run_scoped3A_144 : memref<!tpu.dma_semaphore, #tpu.memory_space<semaphore_mem>>) src(%arg10 : memref<128x64xf32, #tpu.memory_space<vmem>>) dst(%dma_wait3A_150 : memref<10240x64xf32, #tpu.memory_space<vmem_shared>>)
        tpu.yield
      }) : () -> ()
    } else {
    }
    %barrier3A_137 = arith.constant 0 : index
    tpu.barrier barrier_id(%barrier3A_137)
    "tpu.region"() ({
      %run_scoped3A_138 = tpu.sem_alloc : memref<!tpu.dma_semaphore, #tpu.memory_space<semaphore_mem>>
      %dma_start3A_139 = arith.constant 0 : i32
      %dma_start3A_140 = tpu.memref_slice %arg5[%arg0, %mul3A_2, %dma_start3A_139] : memref<2x10240x64xf32, #tpu.memory_space<hbm>> -> memref<1x640x64xf32, #tpu.memory_space<hbm>>
      %dma_start3A_141 = tpu.memref_squeeze %dma_start3A_140 : memref<1x640x64xf32, #tpu.memory_space<hbm>> -> memref<640x64xf32, #tpu.memory_space<hbm>>
      %dma_start3A_142 = arith.constant 0 : i32
      %dma_start3A_143 = tpu.memref_slice %arg14[%mul3A_2, %dma_start3A_142] : memref<10240x64xf32, #tpu.memory_space<vmem_shared>> -> memref<640x64xf32, #tpu.memory_space<vmem_shared>>
      tpu.enqueue_dma source(%dma_start3A_143 : memref<640x64xf32, #tpu.memory_space<vmem_shared>>) target(%dma_start3A_141 : memref<640x64xf32, #tpu.memory_space<hbm>>) target_semaphore(%run_scoped3A_138 : memref<!tpu.dma_semaphore, #tpu.memory_space<semaphore_mem>>)
      %dma_wait3A_144 = arith.constant 0 : i32
      %dma_wait3A_145 = tpu.memref_slice %arg5[%arg0, %mul3A_2, %dma_wait3A_144] : memref<2x10240x64xf32, #tpu.memory_space<hbm>> -> memref<1x640x64xf32, #tpu.memory_space<hbm>>
      %dma_wait3A_146 = tpu.memref_squeeze %dma_wait3A_145 : memref<1x640x64xf32, #tpu.memory_space<hbm>> -> memref<640x64xf32, #tpu.memory_space<hbm>>
      %dma_wait3A_147 = arith.constant 0 : i32
      %dma_wait3A_148 = tpu.memref_slice %arg14[%mul3A_2, %dma_wait3A_147] : memref<10240x64xf32, #tpu.memory_space<vmem_shared>> -> memref<640x64xf32, #tpu.memory_space<vmem_shared>>
      tpu.wait_dma2 semaphore(%run_scoped3A_138 : memref<!tpu.dma_semaphore, #tpu.memory_space<semaphore_mem>>) src(%dma_wait3A_148 : memref<640x64xf32, #tpu.memory_space<vmem_shared>>) dst(%dma_wait3A_146 : memref<640x64xf32, #tpu.memory_space<hbm>>)
      tpu.yield
    }) : () -> ()
    return
  }
}

#map = affine_map<(d0, d1) -> (0, 0)>
#map1 = affine_map<(d0, d1) -> (0, 0, 0)>
module attributes {stable_mosaic.version = 14 : i64} {
  func.func @body(%arg0: i32, %arg1: i32, %arg2: memref<10000x32xf32, #tpu.memory_space<hbm>>, %arg3: memref<2x320000xi32, #tpu.memory_space<hbm>>, %arg4: memref<10240x32xf32, #tpu.memory_space<hbm>>, %arg5: memref<2x10240x32xf32, #tpu.memory_space<hbm>>, %arg6: memref<9984xi32, #tpu.memory_space<vmem>>, %arg7: memref<9984xi32, #tpu.memory_space<vmem>>, %arg8: memref<128xi32, #tpu.memory_space<vmem>>, %arg9: memref<128xi32, #tpu.memory_space<vmem>>, %arg10: memref<128x32xf32, #tpu.memory_space<vmem>>, %arg11: memref<128x32xf32, #tpu.memory_space<vmem>>, %arg12: memref<128x32xf32, #tpu.memory_space<vmem>>, %arg13: memref<128x32xf32, #tpu.memory_space<vmem>>, %arg14: memref<10240x32xf32, #tpu.memory_space<vmem_shared>>, %arg15: memref<!tpu.dma_semaphore, #tpu.memory_space<semaphore_mem>>, %arg16: memref<!tpu.dma_semaphore, #tpu.memory_space<semaphore_mem>>, %arg17: memref<!tpu.dma_semaphore, #tpu.memory_space<semaphore_mem>>, %arg18: memref<!tpu.dma_semaphore, #tpu.memory_space<semaphore_mem>>, %arg19: memref<!tpu.dma_semaphore, #tpu.memory_space<semaphore_mem>>, %arg20: memref<!tpu.dma_semaphore, #tpu.memory_space<semaphore_mem>>, %arg21: memref<!tpu.dma_semaphore, #tpu.memory_space<semaphore_mem>>, %arg22: memref<!tpu.dma_semaphore, #tpu.memory_space<semaphore_mem>>) attributes {dimension_semantics = [#tpu.dimension_semantics<core_parallel>, #tpu.dimension_semantics<subcore_parallel>], iteration_bounds = array<i64: 2, 16>, scalar_prefetch = 0 : i64, scratch_operands = 17 : i64, tpu.core_type = #tpu.core_type<sc_vector_subcore>, window_params = [{transform_indices = #map}, {transform_indices = #map}, {transform_indices = #map}, {transform_indices = #map1}]} {
    %mul3A = arith.constant 16 : i32
    %mul3A_0 = arith.muli %arg0, %mul3A : i32
    %add3A = arith.addi %mul3A_0, %arg1 : i32
    %mul3A_1 = arith.constant 640 : i32
    %mul3A_2 = arith.muli %arg1, %mul3A_1 : i32
    %mul3A_3 = arith.constant 9984 : i32
    %mul3A_4 = arith.muli %add3A, %mul3A_3 : i32
    %run_scoped3A = arith.constant 0 : i32
    "tpu.region"() ({
      %run_scoped3A_138 = tpu.sem_alloc : memref<!tpu.dma_semaphore, #tpu.memory_space<semaphore_mem>>
      %dma_start3A_139 = tpu.memref_slice %arg3[%run_scoped3A, %mul3A_4] : memref<2x320000xi32, #tpu.memory_space<hbm>> -> memref<1x9984xi32, #tpu.memory_space<hbm>>
      %dma_start3A_140 = tpu.memref_squeeze %dma_start3A_139 : memref<1x9984xi32, #tpu.memory_space<hbm>> -> memref<9984xi32, #tpu.memory_space<hbm>>
      %dma_start3A_141 = tpu.memref_slice %arg3[%run_scoped3A, %mul3A_4] : memref<2x320000xi32, #tpu.memory_space<hbm>> -> memref<1x9984xi32, #tpu.memory_space<hbm>>
      %dma_start3A_142 = tpu.memref_squeeze %dma_start3A_141 : memref<1x9984xi32, #tpu.memory_space<hbm>> -> memref<9984xi32, #tpu.memory_space<hbm>>
      tpu.enqueue_dma source(%dma_start3A_142 : memref<9984xi32, #tpu.memory_space<hbm>>) target(%arg6 : memref<9984xi32, #tpu.memory_space<vmem>>) target_semaphore(%run_scoped3A_138 : memref<!tpu.dma_semaphore, #tpu.memory_space<semaphore_mem>>)
      %dma_wait3A_143 = tpu.memref_slice %arg3[%run_scoped3A, %mul3A_4] : memref<2x320000xi32, #tpu.memory_space<hbm>> -> memref<1x9984xi32, #tpu.memory_space<hbm>>
      %dma_wait3A_144 = tpu.memref_squeeze %dma_wait3A_143 : memref<1x9984xi32, #tpu.memory_space<hbm>> -> memref<9984xi32, #tpu.memory_space<hbm>>
      %dma_wait3A_145 = tpu.memref_slice %arg3[%run_scoped3A, %mul3A_4] : memref<2x320000xi32, #tpu.memory_space<hbm>> -> memref<1x9984xi32, #tpu.memory_space<hbm>>
      %dma_wait3A_146 = tpu.memref_squeeze %dma_wait3A_145 : memref<1x9984xi32, #tpu.memory_space<hbm>> -> memref<9984xi32, #tpu.memory_space<hbm>>
      tpu.wait_dma2 semaphore(%run_scoped3A_138 : memref<!tpu.dma_semaphore, #tpu.memory_space<semaphore_mem>>) src(%dma_wait3A_146 : memref<9984xi32, #tpu.memory_space<hbm>>) dst(%arg6 : memref<9984xi32, #tpu.memory_space<vmem>>)
      tpu.yield
    }) : () -> ()
    %run_scoped3A_5 = arith.constant 1 : i32
    "tpu.region"() ({
      %run_scoped3A_138 = tpu.sem_alloc : memref<!tpu.dma_semaphore, #tpu.memory_space<semaphore_mem>>
      %dma_start3A_139 = tpu.memref_slice %arg3[%run_scoped3A_5, %mul3A_4] : memref<2x320000xi32, #tpu.memory_space<hbm>> -> memref<1x9984xi32, #tpu.memory_space<hbm>>
      %dma_start3A_140 = tpu.memref_squeeze %dma_start3A_139 : memref<1x9984xi32, #tpu.memory_space<hbm>> -> memref<9984xi32, #tpu.memory_space<hbm>>
      %dma_start3A_141 = tpu.memref_slice %arg3[%run_scoped3A_5, %mul3A_4] : memref<2x320000xi32, #tpu.memory_space<hbm>> -> memref<1x9984xi32, #tpu.memory_space<hbm>>
      %dma_start3A_142 = tpu.memref_squeeze %dma_start3A_141 : memref<1x9984xi32, #tpu.memory_space<hbm>> -> memref<9984xi32, #tpu.memory_space<hbm>>
      tpu.enqueue_dma source(%dma_start3A_142 : memref<9984xi32, #tpu.memory_space<hbm>>) target(%arg7 : memref<9984xi32, #tpu.memory_space<vmem>>) target_semaphore(%run_scoped3A_138 : memref<!tpu.dma_semaphore, #tpu.memory_space<semaphore_mem>>)
      %dma_wait3A_143 = tpu.memref_slice %arg3[%run_scoped3A_5, %mul3A_4] : memref<2x320000xi32, #tpu.memory_space<hbm>> -> memref<1x9984xi32, #tpu.memory_space<hbm>>
      %dma_wait3A_144 = tpu.memref_squeeze %dma_wait3A_143 : memref<1x9984xi32, #tpu.memory_space<hbm>> -> memref<9984xi32, #tpu.memory_space<hbm>>
      %dma_wait3A_145 = tpu.memref_slice %arg3[%run_scoped3A_5, %mul3A_4] : memref<2x320000xi32, #tpu.memory_space<hbm>> -> memref<1x9984xi32, #tpu.memory_space<hbm>>
      %dma_wait3A_146 = tpu.memref_squeeze %dma_wait3A_145 : memref<1x9984xi32, #tpu.memory_space<hbm>> -> memref<9984xi32, #tpu.memory_space<hbm>>
      tpu.wait_dma2 semaphore(%run_scoped3A_138 : memref<!tpu.dma_semaphore, #tpu.memory_space<semaphore_mem>>) src(%dma_wait3A_146 : memref<9984xi32, #tpu.memory_space<hbm>>) dst(%arg7 : memref<9984xi32, #tpu.memory_space<vmem>>)
      tpu.yield
    }) : () -> ()
    %lt3A = arith.constant 4 : i32
    %lt3A_6 = arith.cmpi slt, %add3A, %lt3A : i32
    %convert_element_type3A = arith.extui %lt3A_6 : i1 to i32
    %cond3A = arith.constant 0 : i32
    %cond3A_7 = arith.cmpi ne, %convert_element_type3A, %cond3A : i32
    scf.if %cond3A_7 {
      %mul3A_138 = arith.constant 128 : i32
      %mul3A_139 = arith.muli %add3A, %mul3A_138 : i32
      %add3A_140 = arith.constant 319488 : i32
      %add3A_141 = arith.addi %add3A_140, %mul3A_139 : i32
      %run_scoped3A_142 = arith.constant 0 : i32
      "tpu.region"() ({
        %run_scoped3A_144 = tpu.sem_alloc : memref<!tpu.dma_semaphore, #tpu.memory_space<semaphore_mem>>
        %dma_start3A_145 = tpu.memref_slice %arg3[%run_scoped3A_142, %add3A_141] : memref<2x320000xi32, #tpu.memory_space<hbm>> -> memref<1x128xi32, #tpu.memory_space<hbm>>
        %dma_start3A_146 = tpu.memref_squeeze %dma_start3A_145 : memref<1x128xi32, #tpu.memory_space<hbm>> -> memref<128xi32, #tpu.memory_space<hbm>>
        %dma_start3A_147 = tpu.memref_slice %arg3[%run_scoped3A_142, %add3A_141] : memref<2x320000xi32, #tpu.memory_space<hbm>> -> memref<1x128xi32, #tpu.memory_space<hbm>>
        %dma_start3A_148 = tpu.memref_squeeze %dma_start3A_147 : memref<1x128xi32, #tpu.memory_space<hbm>> -> memref<128xi32, #tpu.memory_space<hbm>>
        tpu.enqueue_dma source(%dma_start3A_148 : memref<128xi32, #tpu.memory_space<hbm>>) target(%arg8 : memref<128xi32, #tpu.memory_space<vmem>>) target_semaphore(%run_scoped3A_144 : memref<!tpu.dma_semaphore, #tpu.memory_space<semaphore_mem>>)
        %dma_wait3A_149 = tpu.memref_slice %arg3[%run_scoped3A_142, %add3A_141] : memref<2x320000xi32, #tpu.memory_space<hbm>> -> memref<1x128xi32, #tpu.memory_space<hbm>>
        %dma_wait3A_150 = tpu.memref_squeeze %dma_wait3A_149 : memref<1x128xi32, #tpu.memory_space<hbm>> -> memref<128xi32, #tpu.memory_space<hbm>>
        %dma_wait3A_151 = tpu.memref_slice %arg3[%run_scoped3A_142, %add3A_141] : memref<2x320000xi32, #tpu.memory_space<hbm>> -> memref<1x128xi32, #tpu.memory_space<hbm>>
        %dma_wait3A_152 = tpu.memref_squeeze %dma_wait3A_151 : memref<1x128xi32, #tpu.memory_space<hbm>> -> memref<128xi32, #tpu.memory_space<hbm>>
        tpu.wait_dma2 semaphore(%run_scoped3A_144 : memref<!tpu.dma_semaphore, #tpu.memory_space<semaphore_mem>>) src(%dma_wait3A_152 : memref<128xi32, #tpu.memory_space<hbm>>) dst(%arg8 : memref<128xi32, #tpu.memory_space<vmem>>)
        tpu.yield
      }) : () -> ()
      %run_scoped3A_143 = arith.constant 1 : i32
      "tpu.region"() ({
        %run_scoped3A_144 = tpu.sem_alloc : memref<!tpu.dma_semaphore, #tpu.memory_space<semaphore_mem>>
        %dma_start3A_145 = tpu.memref_slice %arg3[%run_scoped3A_143, %add3A_141] : memref<2x320000xi32, #tpu.memory_space<hbm>> -> memref<1x128xi32, #tpu.memory_space<hbm>>
        %dma_start3A_146 = tpu.memref_squeeze %dma_start3A_145 : memref<1x128xi32, #tpu.memory_space<hbm>> -> memref<128xi32, #tpu.memory_space<hbm>>
        %dma_start3A_147 = tpu.memref_slice %arg3[%run_scoped3A_143, %add3A_141] : memref<2x320000xi32, #tpu.memory_space<hbm>> -> memref<1x128xi32, #tpu.memory_space<hbm>>
        %dma_start3A_148 = tpu.memref_squeeze %dma_start3A_147 : memref<1x128xi32, #tpu.memory_space<hbm>> -> memref<128xi32, #tpu.memory_space<hbm>>
        tpu.enqueue_dma source(%dma_start3A_148 : memref<128xi32, #tpu.memory_space<hbm>>) target(%arg9 : memref<128xi32, #tpu.memory_space<vmem>>) target_semaphore(%run_scoped3A_144 : memref<!tpu.dma_semaphore, #tpu.memory_space<semaphore_mem>>)
        %dma_wait3A_149 = tpu.memref_slice %arg3[%run_scoped3A_143, %add3A_141] : memref<2x320000xi32, #tpu.memory_space<hbm>> -> memref<1x128xi32, #tpu.memory_space<hbm>>
        %dma_wait3A_150 = tpu.memref_squeeze %dma_wait3A_149 : memref<1x128xi32, #tpu.memory_space<hbm>> -> memref<128xi32, #tpu.memory_space<hbm>>
        %dma_wait3A_151 = tpu.memref_slice %arg3[%run_scoped3A_143, %add3A_141] : memref<2x320000xi32, #tpu.memory_space<hbm>> -> memref<1x128xi32, #tpu.memory_space<hbm>>
        %dma_wait3A_152 = tpu.memref_squeeze %dma_wait3A_151 : memref<1x128xi32, #tpu.memory_space<hbm>> -> memref<128xi32, #tpu.memory_space<hbm>>
        tpu.wait_dma2 semaphore(%run_scoped3A_144 : memref<!tpu.dma_semaphore, #tpu.memory_space<semaphore_mem>>) src(%dma_wait3A_152 : memref<128xi32, #tpu.memory_space<hbm>>) dst(%arg9 : memref<128xi32, #tpu.memory_space<vmem>>)
        tpu.yield
      }) : () -> ()
    } else {
    }
    "tpu.region"() ({
      %run_scoped3A_138 = tpu.sem_alloc : memref<!tpu.dma_semaphore, #tpu.memory_space<semaphore_mem>>
      %dma_start3A_139 = arith.constant 0 : i32
      %dma_start3A_140 = tpu.memref_slice %arg14[%mul3A_2, %dma_start3A_139] : memref<10240x32xf32, #tpu.memory_space<vmem_shared>> -> memref<640x32xf32, #tpu.memory_space<vmem_shared>>
      %dma_start3A_141 = arith.constant 0 : i32
      %dma_start3A_142 = tpu.memref_slice %arg4[%mul3A_2, %dma_start3A_141] : memref<10240x32xf32, #tpu.memory_space<hbm>> -> memref<640x32xf32, #tpu.memory_space<hbm>>
      tpu.enqueue_dma source(%dma_start3A_142 : memref<640x32xf32, #tpu.memory_space<hbm>>) target(%dma_start3A_140 : memref<640x32xf32, #tpu.memory_space<vmem_shared>>) target_semaphore(%run_scoped3A_138 : memref<!tpu.dma_semaphore, #tpu.memory_space<semaphore_mem>>)
      %dma_wait3A_143 = arith.constant 0 : i32
      %dma_wait3A_144 = tpu.memref_slice %arg14[%mul3A_2, %dma_wait3A_143] : memref<10240x32xf32, #tpu.memory_space<vmem_shared>> -> memref<640x32xf32, #tpu.memory_space<vmem_shared>>
      %dma_wait3A_145 = arith.constant 0 : i32
      %dma_wait3A_146 = tpu.memref_slice %arg4[%mul3A_2, %dma_wait3A_145] : memref<10240x32xf32, #tpu.memory_space<hbm>> -> memref<640x32xf32, #tpu.memory_space<hbm>>
      tpu.wait_dma2 semaphore(%run_scoped3A_138 : memref<!tpu.dma_semaphore, #tpu.memory_space<semaphore_mem>>) src(%dma_wait3A_146 : memref<640x32xf32, #tpu.memory_space<hbm>>) dst(%dma_wait3A_144 : memref<640x32xf32, #tpu.memory_space<vmem_shared>>)
      tpu.yield
    }) : () -> ()
    %barrier3A = arith.constant 0 : index
    tpu.barrier barrier_id(%barrier3A)
    %dma_start3A = arith.constant 0 : i32
    %dma_start3A_8 = tpu.memref_slice %arg6[%dma_start3A] : memref<9984xi32, #tpu.memory_space<vmem>> -> memref<128xi32, #tpu.memory_space<vmem>>
    %dma_start3A_9 = arith.constant 0 : i32
    %dma_start3A_10 = arith.constant 0 : i32
    %dma_start3A_11 = tpu.memref_slice %arg2[%dma_start3A_9, %dma_start3A_10] : memref<10000x32xf32, #tpu.memory_space<hbm>> -> memref<10000x32xf32, #tpu.memory_space<hbm>>
    tpu.enqueue_indirect_dma source(%dma_start3A_11 : memref<10000x32xf32, #tpu.memory_space<hbm>>) target(%arg10 : memref<128x32xf32, #tpu.memory_space<vmem>>) offsets(%dma_start3A_8 : memref<128xi32, #tpu.memory_space<vmem>>) semaphore(%arg15 : memref<!tpu.dma_semaphore, #tpu.memory_space<semaphore_mem>>)
    %dma_start3A_12 = arith.constant 128 : i32
    %dma_start3A_13 = tpu.memref_slice %arg6[%dma_start3A_12] : memref<9984xi32, #tpu.memory_space<vmem>> -> memref<128xi32, #tpu.memory_space<vmem>>
    %dma_start3A_14 = arith.constant 0 : i32
    %dma_start3A_15 = arith.constant 0 : i32
    %dma_start3A_16 = tpu.memref_slice %arg2[%dma_start3A_14, %dma_start3A_15] : memref<10000x32xf32, #tpu.memory_space<hbm>> -> memref<10000x32xf32, #tpu.memory_space<hbm>>
    tpu.enqueue_indirect_dma source(%dma_start3A_16 : memref<10000x32xf32, #tpu.memory_space<hbm>>) target(%arg11 : memref<128x32xf32, #tpu.memory_space<vmem>>) offsets(%dma_start3A_13 : memref<128xi32, #tpu.memory_space<vmem>>) semaphore(%arg16 : memref<!tpu.dma_semaphore, #tpu.memory_space<semaphore_mem>>)
    %dma_start3A_17 = arith.constant 256 : i32
    %dma_start3A_18 = tpu.memref_slice %arg6[%dma_start3A_17] : memref<9984xi32, #tpu.memory_space<vmem>> -> memref<128xi32, #tpu.memory_space<vmem>>
    %dma_start3A_19 = arith.constant 0 : i32
    %dma_start3A_20 = arith.constant 0 : i32
    %dma_start3A_21 = tpu.memref_slice %arg2[%dma_start3A_19, %dma_start3A_20] : memref<10000x32xf32, #tpu.memory_space<hbm>> -> memref<10000x32xf32, #tpu.memory_space<hbm>>
    tpu.enqueue_indirect_dma source(%dma_start3A_21 : memref<10000x32xf32, #tpu.memory_space<hbm>>) target(%arg12 : memref<128x32xf32, #tpu.memory_space<vmem>>) offsets(%dma_start3A_18 : memref<128xi32, #tpu.memory_space<vmem>>) semaphore(%arg17 : memref<!tpu.dma_semaphore, #tpu.memory_space<semaphore_mem>>)
    %dma_start3A_22 = arith.constant 384 : i32
    %dma_start3A_23 = tpu.memref_slice %arg6[%dma_start3A_22] : memref<9984xi32, #tpu.memory_space<vmem>> -> memref<128xi32, #tpu.memory_space<vmem>>
    %dma_start3A_24 = arith.constant 0 : i32
    %dma_start3A_25 = arith.constant 0 : i32
    %dma_start3A_26 = tpu.memref_slice %arg2[%dma_start3A_24, %dma_start3A_25] : memref<10000x32xf32, #tpu.memory_space<hbm>> -> memref<10000x32xf32, #tpu.memory_space<hbm>>
    tpu.enqueue_indirect_dma source(%dma_start3A_26 : memref<10000x32xf32, #tpu.memory_space<hbm>>) target(%arg13 : memref<128x32xf32, #tpu.memory_space<vmem>>) offsets(%dma_start3A_23 : memref<128xi32, #tpu.memory_space<vmem>>) semaphore(%arg18 : memref<!tpu.dma_semaphore, #tpu.memory_space<semaphore_mem>>)
    %scan3A = arith.constant 0 : i32
    %scan3A_27 = arith.constant 0 : i32
    %scan3A_28 = arith.constant 18 : i32
    %scan3A_29 = arith.addi %scan3A_27, %scan3A_28 : i32
    %scan3A_30 = arith.constant 1 : i32
    %scan3A_31 = scf.for %scan3A_138 = %scan3A_27 to %scan3A_29 step %scan3A_30 iter_args(%scan3A_139 = %scan3A) -> (i32)  : i32 {
      %mul3A_140 = arith.constant 4 : i32
      %mul3A_141 = arith.muli %scan3A_138, %mul3A_140 : i32
      %dma_wait3A_142 = arith.constant 0 : i32
      %dma_wait3A_143 = tpu.memref_slice %arg6[%dma_wait3A_142] : memref<9984xi32, #tpu.memory_space<vmem>> -> memref<128xi32, #tpu.memory_space<vmem>>
      %dma_wait3A_144 = arith.constant 0 : i32
      %dma_wait3A_145 = arith.constant 0 : i32
      %dma_wait3A_146 = tpu.memref_slice %arg2[%dma_wait3A_144, %dma_wait3A_145] : memref<10000x32xf32, #tpu.memory_space<hbm>> -> memref<10000x32xf32, #tpu.memory_space<hbm>>
      tpu.wait_indirect_dma semaphore(%arg15 : memref<!tpu.dma_semaphore, #tpu.memory_space<semaphore_mem>>) src(%dma_wait3A_146 : memref<10000x32xf32, #tpu.memory_space<hbm>>) dst(%arg10 : memref<128x32xf32, #tpu.memory_space<vmem>>)
      %add3A_147 = arith.constant 0 : i32
      %add3A_148 = arith.addi %mul3A_141, %add3A_147 : i32
      %mul3A_149 = arith.constant 128 : i32
      %mul3A_150 = arith.muli %add3A_148, %mul3A_149 : i32
      %dma_start3A_151 = tpu.memref_slice %arg7[%mul3A_150] : memref<9984xi32, #tpu.memory_space<vmem>> -> memref<128xi32, #tpu.memory_space<vmem>>
      %dma_start3A_152 = arith.constant 0 : i32
      %dma_start3A_153 = arith.constant 0 : i32
      %dma_start3A_154 = tpu.memref_slice %arg14[%dma_start3A_152, %dma_start3A_153] : memref<10240x32xf32, #tpu.memory_space<vmem_shared>> -> memref<10240x32xf32, #tpu.memory_space<vmem_shared>>
      tpu.enqueue_indirect_dma source(%arg10 : memref<128x32xf32, #tpu.memory_space<vmem>>) target(%dma_start3A_154 : memref<10240x32xf32, #tpu.memory_space<vmem_shared>>) offsets(%dma_start3A_151 : memref<128xi32, #tpu.memory_space<vmem>>) semaphore(%arg19 : memref<!tpu.dma_semaphore, #tpu.memory_space<semaphore_mem>>) {add = true}
      %dma_wait3A_155 = arith.constant 0 : i32
      %dma_wait3A_156 = tpu.memref_slice %arg6[%dma_wait3A_155] : memref<9984xi32, #tpu.memory_space<vmem>> -> memref<128xi32, #tpu.memory_space<vmem>>
      %dma_wait3A_157 = arith.constant 0 : i32
      %dma_wait3A_158 = arith.constant 0 : i32
      %dma_wait3A_159 = tpu.memref_slice %arg2[%dma_wait3A_157, %dma_wait3A_158] : memref<10000x32xf32, #tpu.memory_space<hbm>> -> memref<10000x32xf32, #tpu.memory_space<hbm>>
      tpu.wait_indirect_dma semaphore(%arg16 : memref<!tpu.dma_semaphore, #tpu.memory_space<semaphore_mem>>) src(%dma_wait3A_159 : memref<10000x32xf32, #tpu.memory_space<hbm>>) dst(%arg11 : memref<128x32xf32, #tpu.memory_space<vmem>>)
      %add3A_160 = arith.constant 1 : i32
      %add3A_161 = arith.addi %mul3A_141, %add3A_160 : i32
      %mul3A_162 = arith.constant 128 : i32
      %mul3A_163 = arith.muli %add3A_161, %mul3A_162 : i32
      %dma_start3A_164 = tpu.memref_slice %arg7[%mul3A_163] : memref<9984xi32, #tpu.memory_space<vmem>> -> memref<128xi32, #tpu.memory_space<vmem>>
      %dma_start3A_165 = arith.constant 0 : i32
      %dma_start3A_166 = arith.constant 0 : i32
      %dma_start3A_167 = tpu.memref_slice %arg14[%dma_start3A_165, %dma_start3A_166] : memref<10240x32xf32, #tpu.memory_space<vmem_shared>> -> memref<10240x32xf32, #tpu.memory_space<vmem_shared>>
      tpu.enqueue_indirect_dma source(%arg11 : memref<128x32xf32, #tpu.memory_space<vmem>>) target(%dma_start3A_167 : memref<10240x32xf32, #tpu.memory_space<vmem_shared>>) offsets(%dma_start3A_164 : memref<128xi32, #tpu.memory_space<vmem>>) semaphore(%arg20 : memref<!tpu.dma_semaphore, #tpu.memory_space<semaphore_mem>>) {add = true}
      %dma_wait3A_168 = arith.constant 0 : i32
      %dma_wait3A_169 = tpu.memref_slice %arg6[%dma_wait3A_168] : memref<9984xi32, #tpu.memory_space<vmem>> -> memref<128xi32, #tpu.memory_space<vmem>>
      %dma_wait3A_170 = arith.constant 0 : i32
      %dma_wait3A_171 = arith.constant 0 : i32
      %dma_wait3A_172 = tpu.memref_slice %arg2[%dma_wait3A_170, %dma_wait3A_171] : memref<10000x32xf32, #tpu.memory_space<hbm>> -> memref<10000x32xf32, #tpu.memory_space<hbm>>
      tpu.wait_indirect_dma semaphore(%arg17 : memref<!tpu.dma_semaphore, #tpu.memory_space<semaphore_mem>>) src(%dma_wait3A_172 : memref<10000x32xf32, #tpu.memory_space<hbm>>) dst(%arg12 : memref<128x32xf32, #tpu.memory_space<vmem>>)
      %add3A_173 = arith.constant 2 : i32
      %add3A_174 = arith.addi %mul3A_141, %add3A_173 : i32
      %mul3A_175 = arith.constant 128 : i32
      %mul3A_176 = arith.muli %add3A_174, %mul3A_175 : i32
      %dma_start3A_177 = tpu.memref_slice %arg7[%mul3A_176] : memref<9984xi32, #tpu.memory_space<vmem>> -> memref<128xi32, #tpu.memory_space<vmem>>
      %dma_start3A_178 = arith.constant 0 : i32
      %dma_start3A_179 = arith.constant 0 : i32
      %dma_start3A_180 = tpu.memref_slice %arg14[%dma_start3A_178, %dma_start3A_179] : memref<10240x32xf32, #tpu.memory_space<vmem_shared>> -> memref<10240x32xf32, #tpu.memory_space<vmem_shared>>
      tpu.enqueue_indirect_dma source(%arg12 : memref<128x32xf32, #tpu.memory_space<vmem>>) target(%dma_start3A_180 : memref<10240x32xf32, #tpu.memory_space<vmem_shared>>) offsets(%dma_start3A_177 : memref<128xi32, #tpu.memory_space<vmem>>) semaphore(%arg21 : memref<!tpu.dma_semaphore, #tpu.memory_space<semaphore_mem>>) {add = true}
      %dma_wait3A_181 = arith.constant 0 : i32
      %dma_wait3A_182 = tpu.memref_slice %arg6[%dma_wait3A_181] : memref<9984xi32, #tpu.memory_space<vmem>> -> memref<128xi32, #tpu.memory_space<vmem>>
      %dma_wait3A_183 = arith.constant 0 : i32
      %dma_wait3A_184 = arith.constant 0 : i32
      %dma_wait3A_185 = tpu.memref_slice %arg2[%dma_wait3A_183, %dma_wait3A_184] : memref<10000x32xf32, #tpu.memory_space<hbm>> -> memref<10000x32xf32, #tpu.memory_space<hbm>>
      tpu.wait_indirect_dma semaphore(%arg18 : memref<!tpu.dma_semaphore, #tpu.memory_space<semaphore_mem>>) src(%dma_wait3A_185 : memref<10000x32xf32, #tpu.memory_space<hbm>>) dst(%arg13 : memref<128x32xf32, #tpu.memory_space<vmem>>)
      %add3A_186 = arith.constant 3 : i32
      %add3A_187 = arith.addi %mul3A_141, %add3A_186 : i32
      %mul3A_188 = arith.constant 128 : i32
      %mul3A_189 = arith.muli %add3A_187, %mul3A_188 : i32
      %dma_start3A_190 = tpu.memref_slice %arg7[%mul3A_189] : memref<9984xi32, #tpu.memory_space<vmem>> -> memref<128xi32, #tpu.memory_space<vmem>>
      %dma_start3A_191 = arith.constant 0 : i32
      %dma_start3A_192 = arith.constant 0 : i32
      %dma_start3A_193 = tpu.memref_slice %arg14[%dma_start3A_191, %dma_start3A_192] : memref<10240x32xf32, #tpu.memory_space<vmem_shared>> -> memref<10240x32xf32, #tpu.memory_space<vmem_shared>>
      tpu.enqueue_indirect_dma source(%arg13 : memref<128x32xf32, #tpu.memory_space<vmem>>) target(%dma_start3A_193 : memref<10240x32xf32, #tpu.memory_space<vmem_shared>>) offsets(%dma_start3A_190 : memref<128xi32, #tpu.memory_space<vmem>>) semaphore(%arg22 : memref<!tpu.dma_semaphore, #tpu.memory_space<semaphore_mem>>) {add = true}
      %dma_wait3A_194 = arith.constant 0 : i32
      %dma_wait3A_195 = tpu.memref_slice %arg7[%dma_wait3A_194] : memref<9984xi32, #tpu.memory_space<vmem>> -> memref<128xi32, #tpu.memory_space<vmem>>
      %dma_wait3A_196 = arith.constant 0 : i32
      %dma_wait3A_197 = arith.constant 0 : i32
      %dma_wait3A_198 = tpu.memref_slice %arg14[%dma_wait3A_196, %dma_wait3A_197] : memref<10240x32xf32, #tpu.memory_space<vmem_shared>> -> memref<10240x32xf32, #tpu.memory_space<vmem_shared>>
      tpu.wait_indirect_dma semaphore(%arg19 : memref<!tpu.dma_semaphore, #tpu.memory_space<semaphore_mem>>) src(%arg10 : memref<128x32xf32, #tpu.memory_space<vmem>>) dst(%dma_wait3A_198 : memref<10240x32xf32, #tpu.memory_space<vmem_shared>>)
      %add3A_199 = arith.constant 4 : i32
      %add3A_200 = arith.addi %mul3A_141, %add3A_199 : i32
      %add3A_201 = arith.constant 0 : i32
      %add3A_202 = arith.addi %add3A_200, %add3A_201 : i32
      %mul3A_203 = arith.constant 128 : i32
      %mul3A_204 = arith.muli %add3A_202, %mul3A_203 : i32
      %dma_start3A_205 = tpu.memref_slice %arg6[%mul3A_204] : memref<9984xi32, #tpu.memory_space<vmem>> -> memref<128xi32, #tpu.memory_space<vmem>>
      %dma_start3A_206 = arith.constant 0 : i32
      %dma_start3A_207 = arith.constant 0 : i32
      %dma_start3A_208 = tpu.memref_slice %arg2[%dma_start3A_206, %dma_start3A_207] : memref<10000x32xf32, #tpu.memory_space<hbm>> -> memref<10000x32xf32, #tpu.memory_space<hbm>>
      tpu.enqueue_indirect_dma source(%dma_start3A_208 : memref<10000x32xf32, #tpu.memory_space<hbm>>) target(%arg10 : memref<128x32xf32, #tpu.memory_space<vmem>>) offsets(%dma_start3A_205 : memref<128xi32, #tpu.memory_space<vmem>>) semaphore(%arg15 : memref<!tpu.dma_semaphore, #tpu.memory_space<semaphore_mem>>)
      %dma_wait3A_209 = arith.constant 0 : i32
      %dma_wait3A_210 = tpu.memref_slice %arg7[%dma_wait3A_209] : memref<9984xi32, #tpu.memory_space<vmem>> -> memref<128xi32, #tpu.memory_space<vmem>>
      %dma_wait3A_211 = arith.constant 0 : i32
      %dma_wait3A_212 = arith.constant 0 : i32
      %dma_wait3A_213 = tpu.memref_slice %arg14[%dma_wait3A_211, %dma_wait3A_212] : memref<10240x32xf32, #tpu.memory_space<vmem_shared>> -> memref<10240x32xf32, #tpu.memory_space<vmem_shared>>
      tpu.wait_indirect_dma semaphore(%arg20 : memref<!tpu.dma_semaphore, #tpu.memory_space<semaphore_mem>>) src(%arg11 : memref<128x32xf32, #tpu.memory_space<vmem>>) dst(%dma_wait3A_213 : memref<10240x32xf32, #tpu.memory_space<vmem_shared>>)
      %add3A_214 = arith.constant 4 : i32
      %add3A_215 = arith.addi %mul3A_141, %add3A_214 : i32
      %add3A_216 = arith.constant 1 : i32
      %add3A_217 = arith.addi %add3A_215, %add3A_216 : i32
      %mul3A_218 = arith.constant 128 : i32
      %mul3A_219 = arith.muli %add3A_217, %mul3A_218 : i32
      %dma_start3A_220 = tpu.memref_slice %arg6[%mul3A_219] : memref<9984xi32, #tpu.memory_space<vmem>> -> memref<128xi32, #tpu.memory_space<vmem>>
      %dma_start3A_221 = arith.constant 0 : i32
      %dma_start3A_222 = arith.constant 0 : i32
      %dma_start3A_223 = tpu.memref_slice %arg2[%dma_start3A_221, %dma_start3A_222] : memref<10000x32xf32, #tpu.memory_space<hbm>> -> memref<10000x32xf32, #tpu.memory_space<hbm>>
      tpu.enqueue_indirect_dma source(%dma_start3A_223 : memref<10000x32xf32, #tpu.memory_space<hbm>>) target(%arg11 : memref<128x32xf32, #tpu.memory_space<vmem>>) offsets(%dma_start3A_220 : memref<128xi32, #tpu.memory_space<vmem>>) semaphore(%arg16 : memref<!tpu.dma_semaphore, #tpu.memory_space<semaphore_mem>>)
      %dma_wait3A_224 = arith.constant 0 : i32
      %dma_wait3A_225 = tpu.memref_slice %arg7[%dma_wait3A_224] : memref<9984xi32, #tpu.memory_space<vmem>> -> memref<128xi32, #tpu.memory_space<vmem>>
      %dma_wait3A_226 = arith.constant 0 : i32
      %dma_wait3A_227 = arith.constant 0 : i32
      %dma_wait3A_228 = tpu.memref_slice %arg14[%dma_wait3A_226, %dma_wait3A_227] : memref<10240x32xf32, #tpu.memory_space<vmem_shared>> -> memref<10240x32xf32, #tpu.memory_space<vmem_shared>>
      tpu.wait_indirect_dma semaphore(%arg21 : memref<!tpu.dma_semaphore, #tpu.memory_space<semaphore_mem>>) src(%arg12 : memref<128x32xf32, #tpu.memory_space<vmem>>) dst(%dma_wait3A_228 : memref<10240x32xf32, #tpu.memory_space<vmem_shared>>)
      %add3A_229 = arith.constant 4 : i32
      %add3A_230 = arith.addi %mul3A_141, %add3A_229 : i32
      %add3A_231 = arith.constant 2 : i32
      %add3A_232 = arith.addi %add3A_230, %add3A_231 : i32
      %mul3A_233 = arith.constant 128 : i32
      %mul3A_234 = arith.muli %add3A_232, %mul3A_233 : i32
      %dma_start3A_235 = tpu.memref_slice %arg6[%mul3A_234] : memref<9984xi32, #tpu.memory_space<vmem>> -> memref<128xi32, #tpu.memory_space<vmem>>
      %dma_start3A_236 = arith.constant 0 : i32
      %dma_start3A_237 = arith.constant 0 : i32
      %dma_start3A_238 = tpu.memref_slice %arg2[%dma_start3A_236, %dma_start3A_237] : memref<10000x32xf32, #tpu.memory_space<hbm>> -> memref<10000x32xf32, #tpu.memory_space<hbm>>
      tpu.enqueue_indirect_dma source(%dma_start3A_238 : memref<10000x32xf32, #tpu.memory_space<hbm>>) target(%arg12 : memref<128x32xf32, #tpu.memory_space<vmem>>) offsets(%dma_start3A_235 : memref<128xi32, #tpu.memory_space<vmem>>) semaphore(%arg17 : memref<!tpu.dma_semaphore, #tpu.memory_space<semaphore_mem>>)
      %dma_wait3A_239 = arith.constant 0 : i32
      %dma_wait3A_240 = tpu.memref_slice %arg7[%dma_wait3A_239] : memref<9984xi32, #tpu.memory_space<vmem>> -> memref<128xi32, #tpu.memory_space<vmem>>
      %dma_wait3A_241 = arith.constant 0 : i32
      %dma_wait3A_242 = arith.constant 0 : i32
      %dma_wait3A_243 = tpu.memref_slice %arg14[%dma_wait3A_241, %dma_wait3A_242] : memref<10240x32xf32, #tpu.memory_space<vmem_shared>> -> memref<10240x32xf32, #tpu.memory_space<vmem_shared>>
      tpu.wait_indirect_dma semaphore(%arg22 : memref<!tpu.dma_semaphore, #tpu.memory_space<semaphore_mem>>) src(%arg13 : memref<128x32xf32, #tpu.memory_space<vmem>>) dst(%dma_wait3A_243 : memref<10240x32xf32, #tpu.memory_space<vmem_shared>>)
      %add3A_244 = arith.constant 4 : i32
      %add3A_245 = arith.addi %mul3A_141, %add3A_244 : i32
      %add3A_246 = arith.constant 3 : i32
      %add3A_247 = arith.addi %add3A_245, %add3A_246 : i32
      %mul3A_248 = arith.constant 128 : i32
      %mul3A_249 = arith.muli %add3A_247, %mul3A_248 : i32
      %dma_start3A_250 = tpu.memref_slice %arg6[%mul3A_249] : memref<9984xi32, #tpu.memory_space<vmem>> -> memref<128xi32, #tpu.memory_space<vmem>>
      %dma_start3A_251 = arith.constant 0 : i32
      %dma_start3A_252 = arith.constant 0 : i32
      %dma_start3A_253 = tpu.memref_slice %arg2[%dma_start3A_251, %dma_start3A_252] : memref<10000x32xf32, #tpu.memory_space<hbm>> -> memref<10000x32xf32, #tpu.memory_space<hbm>>
      tpu.enqueue_indirect_dma source(%dma_start3A_253 : memref<10000x32xf32, #tpu.memory_space<hbm>>) target(%arg13 : memref<128x32xf32, #tpu.memory_space<vmem>>) offsets(%dma_start3A_250 : memref<128xi32, #tpu.memory_space<vmem>>) semaphore(%arg18 : memref<!tpu.dma_semaphore, #tpu.memory_space<semaphore_mem>>)
      %scan3A_254 = arith.constant 0 : i32
      scf.yield %scan3A_254 : i32
    }
    %scan3A_32 = arith.constant 18 : i32
    %dma_wait3A = arith.constant 0 : i32
    %dma_wait3A_33 = tpu.memref_slice %arg6[%dma_wait3A] : memref<9984xi32, #tpu.memory_space<vmem>> -> memref<128xi32, #tpu.memory_space<vmem>>
    %dma_wait3A_34 = arith.constant 0 : i32
    %dma_wait3A_35 = arith.constant 0 : i32
    %dma_wait3A_36 = tpu.memref_slice %arg2[%dma_wait3A_34, %dma_wait3A_35] : memref<10000x32xf32, #tpu.memory_space<hbm>> -> memref<10000x32xf32, #tpu.memory_space<hbm>>
    tpu.wait_indirect_dma semaphore(%arg15 : memref<!tpu.dma_semaphore, #tpu.memory_space<semaphore_mem>>) src(%dma_wait3A_36 : memref<10000x32xf32, #tpu.memory_space<hbm>>) dst(%arg10 : memref<128x32xf32, #tpu.memory_space<vmem>>)
    %dma_start3A_37 = arith.constant 9216 : i32
    %dma_start3A_38 = tpu.memref_slice %arg7[%dma_start3A_37] : memref<9984xi32, #tpu.memory_space<vmem>> -> memref<128xi32, #tpu.memory_space<vmem>>
    %dma_start3A_39 = arith.constant 0 : i32
    %dma_start3A_40 = arith.constant 0 : i32
    %dma_start3A_41 = tpu.memref_slice %arg14[%dma_start3A_39, %dma_start3A_40] : memref<10240x32xf32, #tpu.memory_space<vmem_shared>> -> memref<10240x32xf32, #tpu.memory_space<vmem_shared>>
    tpu.enqueue_indirect_dma source(%arg10 : memref<128x32xf32, #tpu.memory_space<vmem>>) target(%dma_start3A_41 : memref<10240x32xf32, #tpu.memory_space<vmem_shared>>) offsets(%dma_start3A_38 : memref<128xi32, #tpu.memory_space<vmem>>) semaphore(%arg19 : memref<!tpu.dma_semaphore, #tpu.memory_space<semaphore_mem>>) {add = true}
    %dma_wait3A_42 = arith.constant 0 : i32
    %dma_wait3A_43 = tpu.memref_slice %arg6[%dma_wait3A_42] : memref<9984xi32, #tpu.memory_space<vmem>> -> memref<128xi32, #tpu.memory_space<vmem>>
    %dma_wait3A_44 = arith.constant 0 : i32
    %dma_wait3A_45 = arith.constant 0 : i32
    %dma_wait3A_46 = tpu.memref_slice %arg2[%dma_wait3A_44, %dma_wait3A_45] : memref<10000x32xf32, #tpu.memory_space<hbm>> -> memref<10000x32xf32, #tpu.memory_space<hbm>>
    tpu.wait_indirect_dma semaphore(%arg16 : memref<!tpu.dma_semaphore, #tpu.memory_space<semaphore_mem>>) src(%dma_wait3A_46 : memref<10000x32xf32, #tpu.memory_space<hbm>>) dst(%arg11 : memref<128x32xf32, #tpu.memory_space<vmem>>)
    %dma_start3A_47 = arith.constant 9344 : i32
    %dma_start3A_48 = tpu.memref_slice %arg7[%dma_start3A_47] : memref<9984xi32, #tpu.memory_space<vmem>> -> memref<128xi32, #tpu.memory_space<vmem>>
    %dma_start3A_49 = arith.constant 0 : i32
    %dma_start3A_50 = arith.constant 0 : i32
    %dma_start3A_51 = tpu.memref_slice %arg14[%dma_start3A_49, %dma_start3A_50] : memref<10240x32xf32, #tpu.memory_space<vmem_shared>> -> memref<10240x32xf32, #tpu.memory_space<vmem_shared>>
    tpu.enqueue_indirect_dma source(%arg11 : memref<128x32xf32, #tpu.memory_space<vmem>>) target(%dma_start3A_51 : memref<10240x32xf32, #tpu.memory_space<vmem_shared>>) offsets(%dma_start3A_48 : memref<128xi32, #tpu.memory_space<vmem>>) semaphore(%arg20 : memref<!tpu.dma_semaphore, #tpu.memory_space<semaphore_mem>>) {add = true}
    %dma_wait3A_52 = arith.constant 0 : i32
    %dma_wait3A_53 = tpu.memref_slice %arg6[%dma_wait3A_52] : memref<9984xi32, #tpu.memory_space<vmem>> -> memref<128xi32, #tpu.memory_space<vmem>>
    %dma_wait3A_54 = arith.constant 0 : i32
    %dma_wait3A_55 = arith.constant 0 : i32
    %dma_wait3A_56 = tpu.memref_slice %arg2[%dma_wait3A_54, %dma_wait3A_55] : memref<10000x32xf32, #tpu.memory_space<hbm>> -> memref<10000x32xf32, #tpu.memory_space<hbm>>
    tpu.wait_indirect_dma semaphore(%arg17 : memref<!tpu.dma_semaphore, #tpu.memory_space<semaphore_mem>>) src(%dma_wait3A_56 : memref<10000x32xf32, #tpu.memory_space<hbm>>) dst(%arg12 : memref<128x32xf32, #tpu.memory_space<vmem>>)
    %dma_start3A_57 = arith.constant 9472 : i32
    %dma_start3A_58 = tpu.memref_slice %arg7[%dma_start3A_57] : memref<9984xi32, #tpu.memory_space<vmem>> -> memref<128xi32, #tpu.memory_space<vmem>>
    %dma_start3A_59 = arith.constant 0 : i32
    %dma_start3A_60 = arith.constant 0 : i32
    %dma_start3A_61 = tpu.memref_slice %arg14[%dma_start3A_59, %dma_start3A_60] : memref<10240x32xf32, #tpu.memory_space<vmem_shared>> -> memref<10240x32xf32, #tpu.memory_space<vmem_shared>>
    tpu.enqueue_indirect_dma source(%arg12 : memref<128x32xf32, #tpu.memory_space<vmem>>) target(%dma_start3A_61 : memref<10240x32xf32, #tpu.memory_space<vmem_shared>>) offsets(%dma_start3A_58 : memref<128xi32, #tpu.memory_space<vmem>>) semaphore(%arg21 : memref<!tpu.dma_semaphore, #tpu.memory_space<semaphore_mem>>) {add = true}
    %dma_wait3A_62 = arith.constant 0 : i32
    %dma_wait3A_63 = tpu.memref_slice %arg6[%dma_wait3A_62] : memref<9984xi32, #tpu.memory_space<vmem>> -> memref<128xi32, #tpu.memory_space<vmem>>
    %dma_wait3A_64 = arith.constant 0 : i32
    %dma_wait3A_65 = arith.constant 0 : i32
    %dma_wait3A_66 = tpu.memref_slice %arg2[%dma_wait3A_64, %dma_wait3A_65] : memref<10000x32xf32, #tpu.memory_space<hbm>> -> memref<10000x32xf32, #tpu.memory_space<hbm>>
    tpu.wait_indirect_dma semaphore(%arg18 : memref<!tpu.dma_semaphore, #tpu.memory_space<semaphore_mem>>) src(%dma_wait3A_66 : memref<10000x32xf32, #tpu.memory_space<hbm>>) dst(%arg13 : memref<128x32xf32, #tpu.memory_space<vmem>>)
    %dma_start3A_67 = arith.constant 9600 : i32
    %dma_start3A_68 = tpu.memref_slice %arg7[%dma_start3A_67] : memref<9984xi32, #tpu.memory_space<vmem>> -> memref<128xi32, #tpu.memory_space<vmem>>
    %dma_start3A_69 = arith.constant 0 : i32
    %dma_start3A_70 = arith.constant 0 : i32
    %dma_start3A_71 = tpu.memref_slice %arg14[%dma_start3A_69, %dma_start3A_70] : memref<10240x32xf32, #tpu.memory_space<vmem_shared>> -> memref<10240x32xf32, #tpu.memory_space<vmem_shared>>
    tpu.enqueue_indirect_dma source(%arg13 : memref<128x32xf32, #tpu.memory_space<vmem>>) target(%dma_start3A_71 : memref<10240x32xf32, #tpu.memory_space<vmem_shared>>) offsets(%dma_start3A_68 : memref<128xi32, #tpu.memory_space<vmem>>) semaphore(%arg22 : memref<!tpu.dma_semaphore, #tpu.memory_space<semaphore_mem>>) {add = true}
    %dma_wait3A_72 = arith.constant 0 : i32
    %dma_wait3A_73 = tpu.memref_slice %arg7[%dma_wait3A_72] : memref<9984xi32, #tpu.memory_space<vmem>> -> memref<128xi32, #tpu.memory_space<vmem>>
    %dma_wait3A_74 = arith.constant 0 : i32
    %dma_wait3A_75 = arith.constant 0 : i32
    %dma_wait3A_76 = tpu.memref_slice %arg14[%dma_wait3A_74, %dma_wait3A_75] : memref<10240x32xf32, #tpu.memory_space<vmem_shared>> -> memref<10240x32xf32, #tpu.memory_space<vmem_shared>>
    tpu.wait_indirect_dma semaphore(%arg19 : memref<!tpu.dma_semaphore, #tpu.memory_space<semaphore_mem>>) src(%arg10 : memref<128x32xf32, #tpu.memory_space<vmem>>) dst(%dma_wait3A_76 : memref<10240x32xf32, #tpu.memory_space<vmem_shared>>)
    %dma_start3A_77 = arith.constant 9728 : i32
    %dma_start3A_78 = tpu.memref_slice %arg6[%dma_start3A_77] : memref<9984xi32, #tpu.memory_space<vmem>> -> memref<128xi32, #tpu.memory_space<vmem>>
    %dma_start3A_79 = arith.constant 0 : i32
    %dma_start3A_80 = arith.constant 0 : i32
    %dma_start3A_81 = tpu.memref_slice %arg2[%dma_start3A_79, %dma_start3A_80] : memref<10000x32xf32, #tpu.memory_space<hbm>> -> memref<10000x32xf32, #tpu.memory_space<hbm>>
    tpu.enqueue_indirect_dma source(%dma_start3A_81 : memref<10000x32xf32, #tpu.memory_space<hbm>>) target(%arg10 : memref<128x32xf32, #tpu.memory_space<vmem>>) offsets(%dma_start3A_78 : memref<128xi32, #tpu.memory_space<vmem>>) semaphore(%arg15 : memref<!tpu.dma_semaphore, #tpu.memory_space<semaphore_mem>>)
    %dma_wait3A_82 = arith.constant 0 : i32
    %dma_wait3A_83 = tpu.memref_slice %arg7[%dma_wait3A_82] : memref<9984xi32, #tpu.memory_space<vmem>> -> memref<128xi32, #tpu.memory_space<vmem>>
    %dma_wait3A_84 = arith.constant 0 : i32
    %dma_wait3A_85 = arith.constant 0 : i32
    %dma_wait3A_86 = tpu.memref_slice %arg14[%dma_wait3A_84, %dma_wait3A_85] : memref<10240x32xf32, #tpu.memory_space<vmem_shared>> -> memref<10240x32xf32, #tpu.memory_space<vmem_shared>>
    tpu.wait_indirect_dma semaphore(%arg20 : memref<!tpu.dma_semaphore, #tpu.memory_space<semaphore_mem>>) src(%arg11 : memref<128x32xf32, #tpu.memory_space<vmem>>) dst(%dma_wait3A_86 : memref<10240x32xf32, #tpu.memory_space<vmem_shared>>)
    %dma_start3A_87 = arith.constant 9856 : i32
    %dma_start3A_88 = tpu.memref_slice %arg6[%dma_start3A_87] : memref<9984xi32, #tpu.memory_space<vmem>> -> memref<128xi32, #tpu.memory_space<vmem>>
    %dma_start3A_89 = arith.constant 0 : i32
    %dma_start3A_90 = arith.constant 0 : i32
    %dma_start3A_91 = tpu.memref_slice %arg2[%dma_start3A_89, %dma_start3A_90] : memref<10000x32xf32, #tpu.memory_space<hbm>> -> memref<10000x32xf32, #tpu.memory_space<hbm>>
    tpu.enqueue_indirect_dma source(%dma_start3A_91 : memref<10000x32xf32, #tpu.memory_space<hbm>>) target(%arg11 : memref<128x32xf32, #tpu.memory_space<vmem>>) offsets(%dma_start3A_88 : memref<128xi32, #tpu.memory_space<vmem>>) semaphore(%arg16 : memref<!tpu.dma_semaphore, #tpu.memory_space<semaphore_mem>>)
    %dma_wait3A_92 = arith.constant 0 : i32
    %dma_wait3A_93 = tpu.memref_slice %arg7[%dma_wait3A_92] : memref<9984xi32, #tpu.memory_space<vmem>> -> memref<128xi32, #tpu.memory_space<vmem>>
    %dma_wait3A_94 = arith.constant 0 : i32
    %dma_wait3A_95 = arith.constant 0 : i32
    %dma_wait3A_96 = tpu.memref_slice %arg14[%dma_wait3A_94, %dma_wait3A_95] : memref<10240x32xf32, #tpu.memory_space<vmem_shared>> -> memref<10240x32xf32, #tpu.memory_space<vmem_shared>>
    tpu.wait_indirect_dma semaphore(%arg21 : memref<!tpu.dma_semaphore, #tpu.memory_space<semaphore_mem>>) src(%arg12 : memref<128x32xf32, #tpu.memory_space<vmem>>) dst(%dma_wait3A_96 : memref<10240x32xf32, #tpu.memory_space<vmem_shared>>)
    %dma_wait3A_97 = arith.constant 0 : i32
    %dma_wait3A_98 = tpu.memref_slice %arg7[%dma_wait3A_97] : memref<9984xi32, #tpu.memory_space<vmem>> -> memref<128xi32, #tpu.memory_space<vmem>>
    %dma_wait3A_99 = arith.constant 0 : i32
    %dma_wait3A_100 = arith.constant 0 : i32
    %dma_wait3A_101 = tpu.memref_slice %arg14[%dma_wait3A_99, %dma_wait3A_100] : memref<10240x32xf32, #tpu.memory_space<vmem_shared>> -> memref<10240x32xf32, #tpu.memory_space<vmem_shared>>
    tpu.wait_indirect_dma semaphore(%arg22 : memref<!tpu.dma_semaphore, #tpu.memory_space<semaphore_mem>>) src(%arg13 : memref<128x32xf32, #tpu.memory_space<vmem>>) dst(%dma_wait3A_101 : memref<10240x32xf32, #tpu.memory_space<vmem_shared>>)
    %dma_wait3A_102 = arith.constant 0 : i32
    %dma_wait3A_103 = tpu.memref_slice %arg6[%dma_wait3A_102] : memref<9984xi32, #tpu.memory_space<vmem>> -> memref<128xi32, #tpu.memory_space<vmem>>
    %dma_wait3A_104 = arith.constant 0 : i32
    %dma_wait3A_105 = arith.constant 0 : i32
    %dma_wait3A_106 = tpu.memref_slice %arg2[%dma_wait3A_104, %dma_wait3A_105] : memref<10000x32xf32, #tpu.memory_space<hbm>> -> memref<10000x32xf32, #tpu.memory_space<hbm>>
    tpu.wait_indirect_dma semaphore(%arg15 : memref<!tpu.dma_semaphore, #tpu.memory_space<semaphore_mem>>) src(%dma_wait3A_106 : memref<10000x32xf32, #tpu.memory_space<hbm>>) dst(%arg10 : memref<128x32xf32, #tpu.memory_space<vmem>>)
    %dma_start3A_107 = arith.constant 9728 : i32
    %dma_start3A_108 = tpu.memref_slice %arg7[%dma_start3A_107] : memref<9984xi32, #tpu.memory_space<vmem>> -> memref<128xi32, #tpu.memory_space<vmem>>
    %dma_start3A_109 = arith.constant 0 : i32
    %dma_start3A_110 = arith.constant 0 : i32
    %dma_start3A_111 = tpu.memref_slice %arg14[%dma_start3A_109, %dma_start3A_110] : memref<10240x32xf32, #tpu.memory_space<vmem_shared>> -> memref<10240x32xf32, #tpu.memory_space<vmem_shared>>
    tpu.enqueue_indirect_dma source(%arg10 : memref<128x32xf32, #tpu.memory_space<vmem>>) target(%dma_start3A_111 : memref<10240x32xf32, #tpu.memory_space<vmem_shared>>) offsets(%dma_start3A_108 : memref<128xi32, #tpu.memory_space<vmem>>) semaphore(%arg19 : memref<!tpu.dma_semaphore, #tpu.memory_space<semaphore_mem>>) {add = true}
    %dma_wait3A_112 = arith.constant 0 : i32
    %dma_wait3A_113 = tpu.memref_slice %arg7[%dma_wait3A_112] : memref<9984xi32, #tpu.memory_space<vmem>> -> memref<128xi32, #tpu.memory_space<vmem>>
    %dma_wait3A_114 = arith.constant 0 : i32
    %dma_wait3A_115 = arith.constant 0 : i32
    %dma_wait3A_116 = tpu.memref_slice %arg14[%dma_wait3A_114, %dma_wait3A_115] : memref<10240x32xf32, #tpu.memory_space<vmem_shared>> -> memref<10240x32xf32, #tpu.memory_space<vmem_shared>>
    tpu.wait_indirect_dma semaphore(%arg19 : memref<!tpu.dma_semaphore, #tpu.memory_space<semaphore_mem>>) src(%arg10 : memref<128x32xf32, #tpu.memory_space<vmem>>) dst(%dma_wait3A_116 : memref<10240x32xf32, #tpu.memory_space<vmem_shared>>)
    %dma_wait3A_117 = arith.constant 0 : i32
    %dma_wait3A_118 = tpu.memref_slice %arg6[%dma_wait3A_117] : memref<9984xi32, #tpu.memory_space<vmem>> -> memref<128xi32, #tpu.memory_space<vmem>>
    %dma_wait3A_119 = arith.constant 0 : i32
    %dma_wait3A_120 = arith.constant 0 : i32
    %dma_wait3A_121 = tpu.memref_slice %arg2[%dma_wait3A_119, %dma_wait3A_120] : memref<10000x32xf32, #tpu.memory_space<hbm>> -> memref<10000x32xf32, #tpu.memory_space<hbm>>
    tpu.wait_indirect_dma semaphore(%arg16 : memref<!tpu.dma_semaphore, #tpu.memory_space<semaphore_mem>>) src(%dma_wait3A_121 : memref<10000x32xf32, #tpu.memory_space<hbm>>) dst(%arg11 : memref<128x32xf32, #tpu.memory_space<vmem>>)
    %dma_start3A_122 = arith.constant 9856 : i32
    %dma_start3A_123 = tpu.memref_slice %arg7[%dma_start3A_122] : memref<9984xi32, #tpu.memory_space<vmem>> -> memref<128xi32, #tpu.memory_space<vmem>>
    %dma_start3A_124 = arith.constant 0 : i32
    %dma_start3A_125 = arith.constant 0 : i32
    %dma_start3A_126 = tpu.memref_slice %arg14[%dma_start3A_124, %dma_start3A_125] : memref<10240x32xf32, #tpu.memory_space<vmem_shared>> -> memref<10240x32xf32, #tpu.memory_space<vmem_shared>>
    tpu.enqueue_indirect_dma source(%arg11 : memref<128x32xf32, #tpu.memory_space<vmem>>) target(%dma_start3A_126 : memref<10240x32xf32, #tpu.memory_space<vmem_shared>>) offsets(%dma_start3A_123 : memref<128xi32, #tpu.memory_space<vmem>>) semaphore(%arg20 : memref<!tpu.dma_semaphore, #tpu.memory_space<semaphore_mem>>) {add = true}
    %dma_wait3A_127 = arith.constant 0 : i32
    %dma_wait3A_128 = tpu.memref_slice %arg7[%dma_wait3A_127] : memref<9984xi32, #tpu.memory_space<vmem>> -> memref<128xi32, #tpu.memory_space<vmem>>
    %dma_wait3A_129 = arith.constant 0 : i32
    %dma_wait3A_130 = arith.constant 0 : i32
    %dma_wait3A_131 = tpu.memref_slice %arg14[%dma_wait3A_129, %dma_wait3A_130] : memref<10240x32xf32, #tpu.memory_space<vmem_shared>> -> memref<10240x32xf32, #tpu.memory_space<vmem_shared>>
    tpu.wait_indirect_dma semaphore(%arg20 : memref<!tpu.dma_semaphore, #tpu.memory_space<semaphore_mem>>) src(%arg11 : memref<128x32xf32, #tpu.memory_space<vmem>>) dst(%dma_wait3A_131 : memref<10240x32xf32, #tpu.memory_space<vmem_shared>>)
    %lt3A_132 = arith.constant 4 : i32
    %lt3A_133 = arith.cmpi slt, %add3A, %lt3A_132 : i32
    %convert_element_type3A_134 = arith.extui %lt3A_133 : i1 to i32
    %cond3A_135 = arith.constant 0 : i32
    %cond3A_136 = arith.cmpi ne, %convert_element_type3A_134, %cond3A_135 : i32
    scf.if %cond3A_136 {
      %dma_start3A_138 = arith.constant 0 : i32
      %dma_start3A_139 = arith.constant 0 : i32
      %dma_start3A_140 = tpu.memref_slice %arg2[%dma_start3A_138, %dma_start3A_139] : memref<10000x32xf32, #tpu.memory_space<hbm>> -> memref<10000x32xf32, #tpu.memory_space<hbm>>
      tpu.enqueue_indirect_dma source(%dma_start3A_140 : memref<10000x32xf32, #tpu.memory_space<hbm>>) target(%arg10 : memref<128x32xf32, #tpu.memory_space<vmem>>) offsets(%arg8 : memref<128xi32, #tpu.memory_space<vmem>>) semaphore(%arg15 : memref<!tpu.dma_semaphore, #tpu.memory_space<semaphore_mem>>)
      %dma_wait3A_141 = arith.constant 0 : i32
      %dma_wait3A_142 = arith.constant 0 : i32
      %dma_wait3A_143 = tpu.memref_slice %arg2[%dma_wait3A_141, %dma_wait3A_142] : memref<10000x32xf32, #tpu.memory_space<hbm>> -> memref<10000x32xf32, #tpu.memory_space<hbm>>
      tpu.wait_indirect_dma semaphore(%arg15 : memref<!tpu.dma_semaphore, #tpu.memory_space<semaphore_mem>>) src(%dma_wait3A_143 : memref<10000x32xf32, #tpu.memory_space<hbm>>) dst(%arg10 : memref<128x32xf32, #tpu.memory_space<vmem>>)
      "tpu.region"() ({
        %run_scoped3A_144 = tpu.sem_alloc : memref<!tpu.dma_semaphore, #tpu.memory_space<semaphore_mem>>
        %dma_start3A_145 = arith.constant 0 : i32
        %dma_start3A_146 = arith.constant 0 : i32
        %dma_start3A_147 = tpu.memref_slice %arg14[%dma_start3A_145, %dma_start3A_146] : memref<10240x32xf32, #tpu.memory_space<vmem_shared>> -> memref<10240x32xf32, #tpu.memory_space<vmem_shared>>
        tpu.enqueue_indirect_dma source(%arg10 : memref<128x32xf32, #tpu.memory_space<vmem>>) target(%dma_start3A_147 : memref<10240x32xf32, #tpu.memory_space<vmem_shared>>) offsets(%arg9 : memref<128xi32, #tpu.memory_space<vmem>>) semaphore(%run_scoped3A_144 : memref<!tpu.dma_semaphore, #tpu.memory_space<semaphore_mem>>) {add = true}
        %dma_wait3A_148 = arith.constant 0 : i32
        %dma_wait3A_149 = arith.constant 0 : i32
        %dma_wait3A_150 = tpu.memref_slice %arg14[%dma_wait3A_148, %dma_wait3A_149] : memref<10240x32xf32, #tpu.memory_space<vmem_shared>> -> memref<10240x32xf32, #tpu.memory_space<vmem_shared>>
        tpu.wait_indirect_dma semaphore(%run_scoped3A_144 : memref<!tpu.dma_semaphore, #tpu.memory_space<semaphore_mem>>) src(%arg10 : memref<128x32xf32, #tpu.memory_space<vmem>>) dst(%dma_wait3A_150 : memref<10240x32xf32, #tpu.memory_space<vmem_shared>>)
        tpu.yield
      }) : () -> ()
    } else {
    }
    %barrier3A_137 = arith.constant 0 : index
    tpu.barrier barrier_id(%barrier3A_137)
    "tpu.region"() ({
      %run_scoped3A_138 = tpu.sem_alloc : memref<!tpu.dma_semaphore, #tpu.memory_space<semaphore_mem>>
      %dma_start3A_139 = arith.constant 0 : i32
      %dma_start3A_140 = tpu.memref_slice %arg5[%arg0, %mul3A_2, %dma_start3A_139] : memref<2x10240x32xf32, #tpu.memory_space<hbm>> -> memref<1x640x32xf32, #tpu.memory_space<hbm>>
      %dma_start3A_141 = tpu.memref_squeeze %dma_start3A_140 : memref<1x640x32xf32, #tpu.memory_space<hbm>> -> memref<640x32xf32, #tpu.memory_space<hbm>>
      %dma_start3A_142 = arith.constant 0 : i32
      %dma_start3A_143 = tpu.memref_slice %arg14[%mul3A_2, %dma_start3A_142] : memref<10240x32xf32, #tpu.memory_space<vmem_shared>> -> memref<640x32xf32, #tpu.memory_space<vmem_shared>>
      tpu.enqueue_dma source(%dma_start3A_143 : memref<640x32xf32, #tpu.memory_space<vmem_shared>>) target(%dma_start3A_141 : memref<640x32xf32, #tpu.memory_space<hbm>>) target_semaphore(%run_scoped3A_138 : memref<!tpu.dma_semaphore, #tpu.memory_space<semaphore_mem>>)
      %dma_wait3A_144 = arith.constant 0 : i32
      %dma_wait3A_145 = tpu.memref_slice %arg5[%arg0, %mul3A_2, %dma_wait3A_144] : memref<2x10240x32xf32, #tpu.memory_space<hbm>> -> memref<1x640x32xf32, #tpu.memory_space<hbm>>
      %dma_wait3A_146 = tpu.memref_squeeze %dma_wait3A_145 : memref<1x640x32xf32, #tpu.memory_space<hbm>> -> memref<640x32xf32, #tpu.memory_space<hbm>>
      %dma_wait3A_147 = arith.constant 0 : i32
      %dma_wait3A_148 = tpu.memref_slice %arg14[%mul3A_2, %dma_wait3A_147] : memref<10240x32xf32, #tpu.memory_space<vmem_shared>> -> memref<640x32xf32, #tpu.memory_space<vmem_shared>>
      tpu.wait_dma2 semaphore(%run_scoped3A_138 : memref<!tpu.dma_semaphore, #tpu.memory_space<semaphore_mem>>) src(%dma_wait3A_148 : memref<640x32xf32, #tpu.memory_space<vmem_shared>>) dst(%dma_wait3A_146 : memref<640x32xf32, #tpu.memory_space<hbm>>)
      tpu.yield
    }) : () -> ()
    return
  }
}

#map = affine_map<(d0, d1) -> (0, 0)>
#map1 = affine_map<(d0, d1) -> (0, 0, 0)>
module attributes {stable_mosaic.version = 14 : i64} {
  func.func @body(%arg0: i32, %arg1: i32, %arg2: memref<10000x64xf32, #tpu.memory_space<hbm>>, %arg3: memref<2x320000xi32, #tpu.memory_space<hbm>>, %arg4: memref<10240x64xf32, #tpu.memory_space<hbm>>, %arg5: memref<10240x16xf32, #tpu.memory_space<hbm>>, %arg6: memref<2x10240x64xf32, #tpu.memory_space<hbm>>, %arg7: memref<2x10240x16xf32, #tpu.memory_space<hbm>>, %arg8: memref<9984xi32, #tpu.memory_space<vmem>>, %arg9: memref<9984xi32, #tpu.memory_space<vmem>>, %arg10: memref<128xi32, #tpu.memory_space<vmem>>, %arg11: memref<128xi32, #tpu.memory_space<vmem>>, %arg12: memref<128x64xf32, #tpu.memory_space<vmem>>, %arg13: memref<128x64xf32, #tpu.memory_space<vmem>>, %arg14: memref<128x64xf32, #tpu.memory_space<vmem>>, %arg15: memref<128x64xf32, #tpu.memory_space<vmem>>, %arg16: memref<10240x64xf32, #tpu.memory_space<vmem_shared>>, %arg17: memref<!tpu.dma_semaphore, #tpu.memory_space<semaphore_mem>>, %arg18: memref<!tpu.dma_semaphore, #tpu.memory_space<semaphore_mem>>, %arg19: memref<!tpu.dma_semaphore, #tpu.memory_space<semaphore_mem>>, %arg20: memref<!tpu.dma_semaphore, #tpu.memory_space<semaphore_mem>>, %arg21: memref<!tpu.dma_semaphore, #tpu.memory_space<semaphore_mem>>, %arg22: memref<!tpu.dma_semaphore, #tpu.memory_space<semaphore_mem>>, %arg23: memref<!tpu.dma_semaphore, #tpu.memory_space<semaphore_mem>>, %arg24: memref<!tpu.dma_semaphore, #tpu.memory_space<semaphore_mem>>, %arg25: memref<128x16xf32, #tpu.memory_space<vmem>>, %arg26: memref<10240x16xf32, #tpu.memory_space<vmem_shared>>, %arg27: memref<!tpu.dma_semaphore, #tpu.memory_space<semaphore_mem>>, %arg28: memref<!tpu.dma_semaphore, #tpu.memory_space<semaphore_mem>>, %arg29: memref<!tpu.dma_semaphore, #tpu.memory_space<semaphore_mem>>, %arg30: memref<!tpu.dma_semaphore, #tpu.memory_space<semaphore_mem>>) attributes {dimension_semantics = [#tpu.dimension_semantics<core_parallel>, #tpu.dimension_semantics<subcore_parallel>], iteration_bounds = array<i64: 2, 16>, scalar_prefetch = 0 : i64, scratch_operands = 23 : i64, tpu.core_type = #tpu.core_type<sc_vector_subcore>, window_params = [{transform_indices = #map}, {transform_indices = #map}, {transform_indices = #map}, {transform_indices = #map}, {transform_indices = #map1}, {transform_indices = #map1}]} {
    %mul3A = arith.constant 16 : i32
    %mul3A_0 = arith.muli %arg0, %mul3A : i32
    %add3A = arith.addi %mul3A_0, %arg1 : i32
    %mul3A_1 = arith.constant 640 : i32
    %mul3A_2 = arith.muli %arg1, %mul3A_1 : i32
    %mul3A_3 = arith.constant 9984 : i32
    %mul3A_4 = arith.muli %add3A, %mul3A_3 : i32
    %run_scoped3A = arith.constant 0 : i32
    "tpu.region"() ({
      %run_scoped3A_205 = tpu.sem_alloc : memref<!tpu.dma_semaphore, #tpu.memory_space<semaphore_mem>>
      %dma_start3A_206 = tpu.memref_slice %arg3[%run_scoped3A, %mul3A_4] : memref<2x320000xi32, #tpu.memory_space<hbm>> -> memref<1x9984xi32, #tpu.memory_space<hbm>>
      %dma_start3A_207 = tpu.memref_squeeze %dma_start3A_206 : memref<1x9984xi32, #tpu.memory_space<hbm>> -> memref<9984xi32, #tpu.memory_space<hbm>>
      %dma_start3A_208 = tpu.memref_slice %arg3[%run_scoped3A, %mul3A_4] : memref<2x320000xi32, #tpu.memory_space<hbm>> -> memref<1x9984xi32, #tpu.memory_space<hbm>>
      %dma_start3A_209 = tpu.memref_squeeze %dma_start3A_208 : memref<1x9984xi32, #tpu.memory_space<hbm>> -> memref<9984xi32, #tpu.memory_space<hbm>>
      tpu.enqueue_dma source(%dma_start3A_209 : memref<9984xi32, #tpu.memory_space<hbm>>) target(%arg8 : memref<9984xi32, #tpu.memory_space<vmem>>) target_semaphore(%run_scoped3A_205 : memref<!tpu.dma_semaphore, #tpu.memory_space<semaphore_mem>>)
      %dma_wait3A_210 = tpu.memref_slice %arg3[%run_scoped3A, %mul3A_4] : memref<2x320000xi32, #tpu.memory_space<hbm>> -> memref<1x9984xi32, #tpu.memory_space<hbm>>
      %dma_wait3A_211 = tpu.memref_squeeze %dma_wait3A_210 : memref<1x9984xi32, #tpu.memory_space<hbm>> -> memref<9984xi32, #tpu.memory_space<hbm>>
      %dma_wait3A_212 = tpu.memref_slice %arg3[%run_scoped3A, %mul3A_4] : memref<2x320000xi32, #tpu.memory_space<hbm>> -> memref<1x9984xi32, #tpu.memory_space<hbm>>
      %dma_wait3A_213 = tpu.memref_squeeze %dma_wait3A_212 : memref<1x9984xi32, #tpu.memory_space<hbm>> -> memref<9984xi32, #tpu.memory_space<hbm>>
      tpu.wait_dma2 semaphore(%run_scoped3A_205 : memref<!tpu.dma_semaphore, #tpu.memory_space<semaphore_mem>>) src(%dma_wait3A_213 : memref<9984xi32, #tpu.memory_space<hbm>>) dst(%arg8 : memref<9984xi32, #tpu.memory_space<vmem>>)
      tpu.yield
    }) : () -> ()
    %run_scoped3A_5 = arith.constant 1 : i32
    "tpu.region"() ({
      %run_scoped3A_205 = tpu.sem_alloc : memref<!tpu.dma_semaphore, #tpu.memory_space<semaphore_mem>>
      %dma_start3A_206 = tpu.memref_slice %arg3[%run_scoped3A_5, %mul3A_4] : memref<2x320000xi32, #tpu.memory_space<hbm>> -> memref<1x9984xi32, #tpu.memory_space<hbm>>
      %dma_start3A_207 = tpu.memref_squeeze %dma_start3A_206 : memref<1x9984xi32, #tpu.memory_space<hbm>> -> memref<9984xi32, #tpu.memory_space<hbm>>
      %dma_start3A_208 = tpu.memref_slice %arg3[%run_scoped3A_5, %mul3A_4] : memref<2x320000xi32, #tpu.memory_space<hbm>> -> memref<1x9984xi32, #tpu.memory_space<hbm>>
      %dma_start3A_209 = tpu.memref_squeeze %dma_start3A_208 : memref<1x9984xi32, #tpu.memory_space<hbm>> -> memref<9984xi32, #tpu.memory_space<hbm>>
      tpu.enqueue_dma source(%dma_start3A_209 : memref<9984xi32, #tpu.memory_space<hbm>>) target(%arg9 : memref<9984xi32, #tpu.memory_space<vmem>>) target_semaphore(%run_scoped3A_205 : memref<!tpu.dma_semaphore, #tpu.memory_space<semaphore_mem>>)
      %dma_wait3A_210 = tpu.memref_slice %arg3[%run_scoped3A_5, %mul3A_4] : memref<2x320000xi32, #tpu.memory_space<hbm>> -> memref<1x9984xi32, #tpu.memory_space<hbm>>
      %dma_wait3A_211 = tpu.memref_squeeze %dma_wait3A_210 : memref<1x9984xi32, #tpu.memory_space<hbm>> -> memref<9984xi32, #tpu.memory_space<hbm>>
      %dma_wait3A_212 = tpu.memref_slice %arg3[%run_scoped3A_5, %mul3A_4] : memref<2x320000xi32, #tpu.memory_space<hbm>> -> memref<1x9984xi32, #tpu.memory_space<hbm>>
      %dma_wait3A_213 = tpu.memref_squeeze %dma_wait3A_212 : memref<1x9984xi32, #tpu.memory_space<hbm>> -> memref<9984xi32, #tpu.memory_space<hbm>>
      tpu.wait_dma2 semaphore(%run_scoped3A_205 : memref<!tpu.dma_semaphore, #tpu.memory_space<semaphore_mem>>) src(%dma_wait3A_213 : memref<9984xi32, #tpu.memory_space<hbm>>) dst(%arg9 : memref<9984xi32, #tpu.memory_space<vmem>>)
      tpu.yield
    }) : () -> ()
    %lt3A = arith.constant 4 : i32
    %lt3A_6 = arith.cmpi slt, %add3A, %lt3A : i32
    %convert_element_type3A = arith.extui %lt3A_6 : i1 to i32
    %cond3A = arith.constant 0 : i32
    %cond3A_7 = arith.cmpi ne, %convert_element_type3A, %cond3A : i32
    scf.if %cond3A_7 {
      %mul3A_205 = arith.constant 128 : i32
      %mul3A_206 = arith.muli %add3A, %mul3A_205 : i32
      %add3A_207 = arith.constant 319488 : i32
      %add3A_208 = arith.addi %add3A_207, %mul3A_206 : i32
      %run_scoped3A_209 = arith.constant 0 : i32
      "tpu.region"() ({
        %run_scoped3A_211 = tpu.sem_alloc : memref<!tpu.dma_semaphore, #tpu.memory_space<semaphore_mem>>
        %dma_start3A_212 = tpu.memref_slice %arg3[%run_scoped3A_209, %add3A_208] : memref<2x320000xi32, #tpu.memory_space<hbm>> -> memref<1x128xi32, #tpu.memory_space<hbm>>
        %dma_start3A_213 = tpu.memref_squeeze %dma_start3A_212 : memref<1x128xi32, #tpu.memory_space<hbm>> -> memref<128xi32, #tpu.memory_space<hbm>>
        %dma_start3A_214 = tpu.memref_slice %arg3[%run_scoped3A_209, %add3A_208] : memref<2x320000xi32, #tpu.memory_space<hbm>> -> memref<1x128xi32, #tpu.memory_space<hbm>>
        %dma_start3A_215 = tpu.memref_squeeze %dma_start3A_214 : memref<1x128xi32, #tpu.memory_space<hbm>> -> memref<128xi32, #tpu.memory_space<hbm>>
        tpu.enqueue_dma source(%dma_start3A_215 : memref<128xi32, #tpu.memory_space<hbm>>) target(%arg10 : memref<128xi32, #tpu.memory_space<vmem>>) target_semaphore(%run_scoped3A_211 : memref<!tpu.dma_semaphore, #tpu.memory_space<semaphore_mem>>)
        %dma_wait3A_216 = tpu.memref_slice %arg3[%run_scoped3A_209, %add3A_208] : memref<2x320000xi32, #tpu.memory_space<hbm>> -> memref<1x128xi32, #tpu.memory_space<hbm>>
        %dma_wait3A_217 = tpu.memref_squeeze %dma_wait3A_216 : memref<1x128xi32, #tpu.memory_space<hbm>> -> memref<128xi32, #tpu.memory_space<hbm>>
        %dma_wait3A_218 = tpu.memref_slice %arg3[%run_scoped3A_209, %add3A_208] : memref<2x320000xi32, #tpu.memory_space<hbm>> -> memref<1x128xi32, #tpu.memory_space<hbm>>
        %dma_wait3A_219 = tpu.memref_squeeze %dma_wait3A_218 : memref<1x128xi32, #tpu.memory_space<hbm>> -> memref<128xi32, #tpu.memory_space<hbm>>
        tpu.wait_dma2 semaphore(%run_scoped3A_211 : memref<!tpu.dma_semaphore, #tpu.memory_space<semaphore_mem>>) src(%dma_wait3A_219 : memref<128xi32, #tpu.memory_space<hbm>>) dst(%arg10 : memref<128xi32, #tpu.memory_space<vmem>>)
        tpu.yield
      }) : () -> ()
      %run_scoped3A_210 = arith.constant 1 : i32
      "tpu.region"() ({
        %run_scoped3A_211 = tpu.sem_alloc : memref<!tpu.dma_semaphore, #tpu.memory_space<semaphore_mem>>
        %dma_start3A_212 = tpu.memref_slice %arg3[%run_scoped3A_210, %add3A_208] : memref<2x320000xi32, #tpu.memory_space<hbm>> -> memref<1x128xi32, #tpu.memory_space<hbm>>
        %dma_start3A_213 = tpu.memref_squeeze %dma_start3A_212 : memref<1x128xi32, #tpu.memory_space<hbm>> -> memref<128xi32, #tpu.memory_space<hbm>>
        %dma_start3A_214 = tpu.memref_slice %arg3[%run_scoped3A_210, %add3A_208] : memref<2x320000xi32, #tpu.memory_space<hbm>> -> memref<1x128xi32, #tpu.memory_space<hbm>>
        %dma_start3A_215 = tpu.memref_squeeze %dma_start3A_214 : memref<1x128xi32, #tpu.memory_space<hbm>> -> memref<128xi32, #tpu.memory_space<hbm>>
        tpu.enqueue_dma source(%dma_start3A_215 : memref<128xi32, #tpu.memory_space<hbm>>) target(%arg11 : memref<128xi32, #tpu.memory_space<vmem>>) target_semaphore(%run_scoped3A_211 : memref<!tpu.dma_semaphore, #tpu.memory_space<semaphore_mem>>)
        %dma_wait3A_216 = tpu.memref_slice %arg3[%run_scoped3A_210, %add3A_208] : memref<2x320000xi32, #tpu.memory_space<hbm>> -> memref<1x128xi32, #tpu.memory_space<hbm>>
        %dma_wait3A_217 = tpu.memref_squeeze %dma_wait3A_216 : memref<1x128xi32, #tpu.memory_space<hbm>> -> memref<128xi32, #tpu.memory_space<hbm>>
        %dma_wait3A_218 = tpu.memref_slice %arg3[%run_scoped3A_210, %add3A_208] : memref<2x320000xi32, #tpu.memory_space<hbm>> -> memref<1x128xi32, #tpu.memory_space<hbm>>
        %dma_wait3A_219 = tpu.memref_squeeze %dma_wait3A_218 : memref<1x128xi32, #tpu.memory_space<hbm>> -> memref<128xi32, #tpu.memory_space<hbm>>
        tpu.wait_dma2 semaphore(%run_scoped3A_211 : memref<!tpu.dma_semaphore, #tpu.memory_space<semaphore_mem>>) src(%dma_wait3A_219 : memref<128xi32, #tpu.memory_space<hbm>>) dst(%arg11 : memref<128xi32, #tpu.memory_space<vmem>>)
        tpu.yield
      }) : () -> ()
    } else {
    }
    "tpu.region"() ({
      %run_scoped3A_205 = tpu.sem_alloc : memref<!tpu.dma_semaphore, #tpu.memory_space<semaphore_mem>>
      %dma_start3A_206 = arith.constant 0 : i32
      %dma_start3A_207 = tpu.memref_slice %arg16[%mul3A_2, %dma_start3A_206] : memref<10240x64xf32, #tpu.memory_space<vmem_shared>> -> memref<640x64xf32, #tpu.memory_space<vmem_shared>>
      %dma_start3A_208 = arith.constant 0 : i32
      %dma_start3A_209 = tpu.memref_slice %arg4[%mul3A_2, %dma_start3A_208] : memref<10240x64xf32, #tpu.memory_space<hbm>> -> memref<640x64xf32, #tpu.memory_space<hbm>>
      tpu.enqueue_dma source(%dma_start3A_209 : memref<640x64xf32, #tpu.memory_space<hbm>>) target(%dma_start3A_207 : memref<640x64xf32, #tpu.memory_space<vmem_shared>>) target_semaphore(%run_scoped3A_205 : memref<!tpu.dma_semaphore, #tpu.memory_space<semaphore_mem>>)
      %dma_wait3A_210 = arith.constant 0 : i32
      %dma_wait3A_211 = tpu.memref_slice %arg16[%mul3A_2, %dma_wait3A_210] : memref<10240x64xf32, #tpu.memory_space<vmem_shared>> -> memref<640x64xf32, #tpu.memory_space<vmem_shared>>
      %dma_wait3A_212 = arith.constant 0 : i32
      %dma_wait3A_213 = tpu.memref_slice %arg4[%mul3A_2, %dma_wait3A_212] : memref<10240x64xf32, #tpu.memory_space<hbm>> -> memref<640x64xf32, #tpu.memory_space<hbm>>
      tpu.wait_dma2 semaphore(%run_scoped3A_205 : memref<!tpu.dma_semaphore, #tpu.memory_space<semaphore_mem>>) src(%dma_wait3A_213 : memref<640x64xf32, #tpu.memory_space<hbm>>) dst(%dma_wait3A_211 : memref<640x64xf32, #tpu.memory_space<vmem_shared>>)
      tpu.yield
    }) : () -> ()
    "tpu.region"() ({
      %run_scoped3A_205 = tpu.sem_alloc : memref<!tpu.dma_semaphore, #tpu.memory_space<semaphore_mem>>
      %dma_start3A_206 = arith.constant 0 : i32
      %dma_start3A_207 = tpu.memref_slice %arg26[%mul3A_2, %dma_start3A_206] : memref<10240x16xf32, #tpu.memory_space<vmem_shared>> -> memref<640x16xf32, #tpu.memory_space<vmem_shared>>
      %dma_start3A_208 = arith.constant 0 : i32
      %dma_start3A_209 = tpu.memref_slice %arg5[%mul3A_2, %dma_start3A_208] : memref<10240x16xf32, #tpu.memory_space<hbm>> -> memref<640x16xf32, #tpu.memory_space<hbm>>
      tpu.enqueue_dma source(%dma_start3A_209 : memref<640x16xf32, #tpu.memory_space<hbm>>) target(%dma_start3A_207 : memref<640x16xf32, #tpu.memory_space<vmem_shared>>) target_semaphore(%run_scoped3A_205 : memref<!tpu.dma_semaphore, #tpu.memory_space<semaphore_mem>>)
      %dma_wait3A_210 = arith.constant 0 : i32
      %dma_wait3A_211 = tpu.memref_slice %arg26[%mul3A_2, %dma_wait3A_210] : memref<10240x16xf32, #tpu.memory_space<vmem_shared>> -> memref<640x16xf32, #tpu.memory_space<vmem_shared>>
      %dma_wait3A_212 = arith.constant 0 : i32
      %dma_wait3A_213 = tpu.memref_slice %arg5[%mul3A_2, %dma_wait3A_212] : memref<10240x16xf32, #tpu.memory_space<hbm>> -> memref<640x16xf32, #tpu.memory_space<hbm>>
      tpu.wait_dma2 semaphore(%run_scoped3A_205 : memref<!tpu.dma_semaphore, #tpu.memory_space<semaphore_mem>>) src(%dma_wait3A_213 : memref<640x16xf32, #tpu.memory_space<hbm>>) dst(%dma_wait3A_211 : memref<640x16xf32, #tpu.memory_space<vmem_shared>>)
      tpu.yield
    }) : () -> ()
    %scan3A = arith.constant 0 : i32
    %scan3A_8 = arith.constant 0 : i32
    %scan3A_9 = arith.constant 128 : i32
    %scan3A_10 = arith.addi %scan3A_8, %scan3A_9 : i32
    %scan3A_11 = arith.constant 1 : i32
    %scan3A_12 = scf.for %scan3A_205 = %scan3A_8 to %scan3A_10 step %scan3A_11 iter_args(%scan3A_206 = %scan3A) -> (i32)  : i32 {
      %broadcast_in_dim3A = arith.constant 1.000000e+00 : f32
      %broadcast_in_dim3A_207 = vector.broadcast %broadcast_in_dim3A : f32 to vector<16xf32>
      %swap3A = arith.index_cast %scan3A_205 : i32 to index
      %swap3A_208 = arith.constant 0 : index
      %swap3A_209 = tpu.vector_load %arg25[%swap3A, %swap3A_208] {strides = array<i32>} : memref<128x16xf32, #tpu.memory_space<vmem>>, vector<1x16xf32>,
      %swap3A_210 = vector.shape_cast %swap3A_209 : vector<1x16xf32> to vector<16xf32>
      %swap3A_211 = vector.shape_cast %broadcast_in_dim3A_207 : vector<16xf32> to vector<1x16xf32>
      tpu.vector_store %arg25[%swap3A, %swap3A_208], %swap3A_211 {strides = array<i32>} : memref<128x16xf32, #tpu.memory_space<vmem>>, vector<1x16xf32>,
      %scan3A_212 = arith.constant 0 : i32
      scf.yield %scan3A_212 : i32
    }
    %scan3A_13 = arith.constant 128 : i32
    %barrier3A = arith.constant 0 : index
    tpu.barrier barrier_id(%barrier3A)
    %dma_start3A = arith.constant 0 : i32
    %dma_start3A_14 = tpu.memref_slice %arg8[%dma_start3A] : memref<9984xi32, #tpu.memory_space<vmem>> -> memref<128xi32, #tpu.memory_space<vmem>>
    %dma_start3A_15 = arith.constant 0 : i32
    %dma_start3A_16 = arith.constant 0 : i32
    %dma_start3A_17 = tpu.memref_slice %arg2[%dma_start3A_15, %dma_start3A_16] : memref<10000x64xf32, #tpu.memory_space<hbm>> -> memref<10000x64xf32, #tpu.memory_space<hbm>>
    tpu.enqueue_indirect_dma source(%dma_start3A_17 : memref<10000x64xf32, #tpu.memory_space<hbm>>) target(%arg12 : memref<128x64xf32, #tpu.memory_space<vmem>>) offsets(%dma_start3A_14 : memref<128xi32, #tpu.memory_space<vmem>>) semaphore(%arg17 : memref<!tpu.dma_semaphore, #tpu.memory_space<semaphore_mem>>)
    %dma_start3A_18 = arith.constant 128 : i32
    %dma_start3A_19 = tpu.memref_slice %arg8[%dma_start3A_18] : memref<9984xi32, #tpu.memory_space<vmem>> -> memref<128xi32, #tpu.memory_space<vmem>>
    %dma_start3A_20 = arith.constant 0 : i32
    %dma_start3A_21 = arith.constant 0 : i32
    %dma_start3A_22 = tpu.memref_slice %arg2[%dma_start3A_20, %dma_start3A_21] : memref<10000x64xf32, #tpu.memory_space<hbm>> -> memref<10000x64xf32, #tpu.memory_space<hbm>>
    tpu.enqueue_indirect_dma source(%dma_start3A_22 : memref<10000x64xf32, #tpu.memory_space<hbm>>) target(%arg13 : memref<128x64xf32, #tpu.memory_space<vmem>>) offsets(%dma_start3A_19 : memref<128xi32, #tpu.memory_space<vmem>>) semaphore(%arg18 : memref<!tpu.dma_semaphore, #tpu.memory_space<semaphore_mem>>)
    %dma_start3A_23 = arith.constant 256 : i32
    %dma_start3A_24 = tpu.memref_slice %arg8[%dma_start3A_23] : memref<9984xi32, #tpu.memory_space<vmem>> -> memref<128xi32, #tpu.memory_space<vmem>>
    %dma_start3A_25 = arith.constant 0 : i32
    %dma_start3A_26 = arith.constant 0 : i32
    %dma_start3A_27 = tpu.memref_slice %arg2[%dma_start3A_25, %dma_start3A_26] : memref<10000x64xf32, #tpu.memory_space<hbm>> -> memref<10000x64xf32, #tpu.memory_space<hbm>>
    tpu.enqueue_indirect_dma source(%dma_start3A_27 : memref<10000x64xf32, #tpu.memory_space<hbm>>) target(%arg14 : memref<128x64xf32, #tpu.memory_space<vmem>>) offsets(%dma_start3A_24 : memref<128xi32, #tpu.memory_space<vmem>>) semaphore(%arg19 : memref<!tpu.dma_semaphore, #tpu.memory_space<semaphore_mem>>)
    %dma_start3A_28 = arith.constant 384 : i32
    %dma_start3A_29 = tpu.memref_slice %arg8[%dma_start3A_28] : memref<9984xi32, #tpu.memory_space<vmem>> -> memref<128xi32, #tpu.memory_space<vmem>>
    %dma_start3A_30 = arith.constant 0 : i32
    %dma_start3A_31 = arith.constant 0 : i32
    %dma_start3A_32 = tpu.memref_slice %arg2[%dma_start3A_30, %dma_start3A_31] : memref<10000x64xf32, #tpu.memory_space<hbm>> -> memref<10000x64xf32, #tpu.memory_space<hbm>>
    tpu.enqueue_indirect_dma source(%dma_start3A_32 : memref<10000x64xf32, #tpu.memory_space<hbm>>) target(%arg15 : memref<128x64xf32, #tpu.memory_space<vmem>>) offsets(%dma_start3A_29 : memref<128xi32, #tpu.memory_space<vmem>>) semaphore(%arg20 : memref<!tpu.dma_semaphore, #tpu.memory_space<semaphore_mem>>)
    %scan3A_33 = arith.constant 0 : i32
    %scan3A_34 = arith.constant 0 : i32
    %scan3A_35 = arith.constant 18 : i32
    %scan3A_36 = arith.addi %scan3A_34, %scan3A_35 : i32
    %scan3A_37 = arith.constant 1 : i32
    %scan3A_38 = scf.for %scan3A_205 = %scan3A_34 to %scan3A_36 step %scan3A_37 iter_args(%scan3A_206 = %scan3A_33) -> (i32)  : i32 {
      %mul3A_207 = arith.constant 4 : i32
      %mul3A_208 = arith.muli %scan3A_205, %mul3A_207 : i32
      %dma_wait3A_209 = arith.constant 0 : i32
      %dma_wait3A_210 = tpu.memref_slice %arg8[%dma_wait3A_209] : memref<9984xi32, #tpu.memory_space<vmem>> -> memref<128xi32, #tpu.memory_space<vmem>>
      %dma_wait3A_211 = arith.constant 0 : i32
      %dma_wait3A_212 = arith.constant 0 : i32
      %dma_wait3A_213 = tpu.memref_slice %arg2[%dma_wait3A_211, %dma_wait3A_212] : memref<10000x64xf32, #tpu.memory_space<hbm>> -> memref<10000x64xf32, #tpu.memory_space<hbm>>
      tpu.wait_indirect_dma semaphore(%arg17 : memref<!tpu.dma_semaphore, #tpu.memory_space<semaphore_mem>>) src(%dma_wait3A_213 : memref<10000x64xf32, #tpu.memory_space<hbm>>) dst(%arg12 : memref<128x64xf32, #tpu.memory_space<vmem>>)
      %add3A_214 = arith.constant 0 : i32
      %add3A_215 = arith.addi %mul3A_208, %add3A_214 : i32
      %mul3A_216 = arith.constant 128 : i32
      %mul3A_217 = arith.muli %add3A_215, %mul3A_216 : i32
      %dma_start3A_218 = tpu.memref_slice %arg9[%mul3A_217] : memref<9984xi32, #tpu.memory_space<vmem>> -> memref<128xi32, #tpu.memory_space<vmem>>
      %dma_start3A_219 = arith.constant 0 : i32
      %dma_start3A_220 = arith.constant 0 : i32
      %dma_start3A_221 = tpu.memref_slice %arg16[%dma_start3A_219, %dma_start3A_220] : memref<10240x64xf32, #tpu.memory_space<vmem_shared>> -> memref<10240x64xf32, #tpu.memory_space<vmem_shared>>
      tpu.enqueue_indirect_dma source(%arg12 : memref<128x64xf32, #tpu.memory_space<vmem>>) target(%dma_start3A_221 : memref<10240x64xf32, #tpu.memory_space<vmem_shared>>) offsets(%dma_start3A_218 : memref<128xi32, #tpu.memory_space<vmem>>) semaphore(%arg21 : memref<!tpu.dma_semaphore, #tpu.memory_space<semaphore_mem>>) {add = true}
      %mul3A_222 = arith.constant 128 : i32
      %mul3A_223 = arith.muli %add3A_215, %mul3A_222 : i32
      %dma_start3A_224 = tpu.memref_slice %arg9[%mul3A_223] : memref<9984xi32, #tpu.memory_space<vmem>> -> memref<128xi32, #tpu.memory_space<vmem>>
      %dma_start3A_225 = arith.constant 0 : i32
      %dma_start3A_226 = arith.constant 0 : i32
      %dma_start3A_227 = tpu.memref_slice %arg26[%dma_start3A_225, %dma_start3A_226] : memref<10240x16xf32, #tpu.memory_space<vmem_shared>> -> memref<10240x16xf32, #tpu.memory_space<vmem_shared>>
      tpu.enqueue_indirect_dma source(%arg25 : memref<128x16xf32, #tpu.memory_space<vmem>>) target(%dma_start3A_227 : memref<10240x16xf32, #tpu.memory_space<vmem_shared>>) offsets(%dma_start3A_224 : memref<128xi32, #tpu.memory_space<vmem>>) semaphore(%arg27 : memref<!tpu.dma_semaphore, #tpu.memory_space<semaphore_mem>>) {add = true}
      %dma_wait3A_228 = arith.constant 0 : i32
      %dma_wait3A_229 = tpu.memref_slice %arg8[%dma_wait3A_228] : memref<9984xi32, #tpu.memory_space<vmem>> -> memref<128xi32, #tpu.memory_space<vmem>>
      %dma_wait3A_230 = arith.constant 0 : i32
      %dma_wait3A_231 = arith.constant 0 : i32
      %dma_wait3A_232 = tpu.memref_slice %arg2[%dma_wait3A_230, %dma_wait3A_231] : memref<10000x64xf32, #tpu.memory_space<hbm>> -> memref<10000x64xf32, #tpu.memory_space<hbm>>
      tpu.wait_indirect_dma semaphore(%arg18 : memref<!tpu.dma_semaphore, #tpu.memory_space<semaphore_mem>>) src(%dma_wait3A_232 : memref<10000x64xf32, #tpu.memory_space<hbm>>) dst(%arg13 : memref<128x64xf32, #tpu.memory_space<vmem>>)
      %add3A_233 = arith.constant 1 : i32
      %add3A_234 = arith.addi %mul3A_208, %add3A_233 : i32
      %mul3A_235 = arith.constant 128 : i32
      %mul3A_236 = arith.muli %add3A_234, %mul3A_235 : i32
      %dma_start3A_237 = tpu.memref_slice %arg9[%mul3A_236] : memref<9984xi32, #tpu.memory_space<vmem>> -> memref<128xi32, #tpu.memory_space<vmem>>
      %dma_start3A_238 = arith.constant 0 : i32
      %dma_start3A_239 = arith.constant 0 : i32
      %dma_start3A_240 = tpu.memref_slice %arg16[%dma_start3A_238, %dma_start3A_239] : memref<10240x64xf32, #tpu.memory_space<vmem_shared>> -> memref<10240x64xf32, #tpu.memory_space<vmem_shared>>
      tpu.enqueue_indirect_dma source(%arg13 : memref<128x64xf32, #tpu.memory_space<vmem>>) target(%dma_start3A_240 : memref<10240x64xf32, #tpu.memory_space<vmem_shared>>) offsets(%dma_start3A_237 : memref<128xi32, #tpu.memory_space<vmem>>) semaphore(%arg22 : memref<!tpu.dma_semaphore, #tpu.memory_space<semaphore_mem>>) {add = true}
      %mul3A_241 = arith.constant 128 : i32
      %mul3A_242 = arith.muli %add3A_234, %mul3A_241 : i32
      %dma_start3A_243 = tpu.memref_slice %arg9[%mul3A_242] : memref<9984xi32, #tpu.memory_space<vmem>> -> memref<128xi32, #tpu.memory_space<vmem>>
      %dma_start3A_244 = arith.constant 0 : i32
      %dma_start3A_245 = arith.constant 0 : i32
      %dma_start3A_246 = tpu.memref_slice %arg26[%dma_start3A_244, %dma_start3A_245] : memref<10240x16xf32, #tpu.memory_space<vmem_shared>> -> memref<10240x16xf32, #tpu.memory_space<vmem_shared>>
      tpu.enqueue_indirect_dma source(%arg25 : memref<128x16xf32, #tpu.memory_space<vmem>>) target(%dma_start3A_246 : memref<10240x16xf32, #tpu.memory_space<vmem_shared>>) offsets(%dma_start3A_243 : memref<128xi32, #tpu.memory_space<vmem>>) semaphore(%arg28 : memref<!tpu.dma_semaphore, #tpu.memory_space<semaphore_mem>>) {add = true}
      %dma_wait3A_247 = arith.constant 0 : i32
      %dma_wait3A_248 = tpu.memref_slice %arg8[%dma_wait3A_247] : memref<9984xi32, #tpu.memory_space<vmem>> -> memref<128xi32, #tpu.memory_space<vmem>>
      %dma_wait3A_249 = arith.constant 0 : i32
      %dma_wait3A_250 = arith.constant 0 : i32
      %dma_wait3A_251 = tpu.memref_slice %arg2[%dma_wait3A_249, %dma_wait3A_250] : memref<10000x64xf32, #tpu.memory_space<hbm>> -> memref<10000x64xf32, #tpu.memory_space<hbm>>
      tpu.wait_indirect_dma semaphore(%arg19 : memref<!tpu.dma_semaphore, #tpu.memory_space<semaphore_mem>>) src(%dma_wait3A_251 : memref<10000x64xf32, #tpu.memory_space<hbm>>) dst(%arg14 : memref<128x64xf32, #tpu.memory_space<vmem>>)
      %add3A_252 = arith.constant 2 : i32
      %add3A_253 = arith.addi %mul3A_208, %add3A_252 : i32
      %mul3A_254 = arith.constant 128 : i32
      %mul3A_255 = arith.muli %add3A_253, %mul3A_254 : i32
      %dma_start3A_256 = tpu.memref_slice %arg9[%mul3A_255] : memref<9984xi32, #tpu.memory_space<vmem>> -> memref<128xi32, #tpu.memory_space<vmem>>
      %dma_start3A_257 = arith.constant 0 : i32
      %dma_start3A_258 = arith.constant 0 : i32
      %dma_start3A_259 = tpu.memref_slice %arg16[%dma_start3A_257, %dma_start3A_258] : memref<10240x64xf32, #tpu.memory_space<vmem_shared>> -> memref<10240x64xf32, #tpu.memory_space<vmem_shared>>
      tpu.enqueue_indirect_dma source(%arg14 : memref<128x64xf32, #tpu.memory_space<vmem>>) target(%dma_start3A_259 : memref<10240x64xf32, #tpu.memory_space<vmem_shared>>) offsets(%dma_start3A_256 : memref<128xi32, #tpu.memory_space<vmem>>) semaphore(%arg23 : memref<!tpu.dma_semaphore, #tpu.memory_space<semaphore_mem>>) {add = true}
      %mul3A_260 = arith.constant 128 : i32
      %mul3A_261 = arith.muli %add3A_253, %mul3A_260 : i32
      %dma_start3A_262 = tpu.memref_slice %arg9[%mul3A_261] : memref<9984xi32, #tpu.memory_space<vmem>> -> memref<128xi32, #tpu.memory_space<vmem>>
      %dma_start3A_263 = arith.constant 0 : i32
      %dma_start3A_264 = arith.constant 0 : i32
      %dma_start3A_265 = tpu.memref_slice %arg26[%dma_start3A_263, %dma_start3A_264] : memref<10240x16xf32, #tpu.memory_space<vmem_shared>> -> memref<10240x16xf32, #tpu.memory_space<vmem_shared>>
      tpu.enqueue_indirect_dma source(%arg25 : memref<128x16xf32, #tpu.memory_space<vmem>>) target(%dma_start3A_265 : memref<10240x16xf32, #tpu.memory_space<vmem_shared>>) offsets(%dma_start3A_262 : memref<128xi32, #tpu.memory_space<vmem>>) semaphore(%arg29 : memref<!tpu.dma_semaphore, #tpu.memory_space<semaphore_mem>>) {add = true}
      %dma_wait3A_266 = arith.constant 0 : i32
      %dma_wait3A_267 = tpu.memref_slice %arg8[%dma_wait3A_266] : memref<9984xi32, #tpu.memory_space<vmem>> -> memref<128xi32, #tpu.memory_space<vmem>>
      %dma_wait3A_268 = arith.constant 0 : i32
      %dma_wait3A_269 = arith.constant 0 : i32
      %dma_wait3A_270 = tpu.memref_slice %arg2[%dma_wait3A_268, %dma_wait3A_269] : memref<10000x64xf32, #tpu.memory_space<hbm>> -> memref<10000x64xf32, #tpu.memory_space<hbm>>
      tpu.wait_indirect_dma semaphore(%arg20 : memref<!tpu.dma_semaphore, #tpu.memory_space<semaphore_mem>>) src(%dma_wait3A_270 : memref<10000x64xf32, #tpu.memory_space<hbm>>) dst(%arg15 : memref<128x64xf32, #tpu.memory_space<vmem>>)
      %add3A_271 = arith.constant 3 : i32
      %add3A_272 = arith.addi %mul3A_208, %add3A_271 : i32
      %mul3A_273 = arith.constant 128 : i32
      %mul3A_274 = arith.muli %add3A_272, %mul3A_273 : i32
      %dma_start3A_275 = tpu.memref_slice %arg9[%mul3A_274] : memref<9984xi32, #tpu.memory_space<vmem>> -> memref<128xi32, #tpu.memory_space<vmem>>
      %dma_start3A_276 = arith.constant 0 : i32
      %dma_start3A_277 = arith.constant 0 : i32
      %dma_start3A_278 = tpu.memref_slice %arg16[%dma_start3A_276, %dma_start3A_277] : memref<10240x64xf32, #tpu.memory_space<vmem_shared>> -> memref<10240x64xf32, #tpu.memory_space<vmem_shared>>
      tpu.enqueue_indirect_dma source(%arg15 : memref<128x64xf32, #tpu.memory_space<vmem>>) target(%dma_start3A_278 : memref<10240x64xf32, #tpu.memory_space<vmem_shared>>) offsets(%dma_start3A_275 : memref<128xi32, #tpu.memory_space<vmem>>) semaphore(%arg24 : memref<!tpu.dma_semaphore, #tpu.memory_space<semaphore_mem>>) {add = true}
      %mul3A_279 = arith.constant 128 : i32
      %mul3A_280 = arith.muli %add3A_272, %mul3A_279 : i32
      %dma_start3A_281 = tpu.memref_slice %arg9[%mul3A_280] : memref<9984xi32, #tpu.memory_space<vmem>> -> memref<128xi32, #tpu.memory_space<vmem>>
      %dma_start3A_282 = arith.constant 0 : i32
      %dma_start3A_283 = arith.constant 0 : i32
      %dma_start3A_284 = tpu.memref_slice %arg26[%dma_start3A_282, %dma_start3A_283] : memref<10240x16xf32, #tpu.memory_space<vmem_shared>> -> memref<10240x16xf32, #tpu.memory_space<vmem_shared>>
      tpu.enqueue_indirect_dma source(%arg25 : memref<128x16xf32, #tpu.memory_space<vmem>>) target(%dma_start3A_284 : memref<10240x16xf32, #tpu.memory_space<vmem_shared>>) offsets(%dma_start3A_281 : memref<128xi32, #tpu.memory_space<vmem>>) semaphore(%arg30 : memref<!tpu.dma_semaphore, #tpu.memory_space<semaphore_mem>>) {add = true}
      %dma_wait3A_285 = arith.constant 0 : i32
      %dma_wait3A_286 = tpu.memref_slice %arg9[%dma_wait3A_285] : memref<9984xi32, #tpu.memory_space<vmem>> -> memref<128xi32, #tpu.memory_space<vmem>>
      %dma_wait3A_287 = arith.constant 0 : i32
      %dma_wait3A_288 = arith.constant 0 : i32
      %dma_wait3A_289 = tpu.memref_slice %arg16[%dma_wait3A_287, %dma_wait3A_288] : memref<10240x64xf32, #tpu.memory_space<vmem_shared>> -> memref<10240x64xf32, #tpu.memory_space<vmem_shared>>
      tpu.wait_indirect_dma semaphore(%arg21 : memref<!tpu.dma_semaphore, #tpu.memory_space<semaphore_mem>>) src(%arg12 : memref<128x64xf32, #tpu.memory_space<vmem>>) dst(%dma_wait3A_289 : memref<10240x64xf32, #tpu.memory_space<vmem_shared>>)
      %dma_wait3A_290 = arith.constant 0 : i32
      %dma_wait3A_291 = tpu.memref_slice %arg9[%dma_wait3A_290] : memref<9984xi32, #tpu.memory_space<vmem>> -> memref<128xi32, #tpu.memory_space<vmem>>
      %dma_wait3A_292 = arith.constant 0 : i32
      %dma_wait3A_293 = arith.constant 0 : i32
      %dma_wait3A_294 = tpu.memref_slice %arg26[%dma_wait3A_292, %dma_wait3A_293] : memref<10240x16xf32, #tpu.memory_space<vmem_shared>> -> memref<10240x16xf32, #tpu.memory_space<vmem_shared>>
      tpu.wait_indirect_dma semaphore(%arg27 : memref<!tpu.dma_semaphore, #tpu.memory_space<semaphore_mem>>) src(%arg25 : memref<128x16xf32, #tpu.memory_space<vmem>>) dst(%dma_wait3A_294 : memref<10240x16xf32, #tpu.memory_space<vmem_shared>>)
      %add3A_295 = arith.constant 4 : i32
      %add3A_296 = arith.addi %mul3A_208, %add3A_295 : i32
      %add3A_297 = arith.constant 0 : i32
      %add3A_298 = arith.addi %add3A_296, %add3A_297 : i32
      %mul3A_299 = arith.constant 128 : i32
      %mul3A_300 = arith.muli %add3A_298, %mul3A_299 : i32
      %dma_start3A_301 = tpu.memref_slice %arg8[%mul3A_300] : memref<9984xi32, #tpu.memory_space<vmem>> -> memref<128xi32, #tpu.memory_space<vmem>>
      %dma_start3A_302 = arith.constant 0 : i32
      %dma_start3A_303 = arith.constant 0 : i32
      %dma_start3A_304 = tpu.memref_slice %arg2[%dma_start3A_302, %dma_start3A_303] : memref<10000x64xf32, #tpu.memory_space<hbm>> -> memref<10000x64xf32, #tpu.memory_space<hbm>>
      tpu.enqueue_indirect_dma source(%dma_start3A_304 : memref<10000x64xf32, #tpu.memory_space<hbm>>) target(%arg12 : memref<128x64xf32, #tpu.memory_space<vmem>>) offsets(%dma_start3A_301 : memref<128xi32, #tpu.memory_space<vmem>>) semaphore(%arg17 : memref<!tpu.dma_semaphore, #tpu.memory_space<semaphore_mem>>)
      %dma_wait3A_305 = arith.constant 0 : i32
      %dma_wait3A_306 = tpu.memref_slice %arg9[%dma_wait3A_305] : memref<9984xi32, #tpu.memory_space<vmem>> -> memref<128xi32, #tpu.memory_space<vmem>>
      %dma_wait3A_307 = arith.constant 0 : i32
      %dma_wait3A_308 = arith.constant 0 : i32
      %dma_wait3A_309 = tpu.memref_slice %arg16[%dma_wait3A_307, %dma_wait3A_308] : memref<10240x64xf32, #tpu.memory_space<vmem_shared>> -> memref<10240x64xf32, #tpu.memory_space<vmem_shared>>
      tpu.wait_indirect_dma semaphore(%arg22 : memref<!tpu.dma_semaphore, #tpu.memory_space<semaphore_mem>>) src(%arg13 : memref<128x64xf32, #tpu.memory_space<vmem>>) dst(%dma_wait3A_309 : memref<10240x64xf32, #tpu.memory_space<vmem_shared>>)
      %dma_wait3A_310 = arith.constant 0 : i32
      %dma_wait3A_311 = tpu.memref_slice %arg9[%dma_wait3A_310] : memref<9984xi32, #tpu.memory_space<vmem>> -> memref<128xi32, #tpu.memory_space<vmem>>
      %dma_wait3A_312 = arith.constant 0 : i32
      %dma_wait3A_313 = arith.constant 0 : i32
      %dma_wait3A_314 = tpu.memref_slice %arg26[%dma_wait3A_312, %dma_wait3A_313] : memref<10240x16xf32, #tpu.memory_space<vmem_shared>> -> memref<10240x16xf32, #tpu.memory_space<vmem_shared>>
      tpu.wait_indirect_dma semaphore(%arg28 : memref<!tpu.dma_semaphore, #tpu.memory_space<semaphore_mem>>) src(%arg25 : memref<128x16xf32, #tpu.memory_space<vmem>>) dst(%dma_wait3A_314 : memref<10240x16xf32, #tpu.memory_space<vmem_shared>>)
      %add3A_315 = arith.constant 4 : i32
      %add3A_316 = arith.addi %mul3A_208, %add3A_315 : i32
      %add3A_317 = arith.constant 1 : i32
      %add3A_318 = arith.addi %add3A_316, %add3A_317 : i32
      %mul3A_319 = arith.constant 128 : i32
      %mul3A_320 = arith.muli %add3A_318, %mul3A_319 : i32
      %dma_start3A_321 = tpu.memref_slice %arg8[%mul3A_320] : memref<9984xi32, #tpu.memory_space<vmem>> -> memref<128xi32, #tpu.memory_space<vmem>>
      %dma_start3A_322 = arith.constant 0 : i32
      %dma_start3A_323 = arith.constant 0 : i32
      %dma_start3A_324 = tpu.memref_slice %arg2[%dma_start3A_322, %dma_start3A_323] : memref<10000x64xf32, #tpu.memory_space<hbm>> -> memref<10000x64xf32, #tpu.memory_space<hbm>>
      tpu.enqueue_indirect_dma source(%dma_start3A_324 : memref<10000x64xf32, #tpu.memory_space<hbm>>) target(%arg13 : memref<128x64xf32, #tpu.memory_space<vmem>>) offsets(%dma_start3A_321 : memref<128xi32, #tpu.memory_space<vmem>>) semaphore(%arg18 : memref<!tpu.dma_semaphore, #tpu.memory_space<semaphore_mem>>)
      %dma_wait3A_325 = arith.constant 0 : i32
      %dma_wait3A_326 = tpu.memref_slice %arg9[%dma_wait3A_325] : memref<9984xi32, #tpu.memory_space<vmem>> -> memref<128xi32, #tpu.memory_space<vmem>>
      %dma_wait3A_327 = arith.constant 0 : i32
      %dma_wait3A_328 = arith.constant 0 : i32
      %dma_wait3A_329 = tpu.memref_slice %arg16[%dma_wait3A_327, %dma_wait3A_328] : memref<10240x64xf32, #tpu.memory_space<vmem_shared>> -> memref<10240x64xf32, #tpu.memory_space<vmem_shared>>
      tpu.wait_indirect_dma semaphore(%arg23 : memref<!tpu.dma_semaphore, #tpu.memory_space<semaphore_mem>>) src(%arg14 : memref<128x64xf32, #tpu.memory_space<vmem>>) dst(%dma_wait3A_329 : memref<10240x64xf32, #tpu.memory_space<vmem_shared>>)
      %dma_wait3A_330 = arith.constant 0 : i32
      %dma_wait3A_331 = tpu.memref_slice %arg9[%dma_wait3A_330] : memref<9984xi32, #tpu.memory_space<vmem>> -> memref<128xi32, #tpu.memory_space<vmem>>
      %dma_wait3A_332 = arith.constant 0 : i32
      %dma_wait3A_333 = arith.constant 0 : i32
      %dma_wait3A_334 = tpu.memref_slice %arg26[%dma_wait3A_332, %dma_wait3A_333] : memref<10240x16xf32, #tpu.memory_space<vmem_shared>> -> memref<10240x16xf32, #tpu.memory_space<vmem_shared>>
      tpu.wait_indirect_dma semaphore(%arg29 : memref<!tpu.dma_semaphore, #tpu.memory_space<semaphore_mem>>) src(%arg25 : memref<128x16xf32, #tpu.memory_space<vmem>>) dst(%dma_wait3A_334 : memref<10240x16xf32, #tpu.memory_space<vmem_shared>>)
      %add3A_335 = arith.constant 4 : i32
      %add3A_336 = arith.addi %mul3A_208, %add3A_335 : i32
      %add3A_337 = arith.constant 2 : i32
      %add3A_338 = arith.addi %add3A_336, %add3A_337 : i32
      %mul3A_339 = arith.constant 128 : i32
      %mul3A_340 = arith.muli %add3A_338, %mul3A_339 : i32
      %dma_start3A_341 = tpu.memref_slice %arg8[%mul3A_340] : memref<9984xi32, #tpu.memory_space<vmem>> -> memref<128xi32, #tpu.memory_space<vmem>>
      %dma_start3A_342 = arith.constant 0 : i32
      %dma_start3A_343 = arith.constant 0 : i32
      %dma_start3A_344 = tpu.memref_slice %arg2[%dma_start3A_342, %dma_start3A_343] : memref<10000x64xf32, #tpu.memory_space<hbm>> -> memref<10000x64xf32, #tpu.memory_space<hbm>>
      tpu.enqueue_indirect_dma source(%dma_start3A_344 : memref<10000x64xf32, #tpu.memory_space<hbm>>) target(%arg14 : memref<128x64xf32, #tpu.memory_space<vmem>>) offsets(%dma_start3A_341 : memref<128xi32, #tpu.memory_space<vmem>>) semaphore(%arg19 : memref<!tpu.dma_semaphore, #tpu.memory_space<semaphore_mem>>)
      %dma_wait3A_345 = arith.constant 0 : i32
      %dma_wait3A_346 = tpu.memref_slice %arg9[%dma_wait3A_345] : memref<9984xi32, #tpu.memory_space<vmem>> -> memref<128xi32, #tpu.memory_space<vmem>>
      %dma_wait3A_347 = arith.constant 0 : i32
      %dma_wait3A_348 = arith.constant 0 : i32
      %dma_wait3A_349 = tpu.memref_slice %arg16[%dma_wait3A_347, %dma_wait3A_348] : memref<10240x64xf32, #tpu.memory_space<vmem_shared>> -> memref<10240x64xf32, #tpu.memory_space<vmem_shared>>
      tpu.wait_indirect_dma semaphore(%arg24 : memref<!tpu.dma_semaphore, #tpu.memory_space<semaphore_mem>>) src(%arg15 : memref<128x64xf32, #tpu.memory_space<vmem>>) dst(%dma_wait3A_349 : memref<10240x64xf32, #tpu.memory_space<vmem_shared>>)
      %dma_wait3A_350 = arith.constant 0 : i32
      %dma_wait3A_351 = tpu.memref_slice %arg9[%dma_wait3A_350] : memref<9984xi32, #tpu.memory_space<vmem>> -> memref<128xi32, #tpu.memory_space<vmem>>
      %dma_wait3A_352 = arith.constant 0 : i32
      %dma_wait3A_353 = arith.constant 0 : i32
      %dma_wait3A_354 = tpu.memref_slice %arg26[%dma_wait3A_352, %dma_wait3A_353] : memref<10240x16xf32, #tpu.memory_space<vmem_shared>> -> memref<10240x16xf32, #tpu.memory_space<vmem_shared>>
      tpu.wait_indirect_dma semaphore(%arg30 : memref<!tpu.dma_semaphore, #tpu.memory_space<semaphore_mem>>) src(%arg25 : memref<128x16xf32, #tpu.memory_space<vmem>>) dst(%dma_wait3A_354 : memref<10240x16xf32, #tpu.memory_space<vmem_shared>>)
      %add3A_355 = arith.constant 4 : i32
      %add3A_356 = arith.addi %mul3A_208, %add3A_355 : i32
      %add3A_357 = arith.constant 3 : i32
      %add3A_358 = arith.addi %add3A_356, %add3A_357 : i32
      %mul3A_359 = arith.constant 128 : i32
      %mul3A_360 = arith.muli %add3A_358, %mul3A_359 : i32
      %dma_start3A_361 = tpu.memref_slice %arg8[%mul3A_360] : memref<9984xi32, #tpu.memory_space<vmem>> -> memref<128xi32, #tpu.memory_space<vmem>>
      %dma_start3A_362 = arith.constant 0 : i32
      %dma_start3A_363 = arith.constant 0 : i32
      %dma_start3A_364 = tpu.memref_slice %arg2[%dma_start3A_362, %dma_start3A_363] : memref<10000x64xf32, #tpu.memory_space<hbm>> -> memref<10000x64xf32, #tpu.memory_space<hbm>>
      tpu.enqueue_indirect_dma source(%dma_start3A_364 : memref<10000x64xf32, #tpu.memory_space<hbm>>) target(%arg15 : memref<128x64xf32, #tpu.memory_space<vmem>>) offsets(%dma_start3A_361 : memref<128xi32, #tpu.memory_space<vmem>>) semaphore(%arg20 : memref<!tpu.dma_semaphore, #tpu.memory_space<semaphore_mem>>)
      %scan3A_365 = arith.constant 0 : i32
      scf.yield %scan3A_365 : i32
    }
    %scan3A_39 = arith.constant 18 : i32
    %dma_wait3A = arith.constant 0 : i32
    %dma_wait3A_40 = tpu.memref_slice %arg8[%dma_wait3A] : memref<9984xi32, #tpu.memory_space<vmem>> -> memref<128xi32, #tpu.memory_space<vmem>>
    %dma_wait3A_41 = arith.constant 0 : i32
    %dma_wait3A_42 = arith.constant 0 : i32
    %dma_wait3A_43 = tpu.memref_slice %arg2[%dma_wait3A_41, %dma_wait3A_42] : memref<10000x64xf32, #tpu.memory_space<hbm>> -> memref<10000x64xf32, #tpu.memory_space<hbm>>
    tpu.wait_indirect_dma semaphore(%arg17 : memref<!tpu.dma_semaphore, #tpu.memory_space<semaphore_mem>>) src(%dma_wait3A_43 : memref<10000x64xf32, #tpu.memory_space<hbm>>) dst(%arg12 : memref<128x64xf32, #tpu.memory_space<vmem>>)
    %dma_start3A_44 = arith.constant 9216 : i32
    %dma_start3A_45 = tpu.memref_slice %arg9[%dma_start3A_44] : memref<9984xi32, #tpu.memory_space<vmem>> -> memref<128xi32, #tpu.memory_space<vmem>>
    %dma_start3A_46 = arith.constant 0 : i32
    %dma_start3A_47 = arith.constant 0 : i32
    %dma_start3A_48 = tpu.memref_slice %arg16[%dma_start3A_46, %dma_start3A_47] : memref<10240x64xf32, #tpu.memory_space<vmem_shared>> -> memref<10240x64xf32, #tpu.memory_space<vmem_shared>>
    tpu.enqueue_indirect_dma source(%arg12 : memref<128x64xf32, #tpu.memory_space<vmem>>) target(%dma_start3A_48 : memref<10240x64xf32, #tpu.memory_space<vmem_shared>>) offsets(%dma_start3A_45 : memref<128xi32, #tpu.memory_space<vmem>>) semaphore(%arg21 : memref<!tpu.dma_semaphore, #tpu.memory_space<semaphore_mem>>) {add = true}
    %dma_start3A_49 = arith.constant 9216 : i32
    %dma_start3A_50 = tpu.memref_slice %arg9[%dma_start3A_49] : memref<9984xi32, #tpu.memory_space<vmem>> -> memref<128xi32, #tpu.memory_space<vmem>>
    %dma_start3A_51 = arith.constant 0 : i32
    %dma_start3A_52 = arith.constant 0 : i32
    %dma_start3A_53 = tpu.memref_slice %arg26[%dma_start3A_51, %dma_start3A_52] : memref<10240x16xf32, #tpu.memory_space<vmem_shared>> -> memref<10240x16xf32, #tpu.memory_space<vmem_shared>>
    tpu.enqueue_indirect_dma source(%arg25 : memref<128x16xf32, #tpu.memory_space<vmem>>) target(%dma_start3A_53 : memref<10240x16xf32, #tpu.memory_space<vmem_shared>>) offsets(%dma_start3A_50 : memref<128xi32, #tpu.memory_space<vmem>>) semaphore(%arg27 : memref<!tpu.dma_semaphore, #tpu.memory_space<semaphore_mem>>) {add = true}
    %dma_wait3A_54 = arith.constant 0 : i32
    %dma_wait3A_55 = tpu.memref_slice %arg8[%dma_wait3A_54] : memref<9984xi32, #tpu.memory_space<vmem>> -> memref<128xi32, #tpu.memory_space<vmem>>
    %dma_wait3A_56 = arith.constant 0 : i32
    %dma_wait3A_57 = arith.constant 0 : i32
    %dma_wait3A_58 = tpu.memref_slice %arg2[%dma_wait3A_56, %dma_wait3A_57] : memref<10000x64xf32, #tpu.memory_space<hbm>> -> memref<10000x64xf32, #tpu.memory_space<hbm>>
    tpu.wait_indirect_dma semaphore(%arg18 : memref<!tpu.dma_semaphore, #tpu.memory_space<semaphore_mem>>) src(%dma_wait3A_58 : memref<10000x64xf32, #tpu.memory_space<hbm>>) dst(%arg13 : memref<128x64xf32, #tpu.memory_space<vmem>>)
    %dma_start3A_59 = arith.constant 9344 : i32
    %dma_start3A_60 = tpu.memref_slice %arg9[%dma_start3A_59] : memref<9984xi32, #tpu.memory_space<vmem>> -> memref<128xi32, #tpu.memory_space<vmem>>
    %dma_start3A_61 = arith.constant 0 : i32
    %dma_start3A_62 = arith.constant 0 : i32
    %dma_start3A_63 = tpu.memref_slice %arg16[%dma_start3A_61, %dma_start3A_62] : memref<10240x64xf32, #tpu.memory_space<vmem_shared>> -> memref<10240x64xf32, #tpu.memory_space<vmem_shared>>
    tpu.enqueue_indirect_dma source(%arg13 : memref<128x64xf32, #tpu.memory_space<vmem>>) target(%dma_start3A_63 : memref<10240x64xf32, #tpu.memory_space<vmem_shared>>) offsets(%dma_start3A_60 : memref<128xi32, #tpu.memory_space<vmem>>) semaphore(%arg22 : memref<!tpu.dma_semaphore, #tpu.memory_space<semaphore_mem>>) {add = true}
    %dma_start3A_64 = arith.constant 9344 : i32
    %dma_start3A_65 = tpu.memref_slice %arg9[%dma_start3A_64] : memref<9984xi32, #tpu.memory_space<vmem>> -> memref<128xi32, #tpu.memory_space<vmem>>
    %dma_start3A_66 = arith.constant 0 : i32
    %dma_start3A_67 = arith.constant 0 : i32
    %dma_start3A_68 = tpu.memref_slice %arg26[%dma_start3A_66, %dma_start3A_67] : memref<10240x16xf32, #tpu.memory_space<vmem_shared>> -> memref<10240x16xf32, #tpu.memory_space<vmem_shared>>
    tpu.enqueue_indirect_dma source(%arg25 : memref<128x16xf32, #tpu.memory_space<vmem>>) target(%dma_start3A_68 : memref<10240x16xf32, #tpu.memory_space<vmem_shared>>) offsets(%dma_start3A_65 : memref<128xi32, #tpu.memory_space<vmem>>) semaphore(%arg28 : memref<!tpu.dma_semaphore, #tpu.memory_space<semaphore_mem>>) {add = true}
    %dma_wait3A_69 = arith.constant 0 : i32
    %dma_wait3A_70 = tpu.memref_slice %arg8[%dma_wait3A_69] : memref<9984xi32, #tpu.memory_space<vmem>> -> memref<128xi32, #tpu.memory_space<vmem>>
    %dma_wait3A_71 = arith.constant 0 : i32
    %dma_wait3A_72 = arith.constant 0 : i32
    %dma_wait3A_73 = tpu.memref_slice %arg2[%dma_wait3A_71, %dma_wait3A_72] : memref<10000x64xf32, #tpu.memory_space<hbm>> -> memref<10000x64xf32, #tpu.memory_space<hbm>>
    tpu.wait_indirect_dma semaphore(%arg19 : memref<!tpu.dma_semaphore, #tpu.memory_space<semaphore_mem>>) src(%dma_wait3A_73 : memref<10000x64xf32, #tpu.memory_space<hbm>>) dst(%arg14 : memref<128x64xf32, #tpu.memory_space<vmem>>)
    %dma_start3A_74 = arith.constant 9472 : i32
    %dma_start3A_75 = tpu.memref_slice %arg9[%dma_start3A_74] : memref<9984xi32, #tpu.memory_space<vmem>> -> memref<128xi32, #tpu.memory_space<vmem>>
    %dma_start3A_76 = arith.constant 0 : i32
    %dma_start3A_77 = arith.constant 0 : i32
    %dma_start3A_78 = tpu.memref_slice %arg16[%dma_start3A_76, %dma_start3A_77] : memref<10240x64xf32, #tpu.memory_space<vmem_shared>> -> memref<10240x64xf32, #tpu.memory_space<vmem_shared>>
    tpu.enqueue_indirect_dma source(%arg14 : memref<128x64xf32, #tpu.memory_space<vmem>>) target(%dma_start3A_78 : memref<10240x64xf32, #tpu.memory_space<vmem_shared>>) offsets(%dma_start3A_75 : memref<128xi32, #tpu.memory_space<vmem>>) semaphore(%arg23 : memref<!tpu.dma_semaphore, #tpu.memory_space<semaphore_mem>>) {add = true}
    %dma_start3A_79 = arith.constant 9472 : i32
    %dma_start3A_80 = tpu.memref_slice %arg9[%dma_start3A_79] : memref<9984xi32, #tpu.memory_space<vmem>> -> memref<128xi32, #tpu.memory_space<vmem>>
    %dma_start3A_81 = arith.constant 0 : i32
    %dma_start3A_82 = arith.constant 0 : i32
    %dma_start3A_83 = tpu.memref_slice %arg26[%dma_start3A_81, %dma_start3A_82] : memref<10240x16xf32, #tpu.memory_space<vmem_shared>> -> memref<10240x16xf32, #tpu.memory_space<vmem_shared>>
    tpu.enqueue_indirect_dma source(%arg25 : memref<128x16xf32, #tpu.memory_space<vmem>>) target(%dma_start3A_83 : memref<10240x16xf32, #tpu.memory_space<vmem_shared>>) offsets(%dma_start3A_80 : memref<128xi32, #tpu.memory_space<vmem>>) semaphore(%arg29 : memref<!tpu.dma_semaphore, #tpu.memory_space<semaphore_mem>>) {add = true}
    %dma_wait3A_84 = arith.constant 0 : i32
    %dma_wait3A_85 = tpu.memref_slice %arg8[%dma_wait3A_84] : memref<9984xi32, #tpu.memory_space<vmem>> -> memref<128xi32, #tpu.memory_space<vmem>>
    %dma_wait3A_86 = arith.constant 0 : i32
    %dma_wait3A_87 = arith.constant 0 : i32
    %dma_wait3A_88 = tpu.memref_slice %arg2[%dma_wait3A_86, %dma_wait3A_87] : memref<10000x64xf32, #tpu.memory_space<hbm>> -> memref<10000x64xf32, #tpu.memory_space<hbm>>
    tpu.wait_indirect_dma semaphore(%arg20 : memref<!tpu.dma_semaphore, #tpu.memory_space<semaphore_mem>>) src(%dma_wait3A_88 : memref<10000x64xf32, #tpu.memory_space<hbm>>) dst(%arg15 : memref<128x64xf32, #tpu.memory_space<vmem>>)
    %dma_start3A_89 = arith.constant 9600 : i32
    %dma_start3A_90 = tpu.memref_slice %arg9[%dma_start3A_89] : memref<9984xi32, #tpu.memory_space<vmem>> -> memref<128xi32, #tpu.memory_space<vmem>>
    %dma_start3A_91 = arith.constant 0 : i32
    %dma_start3A_92 = arith.constant 0 : i32
    %dma_start3A_93 = tpu.memref_slice %arg16[%dma_start3A_91, %dma_start3A_92] : memref<10240x64xf32, #tpu.memory_space<vmem_shared>> -> memref<10240x64xf32, #tpu.memory_space<vmem_shared>>
    tpu.enqueue_indirect_dma source(%arg15 : memref<128x64xf32, #tpu.memory_space<vmem>>) target(%dma_start3A_93 : memref<10240x64xf32, #tpu.memory_space<vmem_shared>>) offsets(%dma_start3A_90 : memref<128xi32, #tpu.memory_space<vmem>>) semaphore(%arg24 : memref<!tpu.dma_semaphore, #tpu.memory_space<semaphore_mem>>) {add = true}
    %dma_start3A_94 = arith.constant 9600 : i32
    %dma_start3A_95 = tpu.memref_slice %arg9[%dma_start3A_94] : memref<9984xi32, #tpu.memory_space<vmem>> -> memref<128xi32, #tpu.memory_space<vmem>>
    %dma_start3A_96 = arith.constant 0 : i32
    %dma_start3A_97 = arith.constant 0 : i32
    %dma_start3A_98 = tpu.memref_slice %arg26[%dma_start3A_96, %dma_start3A_97] : memref<10240x16xf32, #tpu.memory_space<vmem_shared>> -> memref<10240x16xf32, #tpu.memory_space<vmem_shared>>
    tpu.enqueue_indirect_dma source(%arg25 : memref<128x16xf32, #tpu.memory_space<vmem>>) target(%dma_start3A_98 : memref<10240x16xf32, #tpu.memory_space<vmem_shared>>) offsets(%dma_start3A_95 : memref<128xi32, #tpu.memory_space<vmem>>) semaphore(%arg30 : memref<!tpu.dma_semaphore, #tpu.memory_space<semaphore_mem>>) {add = true}
    %dma_wait3A_99 = arith.constant 0 : i32
    %dma_wait3A_100 = tpu.memref_slice %arg9[%dma_wait3A_99] : memref<9984xi32, #tpu.memory_space<vmem>> -> memref<128xi32, #tpu.memory_space<vmem>>
    %dma_wait3A_101 = arith.constant 0 : i32
    %dma_wait3A_102 = arith.constant 0 : i32
    %dma_wait3A_103 = tpu.memref_slice %arg16[%dma_wait3A_101, %dma_wait3A_102] : memref<10240x64xf32, #tpu.memory_space<vmem_shared>> -> memref<10240x64xf32, #tpu.memory_space<vmem_shared>>
    tpu.wait_indirect_dma semaphore(%arg21 : memref<!tpu.dma_semaphore, #tpu.memory_space<semaphore_mem>>) src(%arg12 : memref<128x64xf32, #tpu.memory_space<vmem>>) dst(%dma_wait3A_103 : memref<10240x64xf32, #tpu.memory_space<vmem_shared>>)
    %dma_wait3A_104 = arith.constant 0 : i32
    %dma_wait3A_105 = tpu.memref_slice %arg9[%dma_wait3A_104] : memref<9984xi32, #tpu.memory_space<vmem>> -> memref<128xi32, #tpu.memory_space<vmem>>
    %dma_wait3A_106 = arith.constant 0 : i32
    %dma_wait3A_107 = arith.constant 0 : i32
    %dma_wait3A_108 = tpu.memref_slice %arg26[%dma_wait3A_106, %dma_wait3A_107] : memref<10240x16xf32, #tpu.memory_space<vmem_shared>> -> memref<10240x16xf32, #tpu.memory_space<vmem_shared>>
    tpu.wait_indirect_dma semaphore(%arg27 : memref<!tpu.dma_semaphore, #tpu.memory_space<semaphore_mem>>) src(%arg25 : memref<128x16xf32, #tpu.memory_space<vmem>>) dst(%dma_wait3A_108 : memref<10240x16xf32, #tpu.memory_space<vmem_shared>>)
    %dma_start3A_109 = arith.constant 9728 : i32
    %dma_start3A_110 = tpu.memref_slice %arg8[%dma_start3A_109] : memref<9984xi32, #tpu.memory_space<vmem>> -> memref<128xi32, #tpu.memory_space<vmem>>
    %dma_start3A_111 = arith.constant 0 : i32
    %dma_start3A_112 = arith.constant 0 : i32
    %dma_start3A_113 = tpu.memref_slice %arg2[%dma_start3A_111, %dma_start3A_112] : memref<10000x64xf32, #tpu.memory_space<hbm>> -> memref<10000x64xf32, #tpu.memory_space<hbm>>
    tpu.enqueue_indirect_dma source(%dma_start3A_113 : memref<10000x64xf32, #tpu.memory_space<hbm>>) target(%arg12 : memref<128x64xf32, #tpu.memory_space<vmem>>) offsets(%dma_start3A_110 : memref<128xi32, #tpu.memory_space<vmem>>) semaphore(%arg17 : memref<!tpu.dma_semaphore, #tpu.memory_space<semaphore_mem>>)
    %dma_wait3A_114 = arith.constant 0 : i32
    %dma_wait3A_115 = tpu.memref_slice %arg9[%dma_wait3A_114] : memref<9984xi32, #tpu.memory_space<vmem>> -> memref<128xi32, #tpu.memory_space<vmem>>
    %dma_wait3A_116 = arith.constant 0 : i32
    %dma_wait3A_117 = arith.constant 0 : i32
    %dma_wait3A_118 = tpu.memref_slice %arg16[%dma_wait3A_116, %dma_wait3A_117] : memref<10240x64xf32, #tpu.memory_space<vmem_shared>> -> memref<10240x64xf32, #tpu.memory_space<vmem_shared>>
    tpu.wait_indirect_dma semaphore(%arg22 : memref<!tpu.dma_semaphore, #tpu.memory_space<semaphore_mem>>) src(%arg13 : memref<128x64xf32, #tpu.memory_space<vmem>>) dst(%dma_wait3A_118 : memref<10240x64xf32, #tpu.memory_space<vmem_shared>>)
    %dma_wait3A_119 = arith.constant 0 : i32
    %dma_wait3A_120 = tpu.memref_slice %arg9[%dma_wait3A_119] : memref<9984xi32, #tpu.memory_space<vmem>> -> memref<128xi32, #tpu.memory_space<vmem>>
    %dma_wait3A_121 = arith.constant 0 : i32
    %dma_wait3A_122 = arith.constant 0 : i32
    %dma_wait3A_123 = tpu.memref_slice %arg26[%dma_wait3A_121, %dma_wait3A_122] : memref<10240x16xf32, #tpu.memory_space<vmem_shared>> -> memref<10240x16xf32, #tpu.memory_space<vmem_shared>>
    tpu.wait_indirect_dma semaphore(%arg28 : memref<!tpu.dma_semaphore, #tpu.memory_space<semaphore_mem>>) src(%arg25 : memref<128x16xf32, #tpu.memory_space<vmem>>) dst(%dma_wait3A_123 : memref<10240x16xf32, #tpu.memory_space<vmem_shared>>)
    %dma_start3A_124 = arith.constant 9856 : i32
    %dma_start3A_125 = tpu.memref_slice %arg8[%dma_start3A_124] : memref<9984xi32, #tpu.memory_space<vmem>> -> memref<128xi32, #tpu.memory_space<vmem>>
    %dma_start3A_126 = arith.constant 0 : i32
    %dma_start3A_127 = arith.constant 0 : i32
    %dma_start3A_128 = tpu.memref_slice %arg2[%dma_start3A_126, %dma_start3A_127] : memref<10000x64xf32, #tpu.memory_space<hbm>> -> memref<10000x64xf32, #tpu.memory_space<hbm>>
    tpu.enqueue_indirect_dma source(%dma_start3A_128 : memref<10000x64xf32, #tpu.memory_space<hbm>>) target(%arg13 : memref<128x64xf32, #tpu.memory_space<vmem>>) offsets(%dma_start3A_125 : memref<128xi32, #tpu.memory_space<vmem>>) semaphore(%arg18 : memref<!tpu.dma_semaphore, #tpu.memory_space<semaphore_mem>>)
    %dma_wait3A_129 = arith.constant 0 : i32
    %dma_wait3A_130 = tpu.memref_slice %arg9[%dma_wait3A_129] : memref<9984xi32, #tpu.memory_space<vmem>> -> memref<128xi32, #tpu.memory_space<vmem>>
    %dma_wait3A_131 = arith.constant 0 : i32
    %dma_wait3A_132 = arith.constant 0 : i32
    %dma_wait3A_133 = tpu.memref_slice %arg16[%dma_wait3A_131, %dma_wait3A_132] : memref<10240x64xf32, #tpu.memory_space<vmem_shared>> -> memref<10240x64xf32, #tpu.memory_space<vmem_shared>>
    tpu.wait_indirect_dma semaphore(%arg23 : memref<!tpu.dma_semaphore, #tpu.memory_space<semaphore_mem>>) src(%arg14 : memref<128x64xf32, #tpu.memory_space<vmem>>) dst(%dma_wait3A_133 : memref<10240x64xf32, #tpu.memory_space<vmem_shared>>)
    %dma_wait3A_134 = arith.constant 0 : i32
    %dma_wait3A_135 = tpu.memref_slice %arg9[%dma_wait3A_134] : memref<9984xi32, #tpu.memory_space<vmem>> -> memref<128xi32, #tpu.memory_space<vmem>>
    %dma_wait3A_136 = arith.constant 0 : i32
    %dma_wait3A_137 = arith.constant 0 : i32
    %dma_wait3A_138 = tpu.memref_slice %arg26[%dma_wait3A_136, %dma_wait3A_137] : memref<10240x16xf32, #tpu.memory_space<vmem_shared>> -> memref<10240x16xf32, #tpu.memory_space<vmem_shared>>
    tpu.wait_indirect_dma semaphore(%arg29 : memref<!tpu.dma_semaphore, #tpu.memory_space<semaphore_mem>>) src(%arg25 : memref<128x16xf32, #tpu.memory_space<vmem>>) dst(%dma_wait3A_138 : memref<10240x16xf32, #tpu.memory_space<vmem_shared>>)
    %dma_wait3A_139 = arith.constant 0 : i32
    %dma_wait3A_140 = tpu.memref_slice %arg9[%dma_wait3A_139] : memref<9984xi32, #tpu.memory_space<vmem>> -> memref<128xi32, #tpu.memory_space<vmem>>
    %dma_wait3A_141 = arith.constant 0 : i32
    %dma_wait3A_142 = arith.constant 0 : i32
    %dma_wait3A_143 = tpu.memref_slice %arg16[%dma_wait3A_141, %dma_wait3A_142] : memref<10240x64xf32, #tpu.memory_space<vmem_shared>> -> memref<10240x64xf32, #tpu.memory_space<vmem_shared>>
    tpu.wait_indirect_dma semaphore(%arg24 : memref<!tpu.dma_semaphore, #tpu.memory_space<semaphore_mem>>) src(%arg15 : memref<128x64xf32, #tpu.memory_space<vmem>>) dst(%dma_wait3A_143 : memref<10240x64xf32, #tpu.memory_space<vmem_shared>>)
    %dma_wait3A_144 = arith.constant 0 : i32
    %dma_wait3A_145 = tpu.memref_slice %arg9[%dma_wait3A_144] : memref<9984xi32, #tpu.memory_space<vmem>> -> memref<128xi32, #tpu.memory_space<vmem>>
    %dma_wait3A_146 = arith.constant 0 : i32
    %dma_wait3A_147 = arith.constant 0 : i32
    %dma_wait3A_148 = tpu.memref_slice %arg26[%dma_wait3A_146, %dma_wait3A_147] : memref<10240x16xf32, #tpu.memory_space<vmem_shared>> -> memref<10240x16xf32, #tpu.memory_space<vmem_shared>>
    tpu.wait_indirect_dma semaphore(%arg30 : memref<!tpu.dma_semaphore, #tpu.memory_space<semaphore_mem>>) src(%arg25 : memref<128x16xf32, #tpu.memory_space<vmem>>) dst(%dma_wait3A_148 : memref<10240x16xf32, #tpu.memory_space<vmem_shared>>)
    %dma_wait3A_149 = arith.constant 0 : i32
    %dma_wait3A_150 = tpu.memref_slice %arg8[%dma_wait3A_149] : memref<9984xi32, #tpu.memory_space<vmem>> -> memref<128xi32, #tpu.memory_space<vmem>>
    %dma_wait3A_151 = arith.constant 0 : i32
    %dma_wait3A_152 = arith.constant 0 : i32
    %dma_wait3A_153 = tpu.memref_slice %arg2[%dma_wait3A_151, %dma_wait3A_152] : memref<10000x64xf32, #tpu.memory_space<hbm>> -> memref<10000x64xf32, #tpu.memory_space<hbm>>
    tpu.wait_indirect_dma semaphore(%arg17 : memref<!tpu.dma_semaphore, #tpu.memory_space<semaphore_mem>>) src(%dma_wait3A_153 : memref<10000x64xf32, #tpu.memory_space<hbm>>) dst(%arg12 : memref<128x64xf32, #tpu.memory_space<vmem>>)
    %dma_start3A_154 = arith.constant 9728 : i32
    %dma_start3A_155 = tpu.memref_slice %arg9[%dma_start3A_154] : memref<9984xi32, #tpu.memory_space<vmem>> -> memref<128xi32, #tpu.memory_space<vmem>>
    %dma_start3A_156 = arith.constant 0 : i32
    %dma_start3A_157 = arith.constant 0 : i32
    %dma_start3A_158 = tpu.memref_slice %arg16[%dma_start3A_156, %dma_start3A_157] : memref<10240x64xf32, #tpu.memory_space<vmem_shared>> -> memref<10240x64xf32, #tpu.memory_space<vmem_shared>>
    tpu.enqueue_indirect_dma source(%arg12 : memref<128x64xf32, #tpu.memory_space<vmem>>) target(%dma_start3A_158 : memref<10240x64xf32, #tpu.memory_space<vmem_shared>>) offsets(%dma_start3A_155 : memref<128xi32, #tpu.memory_space<vmem>>) semaphore(%arg21 : memref<!tpu.dma_semaphore, #tpu.memory_space<semaphore_mem>>) {add = true}
    %dma_start3A_159 = arith.constant 9728 : i32
    %dma_start3A_160 = tpu.memref_slice %arg9[%dma_start3A_159] : memref<9984xi32, #tpu.memory_space<vmem>> -> memref<128xi32, #tpu.memory_space<vmem>>
    %dma_start3A_161 = arith.constant 0 : i32
    %dma_start3A_162 = arith.constant 0 : i32
    %dma_start3A_163 = tpu.memref_slice %arg26[%dma_start3A_161, %dma_start3A_162] : memref<10240x16xf32, #tpu.memory_space<vmem_shared>> -> memref<10240x16xf32, #tpu.memory_space<vmem_shared>>
    tpu.enqueue_indirect_dma source(%arg25 : memref<128x16xf32, #tpu.memory_space<vmem>>) target(%dma_start3A_163 : memref<10240x16xf32, #tpu.memory_space<vmem_shared>>) offsets(%dma_start3A_160 : memref<128xi32, #tpu.memory_space<vmem>>) semaphore(%arg27 : memref<!tpu.dma_semaphore, #tpu.memory_space<semaphore_mem>>) {add = true}
    %dma_wait3A_164 = arith.constant 0 : i32
    %dma_wait3A_165 = tpu.memref_slice %arg9[%dma_wait3A_164] : memref<9984xi32, #tpu.memory_space<vmem>> -> memref<128xi32, #tpu.memory_space<vmem>>
    %dma_wait3A_166 = arith.constant 0 : i32
    %dma_wait3A_167 = arith.constant 0 : i32
    %dma_wait3A_168 = tpu.memref_slice %arg16[%dma_wait3A_166, %dma_wait3A_167] : memref<10240x64xf32, #tpu.memory_space<vmem_shared>> -> memref<10240x64xf32, #tpu.memory_space<vmem_shared>>
    tpu.wait_indirect_dma semaphore(%arg21 : memref<!tpu.dma_semaphore, #tpu.memory_space<semaphore_mem>>) src(%arg12 : memref<128x64xf32, #tpu.memory_space<vmem>>) dst(%dma_wait3A_168 : memref<10240x64xf32, #tpu.memory_space<vmem_shared>>)
    %dma_wait3A_169 = arith.constant 0 : i32
    %dma_wait3A_170 = tpu.memref_slice %arg9[%dma_wait3A_169] : memref<9984xi32, #tpu.memory_space<vmem>> -> memref<128xi32, #tpu.memory_space<vmem>>
    %dma_wait3A_171 = arith.constant 0 : i32
    %dma_wait3A_172 = arith.constant 0 : i32
    %dma_wait3A_173 = tpu.memref_slice %arg26[%dma_wait3A_171, %dma_wait3A_172] : memref<10240x16xf32, #tpu.memory_space<vmem_shared>> -> memref<10240x16xf32, #tpu.memory_space<vmem_shared>>
    tpu.wait_indirect_dma semaphore(%arg27 : memref<!tpu.dma_semaphore, #tpu.memory_space<semaphore_mem>>) src(%arg25 : memref<128x16xf32, #tpu.memory_space<vmem>>) dst(%dma_wait3A_173 : memref<10240x16xf32, #tpu.memory_space<vmem_shared>>)
    %dma_wait3A_174 = arith.constant 0 : i32
    %dma_wait3A_175 = tpu.memref_slice %arg8[%dma_wait3A_174] : memref<9984xi32, #tpu.memory_space<vmem>> -> memref<128xi32, #tpu.memory_space<vmem>>
    %dma_wait3A_176 = arith.constant 0 : i32
    %dma_wait3A_177 = arith.constant 0 : i32
    %dma_wait3A_178 = tpu.memref_slice %arg2[%dma_wait3A_176, %dma_wait3A_177] : memref<10000x64xf32, #tpu.memory_space<hbm>> -> memref<10000x64xf32, #tpu.memory_space<hbm>>
    tpu.wait_indirect_dma semaphore(%arg18 : memref<!tpu.dma_semaphore, #tpu.memory_space<semaphore_mem>>) src(%dma_wait3A_178 : memref<10000x64xf32, #tpu.memory_space<hbm>>) dst(%arg13 : memref<128x64xf32, #tpu.memory_space<vmem>>)
    %dma_start3A_179 = arith.constant 9856 : i32
    %dma_start3A_180 = tpu.memref_slice %arg9[%dma_start3A_179] : memref<9984xi32, #tpu.memory_space<vmem>> -> memref<128xi32, #tpu.memory_space<vmem>>
    %dma_start3A_181 = arith.constant 0 : i32
    %dma_start3A_182 = arith.constant 0 : i32
    %dma_start3A_183 = tpu.memref_slice %arg16[%dma_start3A_181, %dma_start3A_182] : memref<10240x64xf32, #tpu.memory_space<vmem_shared>> -> memref<10240x64xf32, #tpu.memory_space<vmem_shared>>
    tpu.enqueue_indirect_dma source(%arg13 : memref<128x64xf32, #tpu.memory_space<vmem>>) target(%dma_start3A_183 : memref<10240x64xf32, #tpu.memory_space<vmem_shared>>) offsets(%dma_start3A_180 : memref<128xi32, #tpu.memory_space<vmem>>) semaphore(%arg22 : memref<!tpu.dma_semaphore, #tpu.memory_space<semaphore_mem>>) {add = true}
    %dma_start3A_184 = arith.constant 9856 : i32
    %dma_start3A_185 = tpu.memref_slice %arg9[%dma_start3A_184] : memref<9984xi32, #tpu.memory_space<vmem>> -> memref<128xi32, #tpu.memory_space<vmem>>
    %dma_start3A_186 = arith.constant 0 : i32
    %dma_start3A_187 = arith.constant 0 : i32
    %dma_start3A_188 = tpu.memref_slice %arg26[%dma_start3A_186, %dma_start3A_187] : memref<10240x16xf32, #tpu.memory_space<vmem_shared>> -> memref<10240x16xf32, #tpu.memory_space<vmem_shared>>
    tpu.enqueue_indirect_dma source(%arg25 : memref<128x16xf32, #tpu.memory_space<vmem>>) target(%dma_start3A_188 : memref<10240x16xf32, #tpu.memory_space<vmem_shared>>) offsets(%dma_start3A_185 : memref<128xi32, #tpu.memory_space<vmem>>) semaphore(%arg28 : memref<!tpu.dma_semaphore, #tpu.memory_space<semaphore_mem>>) {add = true}
    %dma_wait3A_189 = arith.constant 0 : i32
    %dma_wait3A_190 = tpu.memref_slice %arg9[%dma_wait3A_189] : memref<9984xi32, #tpu.memory_space<vmem>> -> memref<128xi32, #tpu.memory_space<vmem>>
    %dma_wait3A_191 = arith.constant 0 : i32
    %dma_wait3A_192 = arith.constant 0 : i32
    %dma_wait3A_193 = tpu.memref_slice %arg16[%dma_wait3A_191, %dma_wait3A_192] : memref<10240x64xf32, #tpu.memory_space<vmem_shared>> -> memref<10240x64xf32, #tpu.memory_space<vmem_shared>>
    tpu.wait_indirect_dma semaphore(%arg22 : memref<!tpu.dma_semaphore, #tpu.memory_space<semaphore_mem>>) src(%arg13 : memref<128x64xf32, #tpu.memory_space<vmem>>) dst(%dma_wait3A_193 : memref<10240x64xf32, #tpu.memory_space<vmem_shared>>)
    %dma_wait3A_194 = arith.constant 0 : i32
    %dma_wait3A_195 = tpu.memref_slice %arg9[%dma_wait3A_194] : memref<9984xi32, #tpu.memory_space<vmem>> -> memref<128xi32, #tpu.memory_space<vmem>>
    %dma_wait3A_196 = arith.constant 0 : i32
    %dma_wait3A_197 = arith.constant 0 : i32
    %dma_wait3A_198 = tpu.memref_slice %arg26[%dma_wait3A_196, %dma_wait3A_197] : memref<10240x16xf32, #tpu.memory_space<vmem_shared>> -> memref<10240x16xf32, #tpu.memory_space<vmem_shared>>
    tpu.wait_indirect_dma semaphore(%arg28 : memref<!tpu.dma_semaphore, #tpu.memory_space<semaphore_mem>>) src(%arg25 : memref<128x16xf32, #tpu.memory_space<vmem>>) dst(%dma_wait3A_198 : memref<10240x16xf32, #tpu.memory_space<vmem_shared>>)
    %lt3A_199 = arith.constant 4 : i32
    %lt3A_200 = arith.cmpi slt, %add3A, %lt3A_199 : i32
    %convert_element_type3A_201 = arith.extui %lt3A_200 : i1 to i32
    %cond3A_202 = arith.constant 0 : i32
    %cond3A_203 = arith.cmpi ne, %convert_element_type3A_201, %cond3A_202 : i32
    scf.if %cond3A_203 {
      %dma_start3A_205 = arith.constant 0 : i32
      %dma_start3A_206 = arith.constant 0 : i32
      %dma_start3A_207 = tpu.memref_slice %arg2[%dma_start3A_205, %dma_start3A_206] : memref<10000x64xf32, #tpu.memory_space<hbm>> -> memref<10000x64xf32, #tpu.memory_space<hbm>>
      tpu.enqueue_indirect_dma source(%dma_start3A_207 : memref<10000x64xf32, #tpu.memory_space<hbm>>) target(%arg12 : memref<128x64xf32, #tpu.memory_space<vmem>>) offsets(%arg10 : memref<128xi32, #tpu.memory_space<vmem>>) semaphore(%arg17 : memref<!tpu.dma_semaphore, #tpu.memory_space<semaphore_mem>>)
      %dma_wait3A_208 = arith.constant 0 : i32
      %dma_wait3A_209 = arith.constant 0 : i32
      %dma_wait3A_210 = tpu.memref_slice %arg2[%dma_wait3A_208, %dma_wait3A_209] : memref<10000x64xf32, #tpu.memory_space<hbm>> -> memref<10000x64xf32, #tpu.memory_space<hbm>>
      tpu.wait_indirect_dma semaphore(%arg17 : memref<!tpu.dma_semaphore, #tpu.memory_space<semaphore_mem>>) src(%dma_wait3A_210 : memref<10000x64xf32, #tpu.memory_space<hbm>>) dst(%arg12 : memref<128x64xf32, #tpu.memory_space<vmem>>)
      "tpu.region"() ({
        %run_scoped3A_211 = tpu.sem_alloc : memref<!tpu.dma_semaphore, #tpu.memory_space<semaphore_mem>>
        %dma_start3A_212 = arith.constant 0 : i32
        %dma_start3A_213 = arith.constant 0 : i32
        %dma_start3A_214 = tpu.memref_slice %arg16[%dma_start3A_212, %dma_start3A_213] : memref<10240x64xf32, #tpu.memory_space<vmem_shared>> -> memref<10240x64xf32, #tpu.memory_space<vmem_shared>>
        tpu.enqueue_indirect_dma source(%arg12 : memref<128x64xf32, #tpu.memory_space<vmem>>) target(%dma_start3A_214 : memref<10240x64xf32, #tpu.memory_space<vmem_shared>>) offsets(%arg11 : memref<128xi32, #tpu.memory_space<vmem>>) semaphore(%run_scoped3A_211 : memref<!tpu.dma_semaphore, #tpu.memory_space<semaphore_mem>>) {add = true}
        %dma_wait3A_215 = arith.constant 0 : i32
        %dma_wait3A_216 = arith.constant 0 : i32
        %dma_wait3A_217 = tpu.memref_slice %arg16[%dma_wait3A_215, %dma_wait3A_216] : memref<10240x64xf32, #tpu.memory_space<vmem_shared>> -> memref<10240x64xf32, #tpu.memory_space<vmem_shared>>
        tpu.wait_indirect_dma semaphore(%run_scoped3A_211 : memref<!tpu.dma_semaphore, #tpu.memory_space<semaphore_mem>>) src(%arg12 : memref<128x64xf32, #tpu.memory_space<vmem>>) dst(%dma_wait3A_217 : memref<10240x64xf32, #tpu.memory_space<vmem_shared>>)
        tpu.yield
      }) : () -> ()
      "tpu.region"() ({
        %run_scoped3A_211 = tpu.sem_alloc : memref<!tpu.dma_semaphore, #tpu.memory_space<semaphore_mem>>
        %dma_start3A_212 = arith.constant 0 : i32
        %dma_start3A_213 = arith.constant 0 : i32
        %dma_start3A_214 = tpu.memref_slice %arg26[%dma_start3A_212, %dma_start3A_213] : memref<10240x16xf32, #tpu.memory_space<vmem_shared>> -> memref<10240x16xf32, #tpu.memory_space<vmem_shared>>
        tpu.enqueue_indirect_dma source(%arg25 : memref<128x16xf32, #tpu.memory_space<vmem>>) target(%dma_start3A_214 : memref<10240x16xf32, #tpu.memory_space<vmem_shared>>) offsets(%arg11 : memref<128xi32, #tpu.memory_space<vmem>>) semaphore(%run_scoped3A_211 : memref<!tpu.dma_semaphore, #tpu.memory_space<semaphore_mem>>) {add = true}
        %dma_wait3A_215 = arith.constant 0 : i32
        %dma_wait3A_216 = arith.constant 0 : i32
        %dma_wait3A_217 = tpu.memref_slice %arg26[%dma_wait3A_215, %dma_wait3A_216] : memref<10240x16xf32, #tpu.memory_space<vmem_shared>> -> memref<10240x16xf32, #tpu.memory_space<vmem_shared>>
        tpu.wait_indirect_dma semaphore(%run_scoped3A_211 : memref<!tpu.dma_semaphore, #tpu.memory_space<semaphore_mem>>) src(%arg25 : memref<128x16xf32, #tpu.memory_space<vmem>>) dst(%dma_wait3A_217 : memref<10240x16xf32, #tpu.memory_space<vmem_shared>>)
        tpu.yield
      }) : () -> ()
    } else {
    }
    %barrier3A_204 = arith.constant 0 : index
    tpu.barrier barrier_id(%barrier3A_204)
    "tpu.region"() ({
      %run_scoped3A_205 = tpu.sem_alloc : memref<!tpu.dma_semaphore, #tpu.memory_space<semaphore_mem>>
      %dma_start3A_206 = arith.constant 0 : i32
      %dma_start3A_207 = tpu.memref_slice %arg6[%arg0, %mul3A_2, %dma_start3A_206] : memref<2x10240x64xf32, #tpu.memory_space<hbm>> -> memref<1x640x64xf32, #tpu.memory_space<hbm>>
      %dma_start3A_208 = tpu.memref_squeeze %dma_start3A_207 : memref<1x640x64xf32, #tpu.memory_space<hbm>> -> memref<640x64xf32, #tpu.memory_space<hbm>>
      %dma_start3A_209 = arith.constant 0 : i32
      %dma_start3A_210 = tpu.memref_slice %arg16[%mul3A_2, %dma_start3A_209] : memref<10240x64xf32, #tpu.memory_space<vmem_shared>> -> memref<640x64xf32, #tpu.memory_space<vmem_shared>>
      tpu.enqueue_dma source(%dma_start3A_210 : memref<640x64xf32, #tpu.memory_space<vmem_shared>>) target(%dma_start3A_208 : memref<640x64xf32, #tpu.memory_space<hbm>>) target_semaphore(%run_scoped3A_205 : memref<!tpu.dma_semaphore, #tpu.memory_space<semaphore_mem>>)
      %dma_wait3A_211 = arith.constant 0 : i32
      %dma_wait3A_212 = tpu.memref_slice %arg6[%arg0, %mul3A_2, %dma_wait3A_211] : memref<2x10240x64xf32, #tpu.memory_space<hbm>> -> memref<1x640x64xf32, #tpu.memory_space<hbm>>
      %dma_wait3A_213 = tpu.memref_squeeze %dma_wait3A_212 : memref<1x640x64xf32, #tpu.memory_space<hbm>> -> memref<640x64xf32, #tpu.memory_space<hbm>>
      %dma_wait3A_214 = arith.constant 0 : i32
      %dma_wait3A_215 = tpu.memref_slice %arg16[%mul3A_2, %dma_wait3A_214] : memref<10240x64xf32, #tpu.memory_space<vmem_shared>> -> memref<640x64xf32, #tpu.memory_space<vmem_shared>>
      tpu.wait_dma2 semaphore(%run_scoped3A_205 : memref<!tpu.dma_semaphore, #tpu.memory_space<semaphore_mem>>) src(%dma_wait3A_215 : memref<640x64xf32, #tpu.memory_space<vmem_shared>>) dst(%dma_wait3A_213 : memref<640x64xf32, #tpu.memory_space<hbm>>)
      tpu.yield
    }) : () -> ()
    "tpu.region"() ({
      %run_scoped3A_205 = tpu.sem_alloc : memref<!tpu.dma_semaphore, #tpu.memory_space<semaphore_mem>>
      %dma_start3A_206 = arith.constant 0 : i32
      %dma_start3A_207 = tpu.memref_slice %arg7[%arg0, %mul3A_2, %dma_start3A_206] : memref<2x10240x16xf32, #tpu.memory_space<hbm>> -> memref<1x640x16xf32, #tpu.memory_space<hbm>>
      %dma_start3A_208 = tpu.memref_squeeze %dma_start3A_207 : memref<1x640x16xf32, #tpu.memory_space<hbm>> -> memref<640x16xf32, #tpu.memory_space<hbm>>
      %dma_start3A_209 = arith.constant 0 : i32
      %dma_start3A_210 = tpu.memref_slice %arg26[%mul3A_2, %dma_start3A_209] : memref<10240x16xf32, #tpu.memory_space<vmem_shared>> -> memref<640x16xf32, #tpu.memory_space<vmem_shared>>
      tpu.enqueue_dma source(%dma_start3A_210 : memref<640x16xf32, #tpu.memory_space<vmem_shared>>) target(%dma_start3A_208 : memref<640x16xf32, #tpu.memory_space<hbm>>) target_semaphore(%run_scoped3A_205 : memref<!tpu.dma_semaphore, #tpu.memory_space<semaphore_mem>>)
      %dma_wait3A_211 = arith.constant 0 : i32
      %dma_wait3A_212 = tpu.memref_slice %arg7[%arg0, %mul3A_2, %dma_wait3A_211] : memref<2x10240x16xf32, #tpu.memory_space<hbm>> -> memref<1x640x16xf32, #tpu.memory_space<hbm>>
      %dma_wait3A_213 = tpu.memref_squeeze %dma_wait3A_212 : memref<1x640x16xf32, #tpu.memory_space<hbm>> -> memref<640x16xf32, #tpu.memory_space<hbm>>
      %dma_wait3A_214 = arith.constant 0 : i32
      %dma_wait3A_215 = tpu.memref_slice %arg26[%mul3A_2, %dma_wait3A_214] : memref<10240x16xf32, #tpu.memory_space<vmem_shared>> -> memref<640x16xf32, #tpu.memory_space<vmem_shared>>
      tpu.wait_dma2 semaphore(%run_scoped3A_205 : memref<!tpu.dma_semaphore, #tpu.memory_space<semaphore_mem>>) src(%dma_wait3A_215 : memref<640x16xf32, #tpu.memory_space<vmem_shared>>) dst(%dma_wait3A_213 : memref<640x16xf32, #tpu.memory_space<hbm>>)
      tpu.yield
    }) : () -> ()
    return
  }
}

module attributes {stable_mosaic.version = 14 : i64} {
  func.func @_tc_pre_body(%arg0: memref<10000x128xf32, #tpu.memory_space<vmem>>, %arg1: memref<128x64xf32, #tpu.memory_space<vmem>>, %arg2: memref<128x64xf32, #tpu.memory_space<vmem>>, %arg3: memref<10000x64xf32, #tpu.memory_space<vmem>>, %arg4: memref<10000x64xf32, #tpu.memory_space<vmem>>) attributes {dimension_semantics = [], scalar_prefetch = 0 : i64, scratch_operands = 0 : i64, tpu.core_type = #tpu.core_type<tc>} {
    %get3A = arith.constant 0 : index
    %get3A_0 = arith.constant 0 : index
    %get3A_1 = vector.load %arg0[%get3A, %get3A_0] : memref<10000x128xf32, #tpu.memory_space<vmem>>, vector<10000x128xf32>
    %get3A_2 = arith.constant 0 : index
    %get3A_3 = arith.constant 0 : index
    %get3A_4 = vector.load %arg1[%get3A_2, %get3A_3] : memref<128x64xf32, #tpu.memory_space<vmem>>, vector<128x64xf32>
    %dot_general3A = arith.constant dense<0.000000e+00> : vector<10000x64xf32>
    %dot_general3A_5 = tpu.matmul %get3A_1, %get3A_4, %dot_general3A {dimension_numbers = #tpu.dot_dimension_numbers<[1], [0], [0], [1], [0, 0, 1, 1], [], []>, transpose_lhs_hint = false} : vector<10000x128xf32>, vector<128x64xf32>, vector<10000x64xf32> -> vector<10000x64xf32>
    %swap3A = arith.constant 0 : index
    %swap3A_6 = arith.constant 0 : index
    %swap3A_7 = vector.load %arg3[%swap3A, %swap3A_6] : memref<10000x64xf32, #tpu.memory_space<vmem>>, vector<10000x64xf32>
    tpu.vector_store %arg3[%swap3A, %swap3A_6], %dot_general3A_5 {strides = array<i32>} : memref<10000x64xf32, #tpu.memory_space<vmem>>, vector<10000x64xf32>,
    %get3A_8 = arith.constant 0 : index
    %get3A_9 = arith.constant 0 : index
    %get3A_10 = vector.load %arg2[%get3A_8, %get3A_9] : memref<128x64xf32, #tpu.memory_space<vmem>>, vector<128x64xf32>
    %dot_general3A_11 = arith.constant dense<0.000000e+00> : vector<10000x64xf32>
    %dot_general3A_12 = tpu.matmul %get3A_1, %get3A_10, %dot_general3A_11 {dimension_numbers = #tpu.dot_dimension_numbers<[1], [0], [0], [1], [0, 0, 1, 1], [], []>, transpose_lhs_hint = false} : vector<10000x128xf32>, vector<128x64xf32>, vector<10000x64xf32> -> vector<10000x64xf32>
    %swap3A_13 = arith.constant 0 : index
    %swap3A_14 = arith.constant 0 : index
    %swap3A_15 = vector.load %arg4[%swap3A_13, %swap3A_14] : memref<10000x64xf32, #tpu.memory_space<vmem>>, vector<10000x64xf32>
    tpu.vector_store %arg4[%swap3A_13, %swap3A_14], %dot_general3A_12 {strides = array<i32>} : memref<10000x64xf32, #tpu.memory_space<vmem>>, vector<10000x64xf32>,
    return
  }
}

module attributes {stable_mosaic.version = 14 : i64} {
  func.func @_tc_mid_body(%arg0: memref<2x10240x64xf32, #tpu.memory_space<vmem>>, %arg1: memref<2x10240x16xf32, #tpu.memory_space<vmem>>, %arg2: memref<10000x64xf32, #tpu.memory_space<vmem>>, %arg3: memref<1x64xf32, #tpu.memory_space<vmem>>, %arg4: memref<1x64xf32, #tpu.memory_space<vmem>>, %arg5: memref<1x64xf32, #tpu.memory_space<vmem>>, %arg6: memref<64x64xf32, #tpu.memory_space<vmem>>, %arg7: memref<64x64xf32, #tpu.memory_space<vmem>>, %arg8: memref<10000x64xf32, #tpu.memory_space<vmem>>, %arg9: memref<10000x64xf32, #tpu.memory_space<vmem>>) attributes {dimension_semantics = [], scalar_prefetch = 0 : i64, scratch_operands = 0 : i64, tpu.core_type = #tpu.core_type<tc>} {
    %get3A = arith.constant 0 : index
    %get3A_0 = arith.constant 0 : index
    %get3A_1 = arith.constant 0 : index
    %get3A_2 = vector.load %arg0[%get3A, %get3A_0, %get3A_1] : memref<2x10240x64xf32, #tpu.memory_space<vmem>>, vector<1x10240x64xf32>
    %get3A_3 = vector.shape_cast %get3A_2 : vector<1x10240x64xf32> to vector<10240x64xf32>
    %get3A_4 = arith.constant 1 : index
    %get3A_5 = arith.constant 0 : index
    %get3A_6 = arith.constant 0 : index
    %get3A_7 = vector.load %arg0[%get3A_4, %get3A_5, %get3A_6] : memref<2x10240x64xf32, #tpu.memory_space<vmem>>, vector<1x10240x64xf32>
    %get3A_8 = vector.shape_cast %get3A_7 : vector<1x10240x64xf32> to vector<10240x64xf32>
    %add3A = arith.addf %get3A_3, %get3A_8 : vector<10240x64xf32>
    %slice3A = vector.extract_strided_slice %add3A {offsets = [0, 0], sizes = [10000, 64], strides = [1, 1]} : vector<10240x64xf32> to vector<10000x64xf32>
    %get3A_9 = arith.constant 0 : index
    %get3A_10 = arith.constant 0 : index
    %get3A_11 = arith.constant 0 : index
    %get3A_12 = vector.load %arg1[%get3A_9, %get3A_10, %get3A_11] : memref<2x10240x16xf32, #tpu.memory_space<vmem>>, vector<1x10240x16xf32>
    %get3A_13 = vector.shape_cast %get3A_12 : vector<1x10240x16xf32> to vector<10240x16xf32>
    %get3A_14 = arith.constant 1 : index
    %get3A_15 = arith.constant 0 : index
    %get3A_16 = arith.constant 0 : index
    %get3A_17 = vector.load %arg1[%get3A_14, %get3A_15, %get3A_16] : memref<2x10240x16xf32, #tpu.memory_space<vmem>>, vector<1x10240x16xf32>
    %get3A_18 = vector.shape_cast %get3A_17 : vector<1x10240x16xf32> to vector<10240x16xf32>
    %add3A_19 = arith.addf %get3A_13, %get3A_18 : vector<10240x16xf32>
    %slice3A_20 = vector.extract_strided_slice %add3A_19 {offsets = [0, 0], sizes = [10000, 1], strides = [1, 1]} : vector<10240x16xf32> to vector<10000x1xf32>
    %max3A = arith.constant 1.000000e+00 : f32
    %max3A_21 = vector.broadcast %max3A : f32 to vector<10000x1xf32>
    %max3A_22 = arith.maximumf %slice3A_20, %max3A_21 : vector<10000x1xf32>
    %div3A = vector.broadcast %max3A_22 : vector<10000x1xf32> to vector<10000x64xf32>
    %div3A_23 = arith.divf %slice3A, %div3A : vector<10000x64xf32>
    %get3A_24 = arith.constant 0 : index
    %get3A_25 = arith.constant 0 : index
    %get3A_26 = vector.load %arg2[%get3A_24, %get3A_25] : memref<10000x64xf32, #tpu.memory_space<vmem>>, vector<10000x64xf32>
    %add3A_27 = arith.addf %div3A_23, %get3A_26 : vector<10000x64xf32>
    %get3A_28 = arith.constant 0 : index
    %get3A_29 = arith.constant 0 : index
    %get3A_30 = vector.load %arg3[%get3A_28, %get3A_29] : memref<1x64xf32, #tpu.memory_space<vmem>>, vector<1x64xf32>
    %add3A_31 = vector.broadcast %get3A_30 : vector<1x64xf32> to vector<10000x64xf32>
    %add3A_32 = arith.addf %add3A_27, %add3A_31 : vector<10000x64xf32>
    %reduce_sum3A = arith.constant dense<0.000000e+00> : vector<64xf32>
    %reduce_sum3A_33 = vector.multi_reduction <add>, %add3A_32, %reduce_sum3A [0] : vector<10000x64xf32> to vector<64xf32>
    %broadcast_in_dim3A = vector.shape_cast %reduce_sum3A_33 : vector<64xf32> to vector<1x64xf32>
    %div3A_34 = arith.constant 1.000000e+04 : f32
    %div3A_35 = vector.broadcast %div3A_34 : f32 to vector<1x64xf32>
    %div3A_36 = arith.divf %broadcast_in_dim3A, %div3A_35 : vector<1x64xf32>
    %sub3A = vector.broadcast %div3A_36 : vector<1x64xf32> to vector<10000x64xf32>
    %sub3A_37 = arith.subf %add3A_32, %sub3A : vector<10000x64xf32>
    %sub3A_38 = vector.broadcast %div3A_36 : vector<1x64xf32> to vector<10000x64xf32>
    %sub3A_39 = arith.subf %add3A_32, %sub3A_38 : vector<10000x64xf32>
    %mul3A = arith.mulf %sub3A_37, %sub3A_39 : vector<10000x64xf32>
    %reduce_sum3A_40 = arith.constant dense<0.000000e+00> : vector<64xf32>
    %reduce_sum3A_41 = vector.multi_reduction <add>, %mul3A, %reduce_sum3A_40 [0] : vector<10000x64xf32> to vector<64xf32>
    %broadcast_in_dim3A_42 = vector.shape_cast %reduce_sum3A_41 : vector<64xf32> to vector<1x64xf32>
    %div3A_43 = arith.constant 1.000000e+04 : f32
    %div3A_44 = vector.broadcast %div3A_43 : f32 to vector<1x64xf32>
    %div3A_45 = arith.divf %broadcast_in_dim3A_42, %div3A_44 : vector<1x64xf32>
    %sub3A_46 = vector.broadcast %div3A_36 : vector<1x64xf32> to vector<10000x64xf32>
    %sub3A_47 = arith.subf %add3A_32, %sub3A_46 : vector<10000x64xf32>
    %add3A_48 = arith.constant 9.99999974E-6 : f32
    %add3A_49 = vector.broadcast %add3A_48 : f32 to vector<1x64xf32>
    %add3A_50 = arith.addf %div3A_45, %add3A_49 : vector<1x64xf32>
    %rsqrt3A = math.rsqrt %add3A_50 : vector<1x64xf32>
    %mul3A_51 = vector.broadcast %rsqrt3A : vector<1x64xf32> to vector<10000x64xf32>
    %mul3A_52 = arith.mulf %sub3A_47, %mul3A_51 : vector<10000x64xf32>
    %get3A_53 = arith.constant 0 : index
    %get3A_54 = arith.constant 0 : index
    %get3A_55 = vector.load %arg4[%get3A_53, %get3A_54] : memref<1x64xf32, #tpu.memory_space<vmem>>, vector<1x64xf32>
    %mul3A_56 = vector.broadcast %get3A_55 : vector<1x64xf32> to vector<10000x64xf32>
    %mul3A_57 = arith.mulf %mul3A_52, %mul3A_56 : vector<10000x64xf32>
    %get3A_58 = arith.constant 0 : index
    %get3A_59 = arith.constant 0 : index
    %get3A_60 = vector.load %arg5[%get3A_58, %get3A_59] : memref<1x64xf32, #tpu.memory_space<vmem>>, vector<1x64xf32>
    %add3A_61 = vector.broadcast %get3A_60 : vector<1x64xf32> to vector<10000x64xf32>
    %add3A_62 = arith.addf %mul3A_57, %add3A_61 : vector<10000x64xf32>
    %max3A_63 = arith.constant 0.000000e+00 : f32
    %max3A_64 = vector.broadcast %max3A_63 : f32 to vector<10000x64xf32>
    %max3A_65 = arith.maximumf %add3A_62, %max3A_64 : vector<10000x64xf32>
    %get3A_66 = arith.constant 0 : index
    %get3A_67 = arith.constant 0 : index
    %get3A_68 = vector.load %arg6[%get3A_66, %get3A_67] : memref<64x64xf32, #tpu.memory_space<vmem>>, vector<64x64xf32>
    %dot_general3A = arith.constant dense<0.000000e+00> : vector<10000x64xf32>
    %dot_general3A_69 = tpu.matmul %max3A_65, %get3A_68, %dot_general3A {dimension_numbers = #tpu.dot_dimension_numbers<[1], [0], [0], [1], [0, 0, 1, 1], [], []>, transpose_lhs_hint = false} : vector<10000x64xf32>, vector<64x64xf32>, vector<10000x64xf32> -> vector<10000x64xf32>
    %swap3A = arith.constant 0 : index
    %swap3A_70 = arith.constant 0 : index
    %swap3A_71 = vector.load %arg8[%swap3A, %swap3A_70] : memref<10000x64xf32, #tpu.memory_space<vmem>>, vector<10000x64xf32>
    tpu.vector_store %arg8[%swap3A, %swap3A_70], %dot_general3A_69 {strides = array<i32>} : memref<10000x64xf32, #tpu.memory_space<vmem>>, vector<10000x64xf32>,
    %get3A_72 = arith.constant 0 : index
    %get3A_73 = arith.constant 0 : index
    %get3A_74 = vector.load %arg7[%get3A_72, %get3A_73] : memref<64x64xf32, #tpu.memory_space<vmem>>, vector<64x64xf32>
    %dot_general3A_75 = arith.constant dense<0.000000e+00> : vector<10000x64xf32>
    %dot_general3A_76 = tpu.matmul %max3A_65, %get3A_74, %dot_general3A_75 {dimension_numbers = #tpu.dot_dimension_numbers<[1], [0], [0], [1], [0, 0, 1, 1], [], []>, transpose_lhs_hint = false} : vector<10000x64xf32>, vector<64x64xf32>, vector<10000x64xf32> -> vector<10000x64xf32>
    %swap3A_77 = arith.constant 0 : index
    %swap3A_78 = arith.constant 0 : index
    %swap3A_79 = vector.load %arg9[%swap3A_77, %swap3A_78] : memref<10000x64xf32, #tpu.memory_space<vmem>>, vector<10000x64xf32>
    tpu.vector_store %arg9[%swap3A_77, %swap3A_78], %dot_general3A_76 {strides = array<i32>} : memref<10000x64xf32, #tpu.memory_space<vmem>>, vector<10000x64xf32>,
    return
  }
}

module attributes {stable_mosaic.version = 14 : i64} {
  func.func @_tc_mid_body(%arg0: memref<2x10240x64xf32, #tpu.memory_space<vmem>>, %arg1: memref<2x10240x16xf32, #tpu.memory_space<vmem>>, %arg2: memref<10000x64xf32, #tpu.memory_space<vmem>>, %arg3: memref<1x64xf32, #tpu.memory_space<vmem>>, %arg4: memref<1x64xf32, #tpu.memory_space<vmem>>, %arg5: memref<1x64xf32, #tpu.memory_space<vmem>>, %arg6: memref<64x32xf32, #tpu.memory_space<vmem>>, %arg7: memref<64x32xf32, #tpu.memory_space<vmem>>, %arg8: memref<10000x32xf32, #tpu.memory_space<vmem>>, %arg9: memref<10000x32xf32, #tpu.memory_space<vmem>>) attributes {dimension_semantics = [], scalar_prefetch = 0 : i64, scratch_operands = 0 : i64, tpu.core_type = #tpu.core_type<tc>} {
    %get3A = arith.constant 0 : index
    %get3A_0 = arith.constant 0 : index
    %get3A_1 = arith.constant 0 : index
    %get3A_2 = vector.load %arg0[%get3A, %get3A_0, %get3A_1] : memref<2x10240x64xf32, #tpu.memory_space<vmem>>, vector<1x10240x64xf32>
    %get3A_3 = vector.shape_cast %get3A_2 : vector<1x10240x64xf32> to vector<10240x64xf32>
    %get3A_4 = arith.constant 1 : index
    %get3A_5 = arith.constant 0 : index
    %get3A_6 = arith.constant 0 : index
    %get3A_7 = vector.load %arg0[%get3A_4, %get3A_5, %get3A_6] : memref<2x10240x64xf32, #tpu.memory_space<vmem>>, vector<1x10240x64xf32>
    %get3A_8 = vector.shape_cast %get3A_7 : vector<1x10240x64xf32> to vector<10240x64xf32>
    %add3A = arith.addf %get3A_3, %get3A_8 : vector<10240x64xf32>
    %slice3A = vector.extract_strided_slice %add3A {offsets = [0, 0], sizes = [10000, 64], strides = [1, 1]} : vector<10240x64xf32> to vector<10000x64xf32>
    %get3A_9 = arith.constant 0 : index
    %get3A_10 = arith.constant 0 : index
    %get3A_11 = arith.constant 0 : index
    %get3A_12 = vector.load %arg1[%get3A_9, %get3A_10, %get3A_11] : memref<2x10240x16xf32, #tpu.memory_space<vmem>>, vector<1x10240x16xf32>
    %get3A_13 = vector.shape_cast %get3A_12 : vector<1x10240x16xf32> to vector<10240x16xf32>
    %get3A_14 = arith.constant 1 : index
    %get3A_15 = arith.constant 0 : index
    %get3A_16 = arith.constant 0 : index
    %get3A_17 = vector.load %arg1[%get3A_14, %get3A_15, %get3A_16] : memref<2x10240x16xf32, #tpu.memory_space<vmem>>, vector<1x10240x16xf32>
    %get3A_18 = vector.shape_cast %get3A_17 : vector<1x10240x16xf32> to vector<10240x16xf32>
    %add3A_19 = arith.addf %get3A_13, %get3A_18 : vector<10240x16xf32>
    %slice3A_20 = vector.extract_strided_slice %add3A_19 {offsets = [0, 0], sizes = [10000, 1], strides = [1, 1]} : vector<10240x16xf32> to vector<10000x1xf32>
    %max3A = arith.constant 1.000000e+00 : f32
    %max3A_21 = vector.broadcast %max3A : f32 to vector<10000x1xf32>
    %max3A_22 = arith.maximumf %slice3A_20, %max3A_21 : vector<10000x1xf32>
    %div3A = vector.broadcast %max3A_22 : vector<10000x1xf32> to vector<10000x64xf32>
    %div3A_23 = arith.divf %slice3A, %div3A : vector<10000x64xf32>
    %get3A_24 = arith.constant 0 : index
    %get3A_25 = arith.constant 0 : index
    %get3A_26 = vector.load %arg2[%get3A_24, %get3A_25] : memref<10000x64xf32, #tpu.memory_space<vmem>>, vector<10000x64xf32>
    %add3A_27 = arith.addf %div3A_23, %get3A_26 : vector<10000x64xf32>
    %get3A_28 = arith.constant 0 : index
    %get3A_29 = arith.constant 0 : index
    %get3A_30 = vector.load %arg3[%get3A_28, %get3A_29] : memref<1x64xf32, #tpu.memory_space<vmem>>, vector<1x64xf32>
    %add3A_31 = vector.broadcast %get3A_30 : vector<1x64xf32> to vector<10000x64xf32>
    %add3A_32 = arith.addf %add3A_27, %add3A_31 : vector<10000x64xf32>
    %reduce_sum3A = arith.constant dense<0.000000e+00> : vector<64xf32>
    %reduce_sum3A_33 = vector.multi_reduction <add>, %add3A_32, %reduce_sum3A [0] : vector<10000x64xf32> to vector<64xf32>
    %broadcast_in_dim3A = vector.shape_cast %reduce_sum3A_33 : vector<64xf32> to vector<1x64xf32>
    %div3A_34 = arith.constant 1.000000e+04 : f32
    %div3A_35 = vector.broadcast %div3A_34 : f32 to vector<1x64xf32>
    %div3A_36 = arith.divf %broadcast_in_dim3A, %div3A_35 : vector<1x64xf32>
    %sub3A = vector.broadcast %div3A_36 : vector<1x64xf32> to vector<10000x64xf32>
    %sub3A_37 = arith.subf %add3A_32, %sub3A : vector<10000x64xf32>
    %sub3A_38 = vector.broadcast %div3A_36 : vector<1x64xf32> to vector<10000x64xf32>
    %sub3A_39 = arith.subf %add3A_32, %sub3A_38 : vector<10000x64xf32>
    %mul3A = arith.mulf %sub3A_37, %sub3A_39 : vector<10000x64xf32>
    %reduce_sum3A_40 = arith.constant dense<0.000000e+00> : vector<64xf32>
    %reduce_sum3A_41 = vector.multi_reduction <add>, %mul3A, %reduce_sum3A_40 [0] : vector<10000x64xf32> to vector<64xf32>
    %broadcast_in_dim3A_42 = vector.shape_cast %reduce_sum3A_41 : vector<64xf32> to vector<1x64xf32>
    %div3A_43 = arith.constant 1.000000e+04 : f32
    %div3A_44 = vector.broadcast %div3A_43 : f32 to vector<1x64xf32>
    %div3A_45 = arith.divf %broadcast_in_dim3A_42, %div3A_44 : vector<1x64xf32>
    %sub3A_46 = vector.broadcast %div3A_36 : vector<1x64xf32> to vector<10000x64xf32>
    %sub3A_47 = arith.subf %add3A_32, %sub3A_46 : vector<10000x64xf32>
    %add3A_48 = arith.constant 9.99999974E-6 : f32
    %add3A_49 = vector.broadcast %add3A_48 : f32 to vector<1x64xf32>
    %add3A_50 = arith.addf %div3A_45, %add3A_49 : vector<1x64xf32>
    %rsqrt3A = math.rsqrt %add3A_50 : vector<1x64xf32>
    %mul3A_51 = vector.broadcast %rsqrt3A : vector<1x64xf32> to vector<10000x64xf32>
    %mul3A_52 = arith.mulf %sub3A_47, %mul3A_51 : vector<10000x64xf32>
    %get3A_53 = arith.constant 0 : index
    %get3A_54 = arith.constant 0 : index
    %get3A_55 = vector.load %arg4[%get3A_53, %get3A_54] : memref<1x64xf32, #tpu.memory_space<vmem>>, vector<1x64xf32>
    %mul3A_56 = vector.broadcast %get3A_55 : vector<1x64xf32> to vector<10000x64xf32>
    %mul3A_57 = arith.mulf %mul3A_52, %mul3A_56 : vector<10000x64xf32>
    %get3A_58 = arith.constant 0 : index
    %get3A_59 = arith.constant 0 : index
    %get3A_60 = vector.load %arg5[%get3A_58, %get3A_59] : memref<1x64xf32, #tpu.memory_space<vmem>>, vector<1x64xf32>
    %add3A_61 = vector.broadcast %get3A_60 : vector<1x64xf32> to vector<10000x64xf32>
    %add3A_62 = arith.addf %mul3A_57, %add3A_61 : vector<10000x64xf32>
    %max3A_63 = arith.constant 0.000000e+00 : f32
    %max3A_64 = vector.broadcast %max3A_63 : f32 to vector<10000x64xf32>
    %max3A_65 = arith.maximumf %add3A_62, %max3A_64 : vector<10000x64xf32>
    %get3A_66 = arith.constant 0 : index
    %get3A_67 = arith.constant 0 : index
    %get3A_68 = vector.load %arg6[%get3A_66, %get3A_67] : memref<64x32xf32, #tpu.memory_space<vmem>>, vector<64x32xf32>
    %dot_general3A = arith.constant dense<0.000000e+00> : vector<10000x32xf32>
    %dot_general3A_69 = tpu.matmul %max3A_65, %get3A_68, %dot_general3A {dimension_numbers = #tpu.dot_dimension_numbers<[1], [0], [0], [1], [0, 0, 1, 1], [], []>, transpose_lhs_hint = false} : vector<10000x64xf32>, vector<64x32xf32>, vector<10000x32xf32> -> vector<10000x32xf32>
    %swap3A = arith.constant 0 : index
    %swap3A_70 = arith.constant 0 : index
    %swap3A_71 = vector.load %arg8[%swap3A, %swap3A_70] : memref<10000x32xf32, #tpu.memory_space<vmem>>, vector<10000x32xf32>
    tpu.vector_store %arg8[%swap3A, %swap3A_70], %dot_general3A_69 {strides = array<i32>} : memref<10000x32xf32, #tpu.memory_space<vmem>>, vector<10000x32xf32>,
    %get3A_72 = arith.constant 0 : index
    %get3A_73 = arith.constant 0 : index
    %get3A_74 = vector.load %arg7[%get3A_72, %get3A_73] : memref<64x32xf32, #tpu.memory_space<vmem>>, vector<64x32xf32>
    %dot_general3A_75 = arith.constant dense<0.000000e+00> : vector<10000x32xf32>
    %dot_general3A_76 = tpu.matmul %max3A_65, %get3A_74, %dot_general3A_75 {dimension_numbers = #tpu.dot_dimension_numbers<[1], [0], [0], [1], [0, 0, 1, 1], [], []>, transpose_lhs_hint = false} : vector<10000x64xf32>, vector<64x32xf32>, vector<10000x32xf32> -> vector<10000x32xf32>
    %swap3A_77 = arith.constant 0 : index
    %swap3A_78 = arith.constant 0 : index
    %swap3A_79 = vector.load %arg9[%swap3A_77, %swap3A_78] : memref<10000x32xf32, #tpu.memory_space<vmem>>, vector<10000x32xf32>
    tpu.vector_store %arg9[%swap3A_77, %swap3A_78], %dot_general3A_76 {strides = array<i32>} : memref<10000x32xf32, #tpu.memory_space<vmem>>, vector<10000x32xf32>,
    return
  }
}

module attributes {stable_mosaic.version = 14 : i64} {
  func.func @_tc_final_body(%arg0: memref<2x10240x32xf32, #tpu.memory_space<vmem>>, %arg1: memref<2x10240x16xf32, #tpu.memory_space<vmem>>, %arg2: memref<10000x32xf32, #tpu.memory_space<vmem>>, %arg3: memref<1x32xf32, #tpu.memory_space<vmem>>, %arg4: memref<1x32xf32, #tpu.memory_space<vmem>>, %arg5: memref<1x32xf32, #tpu.memory_space<vmem>>, %arg6: memref<32x64xf32, #tpu.memory_space<vmem>>, %arg7: memref<1x64xf32, #tpu.memory_space<vmem>>, %arg8: memref<64x1xf32, #tpu.memory_space<vmem>>, %arg9: memref<1x1xf32, #tpu.memory_space<vmem>>, %arg10: memref<10000x1xf32, #tpu.memory_space<vmem>>, %arg11: memref<10000x32xf32, #tpu.memory_space<vmem>>) attributes {dimension_semantics = [], scalar_prefetch = 0 : i64, scratch_operands = 0 : i64, tpu.core_type = #tpu.core_type<tc>} {
    %get3A = arith.constant 0 : index
    %get3A_0 = arith.constant 0 : index
    %get3A_1 = arith.constant 0 : index
    %get3A_2 = vector.load %arg0[%get3A, %get3A_0, %get3A_1] : memref<2x10240x32xf32, #tpu.memory_space<vmem>>, vector<1x10240x32xf32>
    %get3A_3 = vector.shape_cast %get3A_2 : vector<1x10240x32xf32> to vector<10240x32xf32>
    %get3A_4 = arith.constant 1 : index
    %get3A_5 = arith.constant 0 : index
    %get3A_6 = arith.constant 0 : index
    %get3A_7 = vector.load %arg0[%get3A_4, %get3A_5, %get3A_6] : memref<2x10240x32xf32, #tpu.memory_space<vmem>>, vector<1x10240x32xf32>
    %get3A_8 = vector.shape_cast %get3A_7 : vector<1x10240x32xf32> to vector<10240x32xf32>
    %add3A = arith.addf %get3A_3, %get3A_8 : vector<10240x32xf32>
    %slice3A = vector.extract_strided_slice %add3A {offsets = [0, 0], sizes = [10000, 32], strides = [1, 1]} : vector<10240x32xf32> to vector<10000x32xf32>
    %get3A_9 = arith.constant 0 : index
    %get3A_10 = arith.constant 0 : index
    %get3A_11 = arith.constant 0 : index
    %get3A_12 = vector.load %arg1[%get3A_9, %get3A_10, %get3A_11] : memref<2x10240x16xf32, #tpu.memory_space<vmem>>, vector<1x10240x16xf32>
    %get3A_13 = vector.shape_cast %get3A_12 : vector<1x10240x16xf32> to vector<10240x16xf32>
    %get3A_14 = arith.constant 1 : index
    %get3A_15 = arith.constant 0 : index
    %get3A_16 = arith.constant 0 : index
    %get3A_17 = vector.load %arg1[%get3A_14, %get3A_15, %get3A_16] : memref<2x10240x16xf32, #tpu.memory_space<vmem>>, vector<1x10240x16xf32>
    %get3A_18 = vector.shape_cast %get3A_17 : vector<1x10240x16xf32> to vector<10240x16xf32>
    %add3A_19 = arith.addf %get3A_13, %get3A_18 : vector<10240x16xf32>
    %slice3A_20 = vector.extract_strided_slice %add3A_19 {offsets = [0, 0], sizes = [10000, 1], strides = [1, 1]} : vector<10240x16xf32> to vector<10000x1xf32>
    %max3A = arith.constant 1.000000e+00 : f32
    %max3A_21 = vector.broadcast %max3A : f32 to vector<10000x1xf32>
    %max3A_22 = arith.maximumf %slice3A_20, %max3A_21 : vector<10000x1xf32>
    %div3A = vector.broadcast %max3A_22 : vector<10000x1xf32> to vector<10000x32xf32>
    %div3A_23 = arith.divf %slice3A, %div3A : vector<10000x32xf32>
    %get3A_24 = arith.constant 0 : index
    %get3A_25 = arith.constant 0 : index
    %get3A_26 = vector.load %arg2[%get3A_24, %get3A_25] : memref<10000x32xf32, #tpu.memory_space<vmem>>, vector<10000x32xf32>
    %add3A_27 = arith.addf %div3A_23, %get3A_26 : vector<10000x32xf32>
    %get3A_28 = arith.constant 0 : index
    %get3A_29 = arith.constant 0 : index
    %get3A_30 = vector.load %arg3[%get3A_28, %get3A_29] : memref<1x32xf32, #tpu.memory_space<vmem>>, vector<1x32xf32>
    %add3A_31 = vector.broadcast %get3A_30 : vector<1x32xf32> to vector<10000x32xf32>
    %add3A_32 = arith.addf %add3A_27, %add3A_31 : vector<10000x32xf32>
    %reduce_sum3A = arith.constant dense<0.000000e+00> : vector<32xf32>
    %reduce_sum3A_33 = vector.multi_reduction <add>, %add3A_32, %reduce_sum3A [0] : vector<10000x32xf32> to vector<32xf32>
    %broadcast_in_dim3A = vector.shape_cast %reduce_sum3A_33 : vector<32xf32> to vector<1x32xf32>
    %div3A_34 = arith.constant 1.000000e+04 : f32
    %div3A_35 = vector.broadcast %div3A_34 : f32 to vector<1x32xf32>
    %div3A_36 = arith.divf %broadcast_in_dim3A, %div3A_35 : vector<1x32xf32>
    %sub3A = vector.broadcast %div3A_36 : vector<1x32xf32> to vector<10000x32xf32>
    %sub3A_37 = arith.subf %add3A_32, %sub3A : vector<10000x32xf32>
    %sub3A_38 = vector.broadcast %div3A_36 : vector<1x32xf32> to vector<10000x32xf32>
    %sub3A_39 = arith.subf %add3A_32, %sub3A_38 : vector<10000x32xf32>
    %mul3A = arith.mulf %sub3A_37, %sub3A_39 : vector<10000x32xf32>
    %reduce_sum3A_40 = arith.constant dense<0.000000e+00> : vector<32xf32>
    %reduce_sum3A_41 = vector.multi_reduction <add>, %mul3A, %reduce_sum3A_40 [0] : vector<10000x32xf32> to vector<32xf32>
    %broadcast_in_dim3A_42 = vector.shape_cast %reduce_sum3A_41 : vector<32xf32> to vector<1x32xf32>
    %div3A_43 = arith.constant 1.000000e+04 : f32
    %div3A_44 = vector.broadcast %div3A_43 : f32 to vector<1x32xf32>
    %div3A_45 = arith.divf %broadcast_in_dim3A_42, %div3A_44 : vector<1x32xf32>
    %sub3A_46 = vector.broadcast %div3A_36 : vector<1x32xf32> to vector<10000x32xf32>
    %sub3A_47 = arith.subf %add3A_32, %sub3A_46 : vector<10000x32xf32>
    %add3A_48 = arith.constant 9.99999974E-6 : f32
    %add3A_49 = vector.broadcast %add3A_48 : f32 to vector<1x32xf32>
    %add3A_50 = arith.addf %div3A_45, %add3A_49 : vector<1x32xf32>
    %rsqrt3A = math.rsqrt %add3A_50 : vector<1x32xf32>
    %mul3A_51 = vector.broadcast %rsqrt3A : vector<1x32xf32> to vector<10000x32xf32>
    %mul3A_52 = arith.mulf %sub3A_47, %mul3A_51 : vector<10000x32xf32>
    %get3A_53 = arith.constant 0 : index
    %get3A_54 = arith.constant 0 : index
    %get3A_55 = vector.load %arg4[%get3A_53, %get3A_54] : memref<1x32xf32, #tpu.memory_space<vmem>>, vector<1x32xf32>
    %mul3A_56 = vector.broadcast %get3A_55 : vector<1x32xf32> to vector<10000x32xf32>
    %mul3A_57 = arith.mulf %mul3A_52, %mul3A_56 : vector<10000x32xf32>
    %get3A_58 = arith.constant 0 : index
    %get3A_59 = arith.constant 0 : index
    %get3A_60 = vector.load %arg5[%get3A_58, %get3A_59] : memref<1x32xf32, #tpu.memory_space<vmem>>, vector<1x32xf32>
    %add3A_61 = vector.broadcast %get3A_60 : vector<1x32xf32> to vector<10000x32xf32>
    %add3A_62 = arith.addf %mul3A_57, %add3A_61 : vector<10000x32xf32>
    %swap3A = arith.constant 0 : index
    %swap3A_63 = arith.constant 0 : index
    %swap3A_64 = vector.load %arg11[%swap3A, %swap3A_63] : memref<10000x32xf32, #tpu.memory_space<vmem>>, vector<10000x32xf32>
    tpu.vector_store %arg11[%swap3A, %swap3A_63], %add3A_62 {strides = array<i32>} : memref<10000x32xf32, #tpu.memory_space<vmem>>, vector<10000x32xf32>,
    %get3A_65 = arith.constant 0 : index
    %get3A_66 = arith.constant 0 : index
    %get3A_67 = vector.load %arg6[%get3A_65, %get3A_66] : memref<32x64xf32, #tpu.memory_space<vmem>>, vector<32x64xf32>
    %dot_general3A = arith.constant dense<0.000000e+00> : vector<10000x64xf32>
    %dot_general3A_68 = tpu.matmul %add3A_62, %get3A_67, %dot_general3A {dimension_numbers = #tpu.dot_dimension_numbers<[1], [0], [0], [1], [0, 0, 1, 1], [], []>, transpose_lhs_hint = false} : vector<10000x32xf32>, vector<32x64xf32>, vector<10000x64xf32> -> vector<10000x64xf32>
    %get3A_69 = arith.constant 0 : index
    %get3A_70 = arith.constant 0 : index
    %get3A_71 = vector.load %arg7[%get3A_69, %get3A_70] : memref<1x64xf32, #tpu.memory_space<vmem>>, vector<1x64xf32>
    %add3A_72 = vector.broadcast %get3A_71 : vector<1x64xf32> to vector<10000x64xf32>
    %add3A_73 = arith.addf %dot_general3A_68, %add3A_72 : vector<10000x64xf32>
    %max3A_74 = arith.constant 0.000000e+00 : f32
    %max3A_75 = vector.broadcast %max3A_74 : f32 to vector<10000x64xf32>
    %max3A_76 = arith.maximumf %add3A_73, %max3A_75 : vector<10000x64xf32>
    %get3A_77 = arith.constant 0 : index
    %get3A_78 = arith.constant 0 : index
    %get3A_79 = vector.load %arg8[%get3A_77, %get3A_78] : memref<64x1xf32, #tpu.memory_space<vmem>>, vector<64x1xf32>
    %dot_general3A_80 = arith.constant dense<0.000000e+00> : vector<10000x1xf32>
    %dot_general3A_81 = tpu.matmul %max3A_76, %get3A_79, %dot_general3A_80 {dimension_numbers = #tpu.dot_dimension_numbers<[1], [0], [0], [1], [0, 0, 1, 1], [], []>, transpose_lhs_hint = false} : vector<10000x64xf32>, vector<64x1xf32>, vector<10000x1xf32> -> vector<10000x1xf32>
    %get3A_82 = arith.constant 0 : index
    %get3A_83 = arith.constant 0 : index
    %get3A_84 = vector.load %arg9[%get3A_82, %get3A_83] : memref<1x1xf32, #tpu.memory_space<vmem>>, vector<1x1xf32>
    %add3A_85 = vector.broadcast %get3A_84 : vector<1x1xf32> to vector<10000x1xf32>
    %add3A_86 = arith.addf %dot_general3A_81, %add3A_85 : vector<10000x1xf32>
    %logistic3A = arith.negf %add3A_86 : vector<10000x1xf32>
    %logistic3A_87 = math.exp %logistic3A : vector<10000x1xf32>
    %logistic3A_88 = arith.constant 1.000000e+00 : f32
    %logistic3A_89 = vector.broadcast %logistic3A_88 : f32 to vector<10000x1xf32>
    %logistic3A_90 = arith.addf %logistic3A_89, %logistic3A_87 : vector<10000x1xf32>
    %logistic3A_91 = arith.divf %logistic3A_89, %logistic3A_90 : vector<10000x1xf32>
    %swap3A_92 = arith.constant 0 : index
    %swap3A_93 = arith.constant 0 : index
    %swap3A_94 = vector.load %arg10[%swap3A_92, %swap3A_93] : memref<10000x1xf32, #tpu.memory_space<vmem>>, vector<10000x1xf32>
    tpu.vector_store %arg10[%swap3A_92, %swap3A_93], %logistic3A_91 {strides = array<i32>} : memref<10000x1xf32, #tpu.memory_space<vmem>>, vector<10000x1xf32>,
    return
  }
}

</mosaic_0001>

<sc_bundles>
// kernel: kernel.12.cloned.1.call-start
scs
__scs_entry_jumppad:
0x0: {  	(pc) =	sbr.rel $0x88, $3  }
0x1: {  	(tag) =	ssettag $0x0;
	lr =	simm.s32 $0x1  }
0x2: {  	[smem:$0x3F8C] =	sst lr;
	_ =	strace $0xD0000000  }
0x3: {  	_ = 	snop  }
0x4: {  	_ = 	snop  }
0x5: {  	_ = 	snop  }
0x6: {  	_ = 	snop  }
0x7: {  	_ = 	snop  }
__scs_overlays_trampoline_lowered:
0x8: {  	[smem:$0x3F9B] =	sst s0  }
0x9: {  	[smem:$0x3F9C] =	sst s1  }
0xa: {  	[smem:$0x3F9D] =	sst s2  }
0xb: {  	[smem:$0x3F9E] =	sst s3  }
0xc: {  	[smem:$0x3F9F] =	sst s4  }
0xd: {  	[smem:$0x3FA0] =	sst s5  }
0xe: {  	[smem:$0x3FA1] =	sst s6  }
0xf: {  	[smem:$0x3FA2] =	sst s7  }
0x10: {  	[smem:$0x3FA3] =	sst s8  }
0x11: {  	[smem:$0x3FA4] =	sst s9;
	s0 =	simm.s32 @!p0 $0x0  }
0x12: {  	s1 =	sld [smem:$0x3F8A];
	s0 =	simm.s32 @p0 $0x1  }
0x13: {  	[smem:$0x3FA5] =	sst s0;
	s0 =	simm.s32 @!p1 $0x0  }
0x14: {  	s2 =	sld [smem:$0x3F89];
	s0 =	simm.s32 @p1 $0x1  }
0x15: {  	[smem:$0x3FA6] =	sst s0;
	s0 =	simm.s32 @!p2 $0x0  }
0x16: {  	s3 =	sld [smem:$0x3FDB];
	s0 =	simm.s32 @p2 $0x1  }
0x17: {  	s4 =	simm.s32 $0x1BF5;
	[smem:$0x3FA8] =	sst s0  }
0x18: {  	s0 =	sld [smem:$0x3F8B];
	_ =	swait.ge [sflag:s4], $0x0  }
0x19: {  	s7 =	sld [smem:$0x3F8C]  }
0x1a: {  	s8 =	sadd.s32 $0xFFFFE003, lr  }
0x1b: {  	s9 =	sadd.s32 $0xFFFFFEF7, lr;
	s5 =	simm.s32 $0xFFFFFFFF;
	p2 =	slt.u32 s8, $0xFFFFF086  }
0x1c: {  	p1 =	slt.u32 s9, $0xF7A;
	s5 =	simm.s32 @!p2 $0x0  }
0x1d: {  	s5 =	simm.s32 @p1 $0x1;
	p0 =	seq.s32 s7, s2  }
0x1e: {  	s7 =	smul.u32 @!p0 $0xF7A, s2;
	p2 =	seq.s32 @!p0 s5, $0x0  }
0x1f: {  	s9 =	smul.u32 $0xF7A, s1;
	s8 =	simm.s32 @!p0 $0x1BF5;
	p2 =	por !p2, p0  }
0x20: {  	[sflag:s8] =	ssyncset.s32 @!p0 $0xFFFFF086;
	s6 =	sadd.s32 @!p0 s3, s7;
	s7 =	simm.s32 @!p0 $0x108  }
0x21: {  	s3 =	sadd.s32 s3, s9;
	s6 =	sadd.s32 @!p0 $0x88, s6;
	s7 =	simm.s32 @p2 $0x1082  }
0x22: {  	[simem:s7], [sflag:s8] =	dma.local @!p0 [hbm:s6], $0xF7A  }
0x23: {  	s9 =	sor.u32 $0xD0000000, s2;
	s6 =	simm.s32 $0x108;
	_ =	swait.ge @!p0 [sflag:s8], $0x0  }
0x24: {  	s3 =	sadd.s32 $0x88, s3;
	s6 =	simm.s32 @!p1 $0x1082;
	[sflag:s4] =	ssyncset.s32 $0xFFFFF086  }
0x25: {  	[simem:s6], [sflag:s4] =	dma.local [hbm:s3], $0xF7A  }
0x26: {  	[smem:$0x3F8C] =	sst s1;
	(tag) =	ssettag s2;
	_ =	strace s9  }
0x27: {  	s1 =	sld [smem:$0x3F9C]  }
0x28: {  	s2 =	sld [smem:$0x3F9D]  }
0x29: {  	s4 =	sld [smem:$0x3F9F]  }
0x2a: {  	p0 =	seq.s32 s5, $0x0;
	s5 =	sld [smem:$0x3FA0]  }
0x2b: {  	s6 =	sld [smem:$0x3FA1]  }
0x2c: {  	s7 =	sld [smem:$0x3FA2]  }
0x2d: {  	s3 =	simm.s32 $0x108;
	s8 =	sld [smem:$0x3FA3]  }
0x2e: {  	s3 =	simm.s32 @!p0 $0x1082;
	s9 =	sld [smem:$0x3FA4]  }
0x2f: {  	lr =	sadd.s32 s0, s3;
	s0 =	sld [smem:$0x3F9B]  }
0x30: {  	s3 =	sld [smem:$0x3F9E]  }
0x31: {  	[smem:$0x3FA7] =	sst s10  }
0x32: {  	s10 =	sld [smem:$0x3FA5];
	_ =	sdelay $0x3  }
0x33: {  	p0 =	seq.s32 s10, $0x1;
	s10 =	sld [smem:$0x3FA7];
	_ =	sdelay $0x3  }
0x34: {  	[smem:$0x3FA7] =	sst s10  }
0x35: {  	s10 =	sld [smem:$0x3FA6];
	_ =	sdelay $0x3  }
0x36: {  	p1 =	seq.s32 s10, $0x1;
	s10 =	sld [smem:$0x3FA7];
	_ =	sdelay $0x3  }
0x37: {  	[smem:$0x3FA7] =	sst s10  }
0x38: {  	s10 =	sld [smem:$0x3FA8]  }
0x39: {  	_ = 	snop;
	(pc) =	sbr.ind lr, $3  }
0x3a: {  	_ = 	snop  }
0x3b: {  	_ = 	snop  }
0x3c: {  	p2 =	seq.s32 s10, $0x1;
	s10 =	sld [smem:$0x3FA7]  }
0x3d: {  	_ =	shalt  }
0x3e: {  	_ =	shalt  }
0x3f: {  	_ =	shalt  }
0x40: {  	_ =	shalt  }
0x41: {  	_ =	shalt  }
0x42: {  	_ =	shalt  }
0x43: {  	_ =	shalt  }
0x44: {  	_ =	shalt  }
0x45: {  	_ =	shalt  }
0x46: {  	_ =	shalt  }
0x47: {  	_ =	shalt  }
0x48: {  	_ =	shalt  }
0x49: {  	_ =	shalt  }
0x4a: {  	_ =	shalt  }
0x4b: {  	_ =	shalt  }
0x4c: {  	_ =	shalt  }
0x4d: {  	_ =	shalt  }
0x4e: {  	_ =	shalt  }
0x4f: {  	_ =	shalt  }
0x50: {  	_ =	shalt  }
0x51: {  	_ =	shalt  }
0x52: {  	_ =	shalt  }
0x53: {  	_ =	shalt  }
0x54: {  	_ =	shalt  }
0x55: {  	_ =	shalt  }
0x56: {  	_ =	shalt  }
0x57: {  	_ =	shalt  }
0x58: {  	_ =	shalt  }
0x59: {  	_ =	shalt  }
0x5a: {  	_ =	shalt  }
0x5b: {  	_ =	shalt  }
0x5c: {  	_ =	shalt  }
0x5d: {  	_ =	shalt  }
0x5e: {  	_ =	shalt  }
0x5f: {  	_ =	shalt  }
0x60: {  	_ =	shalt  }
0x61: {  	_ =	shalt  }
0x62: {  	_ =	shalt  }
0x63: {  	_ =	shalt  }
0x64: {  	_ =	shalt  }
0x65: {  	_ =	shalt  }
0x66: {  	_ =	shalt  }
0x67: {  	_ =	shalt  }
0x68: {  	_ =	shalt  }
0x69: {  	_ =	shalt  }
0x6a: {  	_ =	shalt  }
0x6b: {  	_ =	shalt  }
0x6c: {  	_ =	shalt  }
0x6d: {  	_ =	shalt  }
0x6e: {  	_ =	shalt  }
0x6f: {  	_ =	shalt  }
0x70: {  	_ =	shalt  }
0x71: {  	_ =	shalt  }
0x72: {  	_ =	shalt  }
0x73: {  	_ =	shalt  }
0x74: {  	_ =	shalt  }
0x75: {  	_ =	shalt  }
0x76: {  	_ =	shalt  }
0x77: {  	_ =	shalt  }
0x78: {  	_ =	shalt  }
0x79: {  	_ =	shalt  }
0x7a: {  	_ =	shalt  }
0x7b: {  	_ =	shalt  }
0x7c: {  	_ =	shalt  }
0x7d: {  	_ =	shalt  }
0x7e: {  	_ =	shalt  }
0x7f: {  	_ =	shalt  }
0x80: {  	_ =	shalt  }
0x81: {  	_ =	shalt  }
0x82: {  	_ =	shalt  }
0x83: {  	_ =	shalt  }
0x84: {  	_ =	shalt  }
0x85: {  	_ =	shalt  }
0x86: {  	_ =	shalt  }
0x87: {  	_ =	shalt  }
.Lfunc_end0:
.L_simem_size_0:
called_computation.1_lowered:
.L_overlay_start_0:
0x88: {  	s2 =	sld [smem:$0x3FD9]  }
0x89: {  	s3 =	sld [smem:$0x3FFE];
	_ =	sdelay $0x1  }
0x8a: {  	s1 =	srdreg.scid  }
0x8b: {  	s0 =	sand.u32 $0x1, s1  }
0x8c: {  	s16 =	sshll.u32 s0, $0xA;
	s2 =	sadd.s32 s3, s2  }
0x8d: {  	s2 =	sadd.s32 s2, s16  }
0x8e: {  	[smem:$0x3FB3] =	sst s2  }
0x8f: {  	_ = 	snop  }
0x90: {  	(tm) =	ssettm $0x1  }
0x91: {  	s17 =	sld [smem:$0x3FFB];
	_ =	sdelay $0x3  }
0x92: {  	_ =	strace s17  }
0x93: {  	s2 =	sld [smem:$0x3FFC];
	_ =	sdelay $0x3  }
0x94: {  	_ =	strace s2  }
0x95: {  	s2 =	sld [smem:$0x3FFD];
	_ =	sdelay $0x3  }
0x96: {  	_ =	strace s2  }
0x97: {  	_ =	strace $0x8FFFFFFF  }
0x98: {  	s18 =	sld [smem:$0x3FDB];
	_ =	sdelay $0x1  }
0x99: {  	s19 =	simm.s32 $_scs_section_size  }
0x9a: {  	s4 =	simm.s32 $_size__tile_overlayer_lowered;
	s5 =	simm.s32 $_tile_overlayer_lowered  }
0x9b: {  	s22 =	simm.s32 $0x1BFF;
	s21 =	sshll.u32 s5, $0x1;
	s2 =	sadd.s32 s19, s18  }
0x9c: {  	s6 =	simm.s32 $0x0;
	s20 =	sshll.u32 s4, $0x1;
	s4 =	sadd.s32 s21, s2  }
0x9d: {  	[timem:s6], [sflag:s22] =	dma.local [hbm:s4], s20  }
0x9e: {  	_ =	swait.ge [sflag:s22], s20  }
0x9f: {  	s3 =	ssub.s32 $0x0, s20;
	[sflag:s22] =	ssyncset.done $0x0  }
0xa0: {  	[sflag:s22] =	ssyncadd.s32 s3;
	_ =	sdelay $0x1  }
0xa1: {  	s23 =	simm.s32 $0x1B8B  }
0xa2: {  	_ =	swait.ge [sflag:s23], $0x1  }
0xa3: {  	[sflag:s23] =	ssyncset.done $0x0  }
0xa4: {  	s25 =	simm.s32 $0x1B8E;
	s24 =	sld [smem:$0x3FFE];
	[sflag:s23] =	ssyncadd.s32 $0xFFFFFFFF  }
0xa5: {  	s26 =	simm.s32 $execute0_lowered;
	[smem:$0x3FD2] =	sst s25  }
0xa6: {  	s4 =	sshll.u32 s26, $0x1;
	_ =	strace $0x80000049;
	[dreg:$0x1] =	wrdreg $0xFFFFFFFF  }
0xa7: {  	s28 =	simm.s32 $_size_execute0_lowered;
	s2 =	sadd.s32 s2, s4;
	[dreg:$0x0] =	wrdreg $0x0  }
0xa8: {  	s4 =	sshll.u32 s28, $0x1;
	[dreg:$0x2] =	wrdreg s2  }
0xa9: {  	[dreg:$0x3] =	wrdreg s4  }
0xaa: {  	[dreg:$0x4] =	wrdreg $0xC0  }
0xab: {  	_ =	task [dreg:s6], $0x5FFFF  }
0xac: {  	[dreg:$0x1] =	wrdreg $0xFFFFFFFF  }
0xad: {  	[dreg:$0x0] =	wrdreg $0x60  }
0xae: {  	[dreg:$0x2] =	wrdreg s24  }
0xaf: {  	[dreg:$0x3] =	wrdreg $0xCF000  }
0xb0: {  	[dreg:$0x4] =	wrdreg $0x9  }
0xb1: {  	_ =	task.clear_ibuf [dreg:s6], $0x5FFFF;
	_ =	strace $0x90000049  }
0xb2: {  	s29 =	simm.s32 $0x9;
	_ =	strace $0x8000004B  }
0xb3: {  	_ =	swait.ge [sflag:s29], $0x1  }
0xb4: {  	[sflag:s29] =	ssyncadd.s32 $0xFFFFFFFF  }
0xb5: {  	_ =	strace $0x9000004B  }
0xb6: {  	_ =	sfence  }
0xb7: {  	s30 =	sld [smem:$0x0];
	_ =	sdelay $0x2  }
0xb8: {  	s31 =	sshll.u32 s1, $0xD;
	s1 =	sshrl.u32 s1, $0x2  }
0xb9: {  	s3 =	sand.u32 $0x4000, s31;
	s1 =	sadd.s32 s1, s30  }
0xba: {  	s0 =	sor.u32 s3, s0;
	s1 =	sshll.u32 s1, $0x11  }
0xbb: {  	s0 =	sor.u32 s1, s0  }
0xbc: {  	s0 =	sadd.s32 $0x8F2B, s0  }
0xbd: {  	[sflag:s0] =	ssyncadd.remote.s32 $0x1  }
0xbe: {  	_ =	sfence.sel $0xFFFF  }
0xbf: {  	[dreg:$0x0] =	wrdreg $0xFFFFFFFF;
	(pc) =	sbr.abs _section_cstart, $3  }
0xc0: {  	[dreg:$0x1] =	wrdreg $0xFFFFFFFF  }
0xc1: {  	_ =	task.clear_ibuf [dreg:s6], $0x2FFFF;
	_ =	strace $0x9FFFFFFF  }
0xc2: {  	(tm) =	ssettm $0x7FFFFFFF  }
0xc3: {  	_ =	shalt  }
tec
execute0_lowered:
.L_overlay_start_1:
0x0: {  	(tag) =	ssettag $0x1  }
0x1: {  	s0 =	rddreg [dreg:$0x0]  }
0x2: {  	s2 =	rddreg [dreg:$0x1];
	s14 =	stileid.u32  }
0x3: {  	s1 =	srdreg.scid;
	s3 =	simm.s32 $0x0;
	s16 =	simm.s32 $0x80  }
0x4: {  	s17 =	simm.s32 $0x4F00;
	s18 =	simm.s32 $0x6F00;
	s20 =	simm.s32 $0x8F00  }
0x5: {  	s28 =	simm.s32 $0x5;
	s29 =	simm.s32 $0x6;
	s30 =	simm.s32 $0x7  }
0x6: {  	s31 =	simm.s32 $0x8;
	s19 =	simm.s32 $0x0;
	s9 =	smul.u32 $0xA000, s14  }
0x7: {  	s1 =	sand.u32 $0x1, s1;
	[smem:$0x7FF] =	sst s3;
	s4 =	sadd.s32 $0x17A00, s0  }
0x8: {  	s8 =	sadd.s32 $0x4000, s0;
	s25 =	sshll.u32 s14, $0x4;
	s26 =	sshll.u32 s14, $0x6  }
0x9: {  	s5 =	smul.u32 $0xA0000, s1;
	s6 =	sshll.u32 s1, $0x4;
	_ =	strace $0x8000004A  }
0xa: {  	s1 =	ssub.s32 $0x2, s1;
	s12 =	sor.u32 s14, s6;
	s22 =	sshrl.u32 s9, $0x3  }
0xb: {  	s24 =	sshrl.u32 s1, $0x1;
	s13 =	sadd.s32 s9, s2;
	s14 =	sor.u32 $0x1C09, s26  }
0xc: {  	s26 =	simm.s32 $0x4;
	s5 =	sadd.s32 s9, s5;
	s7 =	smul.u32 $0x2700, s12  }
0xd: {  	s10 =	sadd.s32 s22, s0;
	s1 =	ssub.s32 s1, s24;
	p0 =	sgt.u32 s12, $0x3  }
0xe: {  	s12 =	simm.s32 $0x9;
	s15 =	sshrl.u32 s13, $0x3;
	s22 =	simm.s32 $0xAF00  }
0xf: {  	s24 =	simm.s32 $0x2;
	s13 =	simm.s32 $0x4D80;
	s5 =	sshrl.u32 s5, $0x3  }
0x10: {  	s9 =	sadd.s32 $0x2B400, s10;
	s11 =	smax.u32 s1, $0x1;
	s23 =	sshrl.u32 s7, $0x3  }
0x11: {  	s0 =	sadd.s32 s5, s0;
	s5 =	sadd.s32 s8, s23;
	s8 =	sadd.s32 s25, s8  }
0x12: {  	s10 =	sadd.s32 $0x3F400, s0;
	s23 =	simm.s32 $0x1;
	s25 =	simm.s32 $0x3  }
0x13: {  	s6 =	sadd.s32 $0x9C40, s5;
	s7 =	sadd.s32 $0x9C00, s8;
	s8 =	sadd.s32 $0x13840, s8  }
.LBB2_1:
0x14: {  	[tilespmem:s3], [sflag:$0x9] =	stream.linear.gather [hbm4b:s5+s3], $0x2700, $0x38;
	[tilespmem:$0x16F00] =	vst v63  }
0x15: {  	_ =	swait.ge [sflag:s12], $0x2700  }
0x16: {  	[sflag:s12] =	ssyncset.done $0x0  }
0x17: {  	s0 =	simm.s32 $0x2700;
	[sflag:s12] =	ssyncadd.s32 $0xFFFFD900  }
0x18: {  	[tilespmem:s0], [sflag:$0x9] =	stream.linear.gather [hbm4b:s6+s3], $0x2700, $0x38;
	[tilespmem:$0x16F00] =	vst v63  }
0x19: {  	_ =	swait.ge [sflag:s12], $0x2700  }
0x1a: {  	[sflag:s12] =	ssyncset.done $0x0  }
0x1b: {  	s21 =	simm.s32 @!p0 $0x4E00;
	s0 =	simm.s32 @!p0 $0x0;
	[sflag:s12] =	ssyncadd.s32 $0xFFFFD900  }
0x1c: {  	[tilespmem:s21], [sflag:$0x9] =	stream.linear.gather @!p0 [hbm4b:s7+s0], $0x80, $0x38;
	[tilespmem:$0x16F00] =	vst v63  }
0x1d: {  	s21 =	simm.s32 @!p0 $0x9  }
0x1e: {  	_ =	swait.ge @!p0 [sflag:s21], $0x80  }
0x1f: {  	[sflag:s21] =	ssyncset.done @!p0 $0x0  }
0x20: {  	s1 =	simm.s32 @!p0 $0x4E80;
	[sflag:s21] =	ssyncadd.s32 @!p0 $0xFFFFFF80  }
0x21: {  	[tilespmem:s1], [sflag:$0x9] =	stream.linear.gather @!p0 [hbm4b:s8+s0], $0x80, $0x38;
	[tilespmem:$0x16F00] =	vst v63  }
0x22: {  	_ =	swait.ge @!p0 [sflag:s21], $0x80  }
0x23: {  	[sflag:s21] =	ssyncset.done @!p0 $0x0  }
0x24: {  	[sflag:s21] =	ssyncadd.s32 @!p0 $0xFFFFFF80  }
0x25: {  	[spmem:s15], [sflag:s14] =	dma.local [hbm:s9], $0x1400  }
0x26: {  	_ =	swait.ge [sflag:s12], $0x1400  }
0x27: {  	[sflag:s12] =	ssyncset.done $0x0  }
0x28: {  	[sflag:s12] =	ssyncadd.s32 $0xFFFFEC00  }
0x29: {  	[bflag:$0x0] =	sbarrier.arrive $0xFFFF  }
0x2a: {  	[tilespmem:s17], [sflag:$0x1] =	stream.indirect.gather [hbm4b:s4+s16], $0x40, s3, s16, $0xb8;
	[tilespmem:$0x16F00] =	vst v63  }
0x2b: {  	_ = 	snop  }
0x2c: {  	[tilespmem:s18], [sflag:$0x2] =	stream.indirect.gather [hbm4b:s4+s16], $0x40, s16, s16, $0xb8;
	[tilespmem:$0x16F00] =	vst v63  }
0x2d: {  	s21 =	simm.s32 $0x100  }
0x2e: {  	[tilespmem:s20], [sflag:$0x3] =	stream.indirect.gather [hbm4b:s4+s16], $0x40, s21, s16, $0xb8;
	[tilespmem:$0x16F00] =	vst v63  }
0x2f: {  	s1 =	simm.s32 $0x180  }
0x30: {  	[tilespmem:s22], [sflag:$0x4] =	stream.indirect.gather [hbm4b:s4+s16], $0x40, s1, s16, $0xb8;
	[tilespmem:$0x16F00] =	vst v63  }
0x31: {  	_ =	swait.ge [sflag:s23], $0x2000  }
0x32: {  	[sflag:s23] =	ssyncset.done $0x0  }
0x33: {  	s21 =	simm.s32 $0x2700;
	[sflag:s23] =	ssyncadd.s32 $0xFFFFE000  }
0x34: {  	[spmem:s2] =	stream.indirect.scatter.add.f32 [tilespmem:s17], [sflag:$0x5], $0x40, s21, s16, $0xb8;
	[tilespmem:$0x16F00] =	vst v63  }
0x35: {  	_ =	swait.ge [sflag:s24], $0x2000  }
0x36: {  	[sflag:s24] =	ssyncset.done $0x0  }
0x37: {  	s1 =	simm.s32 $0x2780;
	[sflag:s24] =	ssyncadd.s32 $0xFFFFE000  }
0x38: {  	[spmem:s2] =	stream.indirect.scatter.add.f32 [tilespmem:s18], [sflag:$0x6], $0x40, s1, s16, $0xb8;
	[tilespmem:$0x16F00] =	vst v63  }
0x39: {  	_ =	swait.ge [sflag:s25], $0x2000  }
0x3a: {  	[sflag:s25] =	ssyncset.done $0x0  }
0x3b: {  	s21 =	simm.s32 $0x2800;
	[sflag:s25] =	ssyncadd.s32 $0xFFFFE000  }
0x3c: {  	[spmem:s2] =	stream.indirect.scatter.add.f32 [tilespmem:s20], [sflag:$0x7], $0x40, s21, s16, $0xb8;
	[tilespmem:$0x16F00] =	vst v63  }
0x3d: {  	_ =	swait.ge [sflag:s26], $0x2000  }
0x3e: {  	[sflag:s26] =	ssyncset.done $0x0  }
0x3f: {  	s1 =	simm.s32 $0x2880;
	[sflag:s26] =	ssyncadd.s32 $0xFFFFE000  }
0x40: {  	[spmem:s2] =	stream.indirect.scatter.add.f32 [tilespmem:s22], [sflag:$0x8], $0x40, s1, s16, $0xb8;
	[tilespmem:$0x16F00] =	vst v63  }
0x41: {  	_ =	swait.ge [sflag:s28], $0x2000  }
0x42: {  	[sflag:s28] =	ssyncset.done $0x0  }
0x43: {  	s21 =	simm.s32 $0x200;
	[sflag:s28] =	ssyncadd.s32 $0xFFFFE000  }
0x44: {  	[tilespmem:s17], [sflag:$0x1] =	stream.indirect.gather [hbm4b:s4+s16], $0x40, s21, s16, $0xb8;
	[tilespmem:$0x16F00] =	vst v63  }
0x45: {  	_ =	swait.ge [sflag:s29], $0x2000  }
0x46: {  	[sflag:s29] =	ssyncset.done $0x0  }
0x47: {  	s1 =	simm.s32 $0x280;
	[sflag:s29] =	ssyncadd.s32 $0xFFFFE000  }
0x48: {  	[tilespmem:s18], [sflag:$0x2] =	stream.indirect.gather [hbm4b:s4+s16], $0x40, s1, s16, $0xb8;
	[tilespmem:$0x16F00] =	vst v63  }
0x49: {  	_ =	swait.ge [sflag:s30], $0x2000  }
0x4a: {  	[sflag:s30] =	ssyncset.done $0x0  }
0x4b: {  	s21 =	simm.s32 $0x300;
	[sflag:s30] =	ssyncadd.s32 $0xFFFFE000  }
0x4c: {  	[tilespmem:s20], [sflag:$0x3] =	stream.indirect.gather [hbm4b:s4+s16], $0x40, s21, s16, $0xb8;
	[tilespmem:$0x16F00] =	vst v63  }
0x4d: {  	_ =	swait.ge [sflag:s31], $0x2000  }
0x4e: {  	[sflag:s31] =	ssyncset.done $0x0  }
0x4f: {  	s0 =	simm.s32 $0x380;
	s21 =	simm.s32 $0x800;
	[sflag:s31] =	ssyncadd.s32 $0xFFFFE000  }
.LBB2_2:
0x50: {  	[tilespmem:s22], [sflag:$0x4] =	stream.indirect.gather [hbm4b:s4+s16], $0x40, s0, s16, $0xb8;
	[tilespmem:$0x16F00] =	vst v63  }
0x51: {  	s0 =	smov.u32 s21  }
0x52: {  	p1 =	sne.s32 s21, $0x8800;
	s21 =	sadd.s32 $0x800, s21;
	_ =	swait.ge [sflag:s23], $0x2000  }
0x53: {  	s0 =	sshra.s32 s0, $0x2;
	[sflag:s23] =	ssyncset.done $0x0  }
0x54: {  	s1 =	sadd.s32 $0x2700, s0;
	[sflag:s23] =	ssyncadd.s32 $0xFFFFE000  }
0x55: {  	[spmem:s2] =	stream.indirect.scatter.add.f32 [tilespmem:s17], [sflag:$0x5], $0x40, s1, s16, $0xb8;
	[tilespmem:$0x16F00] =	vst v63  }
0x56: {  	_ =	swait.ge [sflag:s24], $0x2000  }
0x57: {  	[sflag:s24] =	ssyncset.done $0x0  }
0x58: {  	s1 =	sadd.s32 $0x2780, s0;
	[sflag:s24] =	ssyncadd.s32 $0xFFFFE000  }
0x59: {  	[spmem:s2] =	stream.indirect.scatter.add.f32 [tilespmem:s18], [sflag:$0x6], $0x40, s1, s16, $0xb8;
	[tilespmem:$0x16F00] =	vst v63  }
0x5a: {  	_ =	swait.ge [sflag:s25], $0x2000  }
0x5b: {  	[sflag:s25] =	ssyncset.done $0x0  }
0x5c: {  	s1 =	sadd.s32 $0x2800, s0;
	[sflag:s25] =	ssyncadd.s32 $0xFFFFE000  }
0x5d: {  	[spmem:s2] =	stream.indirect.scatter.add.f32 [tilespmem:s20], [sflag:$0x7], $0x40, s1, s16, $0xb8;
	[tilespmem:$0x16F00] =	vst v63  }
0x5e: {  	_ =	swait.ge [sflag:s26], $0x2000  }
0x5f: {  	[sflag:s26] =	ssyncset.done $0x0  }
0x60: {  	s1 =	sadd.s32 $0x2880, s0;
	[sflag:s26] =	ssyncadd.s32 $0xFFFFE000  }
0x61: {  	[spmem:s2] =	stream.indirect.scatter.add.f32 [tilespmem:s22], [sflag:$0x8], $0x40, s1, s16, $0xb8;
	[tilespmem:$0x16F00] =	vst v63  }
0x62: {  	_ =	swait.ge [sflag:s28], $0x2000  }
0x63: {  	[sflag:s28] =	ssyncset.done $0x0  }
0x64: {  	s1 =	sadd.s32 $0x200, s0;
	[sflag:s28] =	ssyncadd.s32 $0xFFFFE000  }
0x65: {  	[tilespmem:s17], [sflag:$0x1] =	stream.indirect.gather [hbm4b:s4+s16], $0x40, s1, s16, $0xb8;
	[tilespmem:$0x16F00] =	vst v63  }
0x66: {  	_ =	swait.ge [sflag:s29], $0x2000  }
0x67: {  	[sflag:s29] =	ssyncset.done $0x0  }
0x68: {  	s1 =	sadd.s32 $0x280, s0;
	[sflag:s29] =	ssyncadd.s32 $0xFFFFE000  }
0x69: {  	[tilespmem:s18], [sflag:$0x2] =	stream.indirect.gather [hbm4b:s4+s16], $0x40, s1, s16, $0xb8;
	[tilespmem:$0x16F00] =	vst v63  }
0x6a: {  	_ =	swait.ge [sflag:s30], $0x2000  }
0x6b: {  	[sflag:s30] =	ssyncset.done $0x0  }
.Ltmp0:
0x6c: {  	s1 =	sadd.s32 $0x300, s0;
	[sflag:s30] =	ssyncadd.s32 $0xFFFFE000;
	(pc) =	sbr.rel @p1 .LBB2_2-.Ltmp0, $4  }
0x6d: {  	[tilespmem:s20], [sflag:$0x3] =	stream.indirect.gather [hbm4b:s4+s16], $0x40, s1, s16, $0xb8;
	[tilespmem:$0x16F00] =	vst v63  }
0x6e: {  	_ =	swait.ge [sflag:s31], $0x2000  }
0x6f: {  	[sflag:s31] =	ssyncset.done $0x0  }
0x70: {  	s0 =	sadd.s32 $0x380, s0;
	[sflag:s31] =	ssyncadd.s32 $0xFFFFE000  }
0x71: {  	[tilespmem:s22], [sflag:$0x4] =	stream.indirect.gather [hbm4b:s4+s16], $0x40, s0, s16, $0xb8;
	[tilespmem:$0x16F00] =	vst v63  }
0x72: {  	_ =	swait.ge [sflag:s23], $0x2000  }
0x73: {  	[sflag:s23] =	ssyncset.done $0x0  }
0x74: {  	s21 =	simm.s32 $0x4B00;
	[sflag:s23] =	ssyncadd.s32 $0xFFFFE000  }
0x75: {  	[spmem:s2] =	stream.indirect.scatter.add.f32 [tilespmem:s17], [sflag:$0x5], $0x40, s21, s16, $0xb8;
	[tilespmem:$0x16F00] =	vst v63  }
0x76: {  	_ =	swait.ge [sflag:s24], $0x2000  }
0x77: {  	[sflag:s24] =	ssyncset.done $0x0  }
0x78: {  	s1 =	simm.s32 $0x4B80;
	[sflag:s24] =	ssyncadd.s32 $0xFFFFE000  }
0x79: {  	[spmem:s2] =	stream.indirect.scatter.add.f32 [tilespmem:s18], [sflag:$0x6], $0x40, s1, s16, $0xb8;
	[tilespmem:$0x16F00] =	vst v63  }
0x7a: {  	_ =	swait.ge [sflag:s25], $0x2000  }
0x7b: {  	[sflag:s25] =	ssyncset.done $0x0  }
0x7c: {  	s21 =	simm.s32 $0x4C00;
	[sflag:s25] =	ssyncadd.s32 $0xFFFFE000  }
0x7d: {  	[spmem:s2] =	stream.indirect.scatter.add.f32 [tilespmem:s20], [sflag:$0x7], $0x40, s21, s16, $0xb8;
	[tilespmem:$0x16F00] =	vst v63  }
0x7e: {  	_ =	swait.ge [sflag:s26], $0x2000  }
0x7f: {  	[sflag:s26] =	ssyncset.done $0x0  }
0x80: {  	s1 =	simm.s32 $0x4C80;
	[sflag:s26] =	ssyncadd.s32 $0xFFFFE000  }
0x81: {  	[spmem:s2] =	stream.indirect.scatter.add.f32 [tilespmem:s22], [sflag:$0x8], $0x40, s1, s16, $0xb8;
	[tilespmem:$0x16F00] =	vst v63  }
0x82: {  	_ =	swait.ge [sflag:s28], $0x2000  }
0x83: {  	[sflag:s28] =	ssyncset.done $0x0  }
0x84: {  	s21 =	simm.s32 $0x2600;
	[sflag:s28] =	ssyncadd.s32 $0xFFFFE000  }
0x85: {  	[tilespmem:s17], [sflag:$0x1] =	stream.indirect.gather [hbm4b:s4+s16], $0x40, s21, s16, $0xb8;
	[tilespmem:$0x16F00] =	vst v63  }
0x86: {  	_ =	swait.ge [sflag:s29], $0x2000  }
0x87: {  	[sflag:s29] =	ssyncset.done $0x0  }
0x88: {  	s1 =	simm.s32 $0x2680;
	[sflag:s29] =	ssyncadd.s32 $0xFFFFE000  }
0x89: {  	[tilespmem:s18], [sflag:$0x2] =	stream.indirect.gather [hbm4b:s4+s16], $0x40, s1, s16, $0xb8;
	[tilespmem:$0x16F00] =	vst v63  }
0x8a: {  	_ =	swait.ge [sflag:s30], $0x2000  }
0x8b: {  	[sflag:s30] =	ssyncset.done $0x0  }
0x8c: {  	[sflag:s30] =	ssyncadd.s32 $0xFFFFE000  }
0x8d: {  	_ =	swait.ge [sflag:s31], $0x2000  }
0x8e: {  	[sflag:s31] =	ssyncset.done $0x0  }
0x8f: {  	[sflag:s31] =	ssyncadd.s32 $0xFFFFE000  }
0x90: {  	_ =	swait.ge [sflag:s23], $0x2000  }
0x91: {  	[sflag:s23] =	ssyncset.done $0x0  }
0x92: {  	s21 =	simm.s32 $0x4D00;
	[sflag:s23] =	ssyncadd.s32 $0xFFFFE000  }
0x93: {  	[spmem:s2] =	stream.indirect.scatter.add.f32 [tilespmem:s17], [sflag:$0x5], $0x40, s21, s16, $0xb8;
	[tilespmem:$0x16F00] =	vst v63  }
0x94: {  	_ =	swait.ge [sflag:s28], $0x2000  }
0x95: {  	[sflag:s28] =	ssyncset.done $0x0  }
0x96: {  	[sflag:s28] =	ssyncadd.s32 $0xFFFFE000  }
0x97: {  	_ =	swait.ge [sflag:s24], $0x2000  }
0x98: {  	[sflag:s24] =	ssyncset.done $0x0  }
0x99: {  	[sflag:s24] =	ssyncadd.s32 $0xFFFFE000  }
0x9a: {  	[spmem:s2] =	stream.indirect.scatter.add.f32 [tilespmem:s18], [sflag:$0x6], $0x40, s13, s16, $0xb8;
	[tilespmem:$0x16F00] =	vst v63  }
0x9b: {  	_ =	swait.ge [sflag:s29], $0x2000  }
0x9c: {  	s0 =	simm.s32 @!p0 $0x80;
	[sflag:s29] =	ssyncset.done $0x0  }
0x9d: {  	s1 =	simm.s32 @!p0 $0x4E00;
	s21 =	simm.s32 @!p0 $0x4F00;
	[sflag:s29] =	ssyncadd.s32 $0xFFFFE000  }
0x9e: {  	[tilespmem:s21], [sflag:$0x1] =	stream.indirect.gather @!p0 [hbm4b:s4+s0], $0x40, s1, s0, $0xb8;
	[tilespmem:$0x16F00] =	vst v63  }
0x9f: {  	s1 =	simm.s32 @!p0 $0x1  }
0xa0: {  	_ =	swait.ge @!p0 [sflag:s1], $0x2000  }
0xa1: {  	[sflag:s1] =	ssyncset.done @!p0 $0x0  }
0xa2: {  	[sflag:s1] =	ssyncadd.s32 @!p0 $0xFFFFE000;
	s1 =	simm.s32 @!p0 $0x4E80  }
0xa3: {  	[spmem:s2] =	stream.indirect.scatter.add.f32 @!p0 [tilespmem:s21], [sflag:$0x9], $0x40, s1, s0, $0xb8;
	[tilespmem:$0x16F00] =	vst v63  }
0xa4: {  	s0 =	simm.s32 @!p0 $0x9  }
0xa5: {  	_ =	swait.ge @!p0 [sflag:s0], $0x2000  }
0xa6: {  	s19 =	sadd.s32 $0x1, s19;
	[sflag:s0] =	ssyncset.done @!p0 $0x0  }
0xa7: {  	p1 =	sne.s32 s19, s11;
	[sflag:s0] =	ssyncadd.s32 @!p0 $0xFFFFE000  }
.Ltmp1:
0xa8: {  	[bflag:$0x0] =	sbarrier.arrive $0xFFFF;
	(pc) =	sbr.rel @p1 .LBB2_1-.Ltmp1, $4  }
0xa9: {  	[hbm:s10], [sflag:s14] =	dma.local [spmem:s15], $0x1400  }
0xaa: {  	_ =	swait.ge [sflag:s12], $0x1400  }
0xab: {  	[sflag:s12] =	ssyncset.done $0x0  }
0xac: {  	[sflag:s12] =	ssyncadd.s32 $0xFFFFEC00  }
0xad: {  	_ =	sfence.sel $0x180000  }
0xae: {  	[bflag:$0x0] =	sbarrier.arrive $0xFFFF  }
0xaf: {  	_ =	strace $0x9000004A  }
0xb0: {  	s0 =	stileid.u32;
	[bflag:$0x2] =	sbarrier.arrive $0xFFFF  }
0xb1: {  	p0 =	sne.s32 s0, $0x0;
	s0 =	rddreg [dreg:$0x2]  }
0xb2: {  	s0 =	sadd.s32 @!p0 $0x100000, s0  }
0xb3: {  	[sflag:s0] =	ssyncadd.tile.s32 @!p0 $0x1;
	_ =	shalt  }
.Lfunc_end2:
_tile_overlayer_lowered:
.L_overlay_start_2:
0xb4: {  	(tag) =	ssettag $0x2  }
0xb5: {  	s0 =	rddreg [dreg:$0x0];
	s2 =	stileid.u32  }
0xb6: {  	s1 =	rddreg [dreg:$0x1];
	p0 =	sne.s32 s2, $0x0  }
0xb7: {  	s3 =	rddreg [dreg:$0x2];
	[bflag:$0x3] =	sbarrier.arrive $0xFFFF;
	s2 =	simm.s32 @!p0 $0x1C09  }
0xb8: {  	[timem:s3], [sflag:s2] =	dma.local @!p0 [hbm:s0], s1  }
0xb9: {  	s0 =	simm.s32 @!p0 $0x9  }
0xba: {  	_ =	swait.ge @!p0 [sflag:s0], s1  }
0xbb: {  	s1 =	ssub.s32 @!p0 $0x0, s1;
	[sflag:s0] =	ssyncset.done @!p0 $0x0  }
0xbc: {  	[sflag:s0] =	ssyncadd.s32 @!p0 s1  }
0xbd: {  	[bflag:$0x3] =	sbarrier.arrive $0xFFFF  }
0xbe: {  	_ =	shalt  }

// kernel: kernel.15.cloned.1.call-start
scs
__scs_entry_jumppad:
0x0: {  	(pc) =	sbr.rel $0x88, $3  }
0x1: {  	(tag) =	ssettag $0x0;
	lr =	simm.s32 $0x1  }
0x2: {  	[smem:$0x3F8C] =	sst lr;
	_ =	strace $0xD0000000  }
0x3: {  	_ = 	snop  }
0x4: {  	_ = 	snop  }
0x5: {  	_ = 	snop  }
0x6: {  	_ = 	snop  }
0x7: {  	_ = 	snop  }
__scs_overlays_trampoline_lowered:
0x8: {  	[smem:$0x3F9B] =	sst s0  }
0x9: {  	[smem:$0x3F9C] =	sst s1  }
0xa: {  	[smem:$0x3F9D] =	sst s2  }
0xb: {  	[smem:$0x3F9E] =	sst s3  }
0xc: {  	[smem:$0x3F9F] =	sst s4  }
0xd: {  	[smem:$0x3FA0] =	sst s5  }
0xe: {  	[smem:$0x3FA1] =	sst s6  }
0xf: {  	[smem:$0x3FA2] =	sst s7  }
0x10: {  	[smem:$0x3FA3] =	sst s8  }
0x11: {  	[smem:$0x3FA4] =	sst s9;
	s0 =	simm.s32 @!p0 $0x0  }
0x12: {  	s1 =	sld [smem:$0x3F8A];
	s0 =	simm.s32 @p0 $0x1  }
0x13: {  	[smem:$0x3FA5] =	sst s0;
	s0 =	simm.s32 @!p1 $0x0  }
0x14: {  	s2 =	sld [smem:$0x3F89];
	s0 =	simm.s32 @p1 $0x1  }
0x15: {  	[smem:$0x3FA6] =	sst s0;
	s0 =	simm.s32 @!p2 $0x0  }
0x16: {  	s3 =	sld [smem:$0x3FDB];
	s0 =	simm.s32 @p2 $0x1  }
0x17: {  	s4 =	simm.s32 $0x1BF5;
	[smem:$0x3FA8] =	sst s0  }
0x18: {  	s0 =	sld [smem:$0x3F8B];
	_ =	swait.ge [sflag:s4], $0x0  }
0x19: {  	s7 =	sld [smem:$0x3F8C]  }
0x1a: {  	s8 =	sadd.s32 $0xFFFFE003, lr  }
0x1b: {  	s9 =	sadd.s32 $0xFFFFFEF7, lr;
	s5 =	simm.s32 $0xFFFFFFFF;
	p2 =	slt.u32 s8, $0xFFFFF086  }
0x1c: {  	p1 =	slt.u32 s9, $0xF7A;
	s5 =	simm.s32 @!p2 $0x0  }
0x1d: {  	s5 =	simm.s32 @p1 $0x1;
	p0 =	seq.s32 s7, s2  }
0x1e: {  	s7 =	smul.u32 @!p0 $0xF7A, s2;
	p2 =	seq.s32 @!p0 s5, $0x0  }
0x1f: {  	s9 =	smul.u32 $0xF7A, s1;
	s8 =	simm.s32 @!p0 $0x1BF5;
	p2 =	por !p2, p0  }
0x20: {  	[sflag:s8] =	ssyncset.s32 @!p0 $0xFFFFF086;
	s6 =	sadd.s32 @!p0 s3, s7;
	s7 =	simm.s32 @!p0 $0x108  }
0x21: {  	s3 =	sadd.s32 s3, s9;
	s6 =	sadd.s32 @!p0 $0x88, s6;
	s7 =	simm.s32 @p2 $0x1082  }
0x22: {  	[simem:s7], [sflag:s8] =	dma.local @!p0 [hbm:s6], $0xF7A  }
0x23: {  	s9 =	sor.u32 $0xD0000000, s2;
	s6 =	simm.s32 $0x108;
	_ =	swait.ge @!p0 [sflag:s8], $0x0  }
0x24: {  	s3 =	sadd.s32 $0x88, s3;
	s6 =	simm.s32 @!p1 $0x1082;
	[sflag:s4] =	ssyncset.s32 $0xFFFFF086  }
0x25: {  	[simem:s6], [sflag:s4] =	dma.local [hbm:s3], $0xF7A  }
0x26: {  	[smem:$0x3F8C] =	sst s1;
	(tag) =	ssettag s2;
	_ =	strace s9  }
0x27: {  	s1 =	sld [smem:$0x3F9C]  }
0x28: {  	s2 =	sld [smem:$0x3F9D]  }
0x29: {  	s4 =	sld [smem:$0x3F9F]  }
0x2a: {  	p0 =	seq.s32 s5, $0x0;
	s5 =	sld [smem:$0x3FA0]  }
0x2b: {  	s6 =	sld [smem:$0x3FA1]  }
0x2c: {  	s7 =	sld [smem:$0x3FA2]  }
0x2d: {  	s3 =	simm.s32 $0x108;
	s8 =	sld [smem:$0x3FA3]  }
0x2e: {  	s3 =	simm.s32 @!p0 $0x1082;
	s9 =	sld [smem:$0x3FA4]  }
0x2f: {  	lr =	sadd.s32 s0, s3;
	s0 =	sld [smem:$0x3F9B]  }
0x30: {  	s3 =	sld [smem:$0x3F9E]  }
0x31: {  	[smem:$0x3FA7] =	sst s10  }
0x32: {  	s10 =	sld [smem:$0x3FA5];
	_ =	sdelay $0x3  }
0x33: {  	p0 =	seq.s32 s10, $0x1;
	s10 =	sld [smem:$0x3FA7];
	_ =	sdelay $0x3  }
0x34: {  	[smem:$0x3FA7] =	sst s10  }
0x35: {  	s10 =	sld [smem:$0x3FA6];
	_ =	sdelay $0x3  }
0x36: {  	p1 =	seq.s32 s10, $0x1;
	s10 =	sld [smem:$0x3FA7];
	_ =	sdelay $0x3  }
0x37: {  	[smem:$0x3FA7] =	sst s10  }
0x38: {  	s10 =	sld [smem:$0x3FA8]  }
0x39: {  	_ = 	snop;
	(pc) =	sbr.ind lr, $3  }
0x3a: {  	_ = 	snop  }
0x3b: {  	_ = 	snop  }
0x3c: {  	p2 =	seq.s32 s10, $0x1;
	s10 =	sld [smem:$0x3FA7]  }
0x3d: {  	_ =	shalt  }
0x3e: {  	_ =	shalt  }
0x3f: {  	_ =	shalt  }
0x40: {  	_ =	shalt  }
0x41: {  	_ =	shalt  }
0x42: {  	_ =	shalt  }
0x43: {  	_ =	shalt  }
0x44: {  	_ =	shalt  }
0x45: {  	_ =	shalt  }
0x46: {  	_ =	shalt  }
0x47: {  	_ =	shalt  }
0x48: {  	_ =	shalt  }
0x49: {  	_ =	shalt  }
0x4a: {  	_ =	shalt  }
0x4b: {  	_ =	shalt  }
0x4c: {  	_ =	shalt  }
0x4d: {  	_ =	shalt  }
0x4e: {  	_ =	shalt  }
0x4f: {  	_ =	shalt  }
0x50: {  	_ =	shalt  }
0x51: {  	_ =	shalt  }
0x52: {  	_ =	shalt  }
0x53: {  	_ =	shalt  }
0x54: {  	_ =	shalt  }
0x55: {  	_ =	shalt  }
0x56: {  	_ =	shalt  }
0x57: {  	_ =	shalt  }
0x58: {  	_ =	shalt  }
0x59: {  	_ =	shalt  }
0x5a: {  	_ =	shalt  }
0x5b: {  	_ =	shalt  }
0x5c: {  	_ =	shalt  }
0x5d: {  	_ =	shalt  }
0x5e: {  	_ =	shalt  }
0x5f: {  	_ =	shalt  }
0x60: {  	_ =	shalt  }
0x61: {  	_ =	shalt  }
0x62: {  	_ =	shalt  }
0x63: {  	_ =	shalt  }
0x64: {  	_ =	shalt  }
0x65: {  	_ =	shalt  }
0x66: {  	_ =	shalt  }
0x67: {  	_ =	shalt  }
0x68: {  	_ =	shalt  }
0x69: {  	_ =	shalt  }
0x6a: {  	_ =	shalt  }
0x6b: {  	_ =	shalt  }
0x6c: {  	_ =	shalt  }
0x6d: {  	_ =	shalt  }
0x6e: {  	_ =	shalt  }
0x6f: {  	_ =	shalt  }
0x70: {  	_ =	shalt  }
0x71: {  	_ =	shalt  }
0x72: {  	_ =	shalt  }
0x73: {  	_ =	shalt  }
0x74: {  	_ =	shalt  }
0x75: {  	_ =	shalt  }
0x76: {  	_ =	shalt  }
0x77: {  	_ =	shalt  }
0x78: {  	_ =	shalt  }
0x79: {  	_ =	shalt  }
0x7a: {  	_ =	shalt  }
0x7b: {  	_ =	shalt  }
0x7c: {  	_ =	shalt  }
0x7d: {  	_ =	shalt  }
0x7e: {  	_ =	shalt  }
0x7f: {  	_ =	shalt  }
0x80: {  	_ =	shalt  }
0x81: {  	_ =	shalt  }
0x82: {  	_ =	shalt  }
0x83: {  	_ =	shalt  }
0x84: {  	_ =	shalt  }
0x85: {  	_ =	shalt  }
0x86: {  	_ =	shalt  }
0x87: {  	_ =	shalt  }
.Lfunc_end0:
.L_simem_size_0:
called_computation.2_lowered:
.L_overlay_start_0:
0x88: {  	s2 =	sld [smem:$0x3FD9]  }
0x89: {  	s3 =	sld [smem:$0x3FFE];
	_ =	sdelay $0x1  }
0x8a: {  	s1 =	srdreg.scid  }
0x8b: {  	s0 =	sand.u32 $0x1, s1  }
0x8c: {  	s14 =	sshll.u32 s0, $0xA;
	s2 =	sadd.s32 s3, s2  }
0x8d: {  	s2 =	sadd.s32 s2, s14  }
0x8e: {  	[smem:$0x3FB3] =	sst s2  }
0x8f: {  	_ = 	snop  }
0x90: {  	s2 =	sld [smem:$0x3FD0];
	_ =	sdelay $0x2  }
0x91: {  	s15 =	simm.s32 $0xA;
	s4 =	simm.s32 $0x10  }
0x92: {  	[smem:s4], [sflag:s15] =	dma.local [hbm:s2], $0x1  }
0x93: {  	_ =	swait.eq [sflag:s15], $0x1  }
0x94: {  	[sflag:s15] =	ssyncset.done $0x0  }
0x95: {  	[sflag:s15] =	ssyncadd.s32 $0xFFFFFFFF  }
0x96: {  	s16 =	sld [smem:$0x11];
	(tm) =	ssettm $0x1  }
0x97: {  	s17 =	sld [smem:$0x3FFB];
	_ =	sdelay $0x3  }
0x98: {  	_ =	strace s17  }
0x99: {  	s3 =	sld [smem:$0x3FFC];
	_ =	sdelay $0x3  }
0x9a: {  	_ =	strace s3  }
0x9b: {  	s3 =	sld [smem:$0x3FFD];
	_ =	sdelay $0x3  }
0x9c: {  	_ =	strace s3  }
0x9d: {  	_ =	strace $0x8FFFFFFF  }
0x9e: {  	s18 =	sld [smem:$0x3FDB];
	_ =	sdelay $0x1  }
0x9f: {  	s19 =	simm.s32 $_scs_section_size  }
0xa0: {  	s5 =	simm.s32 $_size__tile_overlayer_lowered;
	s6 =	simm.s32 $_tile_overlayer_lowered  }
0xa1: {  	s22 =	simm.s32 $0x1BFF;
	s21 =	sshll.u32 s6, $0x1;
	s3 =	sadd.s32 s19, s18  }
0xa2: {  	s7 =	simm.s32 $0x0;
	s20 =	sshll.u32 s5, $0x1;
	s5 =	sadd.s32 s21, s3  }
0xa3: {  	[timem:s7], [sflag:s22] =	dma.local [hbm:s5], s20  }
0xa4: {  	_ =	swait.ge [sflag:s22], s20  }
0xa5: {  	s4 =	ssub.s32 $0x0, s20;
	[sflag:s22] =	ssyncset.done $0x0  }
0xa6: {  	[sflag:s22] =	ssyncadd.s32 s4;
	_ =	sdelay $0x1  }
0xa7: {  	s23 =	simm.s32 $0x1B8B  }
0xa8: {  	_ =	swait.ge [sflag:s23], $0x1  }
0xa9: {  	[sflag:s23] =	ssyncset.done $0x0  }
0xaa: {  	s25 =	simm.s32 $0x1B8E;
	s24 =	sld [smem:$0x3FFE];
	[sflag:s23] =	ssyncadd.s32 $0xFFFFFFFF  }
0xab: {  	s26 =	simm.s32 $execute0_lowered;
	[smem:$0x3FD2] =	sst s25  }
0xac: {  	s5 =	sshll.u32 s26, $0x1;
	_ =	strace $0x8000004C;
	[dreg:$0x1] =	wrdreg $0xFFFFFFFF  }
0xad: {  	s28 =	simm.s32 $_size_execute0_lowered;
	s3 =	sadd.s32 s3, s5;
	[dreg:$0x0] =	wrdreg $0x0  }
0xae: {  	s5 =	sshll.u32 s28, $0x1;
	[dreg:$0x2] =	wrdreg s3  }
0xaf: {  	[dreg:$0x3] =	wrdreg s5  }
0xb0: {  	[dreg:$0x4] =	wrdreg $0xC0  }
0xb1: {  	_ =	task [dreg:s7], $0x5FFFF  }
0xb2: {  	[dreg:$0x1] =	wrdreg $0xFFFFFFFF  }
0xb3: {  	[dreg:$0x0] =	wrdreg $0x60  }
0xb4: {  	[dreg:$0x2] =	wrdreg s16  }
0xb5: {  	[dreg:$0x3] =	wrdreg s24  }
0xb6: {  	[dreg:$0x4] =	wrdreg $0x8F000  }
0xb7: {  	[dreg:$0x5] =	wrdreg $0x9  }
0xb8: {  	_ =	task.clear_ibuf [dreg:s7], $0x6FFFF;
	_ =	strace $0x9000004C  }
0xb9: {  	s29 =	simm.s32 $0x9;
	_ =	strace $0x8000004E  }
0xba: {  	_ =	swait.ge [sflag:s29], $0x1  }
0xbb: {  	[sflag:s29] =	ssyncadd.s32 $0xFFFFFFFF  }
0xbc: {  	_ =	strace $0x9000004E  }
0xbd: {  	_ =	sfence  }
0xbe: {  	s30 =	sld [smem:$0x0];
	_ =	sdelay $0x2  }
0xbf: {  	s31 =	sshll.u32 s1, $0xD;
	s1 =	sshrl.u32 s1, $0x2  }
0xc0: {  	s3 =	sand.u32 $0x4000, s31;
	s1 =	sadd.s32 s1, s30  }
0xc1: {  	s0 =	sor.u32 s3, s0;
	s1 =	sshll.u32 s1, $0x11  }
0xc2: {  	s0 =	sor.u32 s1, s0  }
0xc3: {  	s0 =	sadd.s32 $0x8F2B, s0  }
0xc4: {  	[sflag:s0] =	ssyncadd.remote.s32 $0x1  }
0xc5: {  	_ =	sfence.sel $0xFFFF  }
0xc6: {  	[dreg:$0x0] =	wrdreg $0xFFFFFFFF;
	(pc) =	sbr.abs _section_cstart, $3  }
0xc7: {  	[dreg:$0x1] =	wrdreg $0xFFFFFFFF  }
0xc8: {  	_ =	task.clear_ibuf [dreg:s7], $0x2FFFF;
	_ =	strace $0x9FFFFFFF  }
0xc9: {  	(tm) =	ssettm $0x7FFFFFFF  }
tec
execute0_lowered:
.L_overlay_start_1:
0x0: {  	(tag) =	ssettag $0x1  }
0x1: {  	s2 =	rddreg [dreg:$0x0]  }
0x2: {  	s0 =	rddreg [dreg:$0x1]  }
0x3: {  	s3 =	rddreg [dreg:$0x2]  }
0x4: {  	s14 =	stileid.u32;
	s1 =	srdreg.scid;
	s4 =	simm.s32 $0x0  }
0x5: {  	s16 =	simm.s32 $0x80;
	s17 =	simm.s32 $0x4F00;
	s18 =	simm.s32 $0x5F00  }
0x6: {  	s20 =	simm.s32 $0x6F00;
	s28 =	simm.s32 $0x5;
	s29 =	simm.s32 $0x6  }
0x7: {  	s30 =	simm.s32 $0x7;
	s31 =	simm.s32 $0x8;
	s19 =	simm.s32 $0x0  }
0x8: {  	s9 =	smul.u32 $0x5000, s14;
	s1 =	sand.u32 $0x1, s1;
	[smem:$0x7FF] =	sst s4  }
0x9: {  	s8 =	sadd.s32 $0x4000, s0;
	s25 =	sshll.u32 s14, $0x4;
	s26 =	sshll.u32 s14, $0x6  }
0xa: {  	s5 =	smul.u32 $0x50000, s1;
	s6 =	sshll.u32 s1, $0x4;
	_ =	strace $0x8000004D  }
0xb: {  	s1 =	ssub.s32 $0x2, s1;
	s12 =	sor.u32 s14, s6;
	s22 =	sshrl.u32 s9, $0x3  }
0xc: {  	s24 =	sshrl.u32 s1, $0x1;
	s13 =	sadd.s32 s9, s3;
	s14 =	sor.u32 $0x1C09, s26  }
0xd: {  	s26 =	simm.s32 $0x4;
	s5 =	sadd.s32 s9, s5;
	s7 =	smul.u32 $0x2700, s12  }
0xe: {  	s10 =	sadd.s32 s22, s0;
	s1 =	ssub.s32 s1, s24;
	p0 =	sgt.u32 s12, $0x3  }
0xf: {  	s12 =	simm.s32 $0x9;
	s15 =	sshrl.u32 s13, $0x3;
	s22 =	simm.s32 $0x7F00  }
0x10: {  	s24 =	simm.s32 $0x2;
	s13 =	simm.s32 $0x4D80;
	s5 =	sshrl.u32 s5, $0x3  }
0x11: {  	s9 =	sadd.s32 $0x17A00, s10;
	s11 =	smax.u32 s1, $0x1;
	s23 =	sshrl.u32 s7, $0x3  }
0x12: {  	s0 =	sadd.s32 s5, s0;
	s5 =	sadd.s32 s8, s23;
	s8 =	sadd.s32 s25, s8  }
0x13: {  	s10 =	sadd.s32 $0x21A00, s0;
	s23 =	simm.s32 $0x1;
	s25 =	simm.s32 $0x3  }
0x14: {  	s6 =	sadd.s32 $0x9C40, s5;
	s7 =	sadd.s32 $0x9C00, s8;
	s8 =	sadd.s32 $0x13840, s8  }
.LBB2_1:
0x15: {  	[tilespmem:s4], [sflag:$0x9] =	stream.linear.gather [hbm4b:s5+s4], $0x2700, $0x38;
	[tilespmem:$0xDF00] =	vst v63  }
0x16: {  	_ =	swait.ge [sflag:s12], $0x2700  }
0x17: {  	[sflag:s12] =	ssyncset.done $0x0  }
0x18: {  	s0 =	simm.s32 $0x2700;
	[sflag:s12] =	ssyncadd.s32 $0xFFFFD900  }
0x19: {  	[tilespmem:s0], [sflag:$0x9] =	stream.linear.gather [hbm4b:s6+s4], $0x2700, $0x38;
	[tilespmem:$0xDF00] =	vst v63  }
0x1a: {  	_ =	swait.ge [sflag:s12], $0x2700  }
0x1b: {  	[sflag:s12] =	ssyncset.done $0x0  }
0x1c: {  	s21 =	simm.s32 @!p0 $0x4E00;
	s0 =	simm.s32 @!p0 $0x0;
	[sflag:s12] =	ssyncadd.s32 $0xFFFFD900  }
0x1d: {  	[tilespmem:s21], [sflag:$0x9] =	stream.linear.gather @!p0 [hbm4b:s7+s0], $0x80, $0x38;
	[tilespmem:$0xDF00] =	vst v63  }
0x1e: {  	s21 =	simm.s32 @!p0 $0x9  }
0x1f: {  	_ =	swait.ge @!p0 [sflag:s21], $0x80  }
0x20: {  	[sflag:s21] =	ssyncset.done @!p0 $0x0  }
0x21: {  	s1 =	simm.s32 @!p0 $0x4E80;
	[sflag:s21] =	ssyncadd.s32 @!p0 $0xFFFFFF80  }
0x22: {  	[tilespmem:s1], [sflag:$0x9] =	stream.linear.gather @!p0 [hbm4b:s8+s0], $0x80, $0x38;
	[tilespmem:$0xDF00] =	vst v63  }
0x23: {  	_ =	swait.ge @!p0 [sflag:s21], $0x80  }
0x24: {  	[sflag:s21] =	ssyncset.done @!p0 $0x0  }
0x25: {  	[sflag:s21] =	ssyncadd.s32 @!p0 $0xFFFFFF80  }
0x26: {  	[spmem:s15], [sflag:s14] =	dma.local [hbm:s9], $0xA00  }
0x27: {  	_ =	swait.ge [sflag:s12], $0xA00  }
0x28: {  	[sflag:s12] =	ssyncset.done $0x0  }
0x29: {  	[sflag:s12] =	ssyncadd.s32 $0xFFFFF600  }
0x2a: {  	[bflag:$0x0] =	sbarrier.arrive $0xFFFF  }
0x2b: {  	[tilespmem:s17], [sflag:$0x1] =	stream.indirect.gather [hbm4b:s2+s16], $0x20, s4, s16, $0xb8;
	[tilespmem:$0xDF00] =	vst v63  }
0x2c: {  	_ = 	snop  }
0x2d: {  	[tilespmem:s18], [sflag:$0x2] =	stream.indirect.gather [hbm4b:s2+s16], $0x20, s16, s16, $0xb8;
	[tilespmem:$0xDF00] =	vst v63  }
0x2e: {  	s21 =	simm.s32 $0x100  }
0x2f: {  	[tilespmem:s20], [sflag:$0x3] =	stream.indirect.gather [hbm4b:s2+s16], $0x20, s21, s16, $0xb8;
	[tilespmem:$0xDF00] =	vst v63  }
0x30: {  	s1 =	simm.s32 $0x180  }
0x31: {  	[tilespmem:s22], [sflag:$0x4] =	stream.indirect.gather [hbm4b:s2+s16], $0x20, s1, s16, $0xb8;
	[tilespmem:$0xDF00] =	vst v63  }
0x32: {  	_ =	swait.ge [sflag:s23], $0x1000  }
0x33: {  	[sflag:s23] =	ssyncset.done $0x0  }
0x34: {  	s21 =	simm.s32 $0x2700;
	[sflag:s23] =	ssyncadd.s32 $0xFFFFF000  }
0x35: {  	[spmem:s3] =	stream.indirect.scatter.add.f32 [tilespmem:s17], [sflag:$0x5], $0x20, s21, s16, $0xb8;
	[tilespmem:$0xDF00] =	vst v63  }
0x36: {  	_ =	swait.ge [sflag:s24], $0x1000  }
0x37: {  	[sflag:s24] =	ssyncset.done $0x0  }
0x38: {  	s1 =	simm.s32 $0x2780;
	[sflag:s24] =	ssyncadd.s32 $0xFFFFF000  }
0x39: {  	[spmem:s3] =	stream.indirect.scatter.add.f32 [tilespmem:s18], [sflag:$0x6], $0x20, s1, s16, $0xb8;
	[tilespmem:$0xDF00] =	vst v63  }
0x3a: {  	_ =	swait.ge [sflag:s25], $0x1000  }
0x3b: {  	[sflag:s25] =	ssyncset.done $0x0  }
0x3c: {  	s21 =	simm.s32 $0x2800;
	[sflag:s25] =	ssyncadd.s32 $0xFFFFF000  }
0x3d: {  	[spmem:s3] =	stream.indirect.scatter.add.f32 [tilespmem:s20], [sflag:$0x7], $0x20, s21, s16, $0xb8;
	[tilespmem:$0xDF00] =	vst v63  }
0x3e: {  	_ =	swait.ge [sflag:s26], $0x1000  }
0x3f: {  	[sflag:s26] =	ssyncset.done $0x0  }
0x40: {  	s1 =	simm.s32 $0x2880;
	[sflag:s26] =	ssyncadd.s32 $0xFFFFF000  }
0x41: {  	[spmem:s3] =	stream.indirect.scatter.add.f32 [tilespmem:s22], [sflag:$0x8], $0x20, s1, s16, $0xb8;
	[tilespmem:$0xDF00] =	vst v63  }
0x42: {  	_ =	swait.ge [sflag:s28], $0x1000  }
0x43: {  	[sflag:s28] =	ssyncset.done $0x0  }
0x44: {  	s21 =	simm.s32 $0x200;
	[sflag:s28] =	ssyncadd.s32 $0xFFFFF000  }
0x45: {  	[tilespmem:s17], [sflag:$0x1] =	stream.indirect.gather [hbm4b:s2+s16], $0x20, s21, s16, $0xb8;
	[tilespmem:$0xDF00] =	vst v63  }
0x46: {  	_ =	swait.ge [sflag:s29], $0x1000  }
0x47: {  	[sflag:s29] =	ssyncset.done $0x0  }
0x48: {  	s1 =	simm.s32 $0x280;
	[sflag:s29] =	ssyncadd.s32 $0xFFFFF000  }
0x49: {  	[tilespmem:s18], [sflag:$0x2] =	stream.indirect.gather [hbm4b:s2+s16], $0x20, s1, s16, $0xb8;
	[tilespmem:$0xDF00] =	vst v63  }
0x4a: {  	_ =	swait.ge [sflag:s30], $0x1000  }
0x4b: {  	[sflag:s30] =	ssyncset.done $0x0  }
0x4c: {  	s21 =	simm.s32 $0x300;
	[sflag:s30] =	ssyncadd.s32 $0xFFFFF000  }
0x4d: {  	[tilespmem:s20], [sflag:$0x3] =	stream.indirect.gather [hbm4b:s2+s16], $0x20, s21, s16, $0xb8;
	[tilespmem:$0xDF00] =	vst v63  }
0x4e: {  	_ =	swait.ge [sflag:s31], $0x1000  }
0x4f: {  	[sflag:s31] =	ssyncset.done $0x0  }
0x50: {  	s0 =	simm.s32 $0x380;
	s21 =	simm.s32 $0x800;
	[sflag:s31] =	ssyncadd.s32 $0xFFFFF000  }
.LBB2_2:
0x51: {  	[tilespmem:s22], [sflag:$0x4] =	stream.indirect.gather [hbm4b:s2+s16], $0x20, s0, s16, $0xb8;
	[tilespmem:$0xDF00] =	vst v63  }
0x52: {  	s0 =	smov.u32 s21  }
0x53: {  	p1 =	sne.s32 s21, $0x8800;
	s21 =	sadd.s32 $0x800, s21;
	_ =	swait.ge [sflag:s23], $0x1000  }
0x54: {  	s0 =	sshra.s32 s0, $0x2;
	[sflag:s23] =	ssyncset.done $0x0  }
0x55: {  	s1 =	sadd.s32 $0x2700, s0;
	[sflag:s23] =	ssyncadd.s32 $0xFFFFF000  }
0x56: {  	[spmem:s3] =	stream.indirect.scatter.add.f32 [tilespmem:s17], [sflag:$0x5], $0x20, s1, s16, $0xb8;
	[tilespmem:$0xDF00] =	vst v63  }
0x57: {  	_ =	swait.ge [sflag:s24], $0x1000  }
0x58: {  	[sflag:s24] =	ssyncset.done $0x0  }
0x59: {  	s1 =	sadd.s32 $0x2780, s0;
	[sflag:s24] =	ssyncadd.s32 $0xFFFFF000  }
0x5a: {  	[spmem:s3] =	stream.indirect.scatter.add.f32 [tilespmem:s18], [sflag:$0x6], $0x20, s1, s16, $0xb8;
	[tilespmem:$0xDF00] =	vst v63  }
0x5b: {  	_ =	swait.ge [sflag:s25], $0x1000  }
0x5c: {  	[sflag:s25] =	ssyncset.done $0x0  }
0x5d: {  	s1 =	sadd.s32 $0x2800, s0;
	[sflag:s25] =	ssyncadd.s32 $0xFFFFF000  }
0x5e: {  	[spmem:s3] =	stream.indirect.scatter.add.f32 [tilespmem:s20], [sflag:$0x7], $0x20, s1, s16, $0xb8;
	[tilespmem:$0xDF00] =	vst v63  }
0x5f: {  	_ =	swait.ge [sflag:s26], $0x1000  }
0x60: {  	[sflag:s26] =	ssyncset.done $0x0  }
0x61: {  	s1 =	sadd.s32 $0x2880, s0;
	[sflag:s26] =	ssyncadd.s32 $0xFFFFF000  }
0x62: {  	[spmem:s3] =	stream.indirect.scatter.add.f32 [tilespmem:s22], [sflag:$0x8], $0x20, s1, s16, $0xb8;
	[tilespmem:$0xDF00] =	vst v63  }
0x63: {  	_ =	swait.ge [sflag:s28], $0x1000  }
0x64: {  	[sflag:s28] =	ssyncset.done $0x0  }
0x65: {  	s1 =	sadd.s32 $0x200, s0;
	[sflag:s28] =	ssyncadd.s32 $0xFFFFF000  }
0x66: {  	[tilespmem:s17], [sflag:$0x1] =	stream.indirect.gather [hbm4b:s2+s16], $0x20, s1, s16, $0xb8;
	[tilespmem:$0xDF00] =	vst v63  }
0x67: {  	_ =	swait.ge [sflag:s29], $0x1000  }
0x68: {  	[sflag:s29] =	ssyncset.done $0x0  }
0x69: {  	s1 =	sadd.s32 $0x280, s0;
	[sflag:s29] =	ssyncadd.s32 $0xFFFFF000  }
0x6a: {  	[tilespmem:s18], [sflag:$0x2] =	stream.indirect.gather [hbm4b:s2+s16], $0x20, s1, s16, $0xb8;
	[tilespmem:$0xDF00] =	vst v63  }
0x6b: {  	_ =	swait.ge [sflag:s30], $0x1000  }
0x6c: {  	[sflag:s30] =	ssyncset.done $0x0  }
.Ltmp0:
0x6d: {  	s1 =	sadd.s32 $0x300, s0;
	[sflag:s30] =	ssyncadd.s32 $0xFFFFF000;
	(pc) =	sbr.rel @p1 .LBB2_2-.Ltmp0, $4  }
0x6e: {  	[tilespmem:s20], [sflag:$0x3] =	stream.indirect.gather [hbm4b:s2+s16], $0x20, s1, s16, $0xb8;
	[tilespmem:$0xDF00] =	vst v63  }
0x6f: {  	_ =	swait.ge [sflag:s31], $0x1000  }
0x70: {  	[sflag:s31] =	ssyncset.done $0x0  }
0x71: {  	s0 =	sadd.s32 $0x380, s0;
	[sflag:s31] =	ssyncadd.s32 $0xFFFFF000  }
0x72: {  	[tilespmem:s22], [sflag:$0x4] =	stream.indirect.gather [hbm4b:s2+s16], $0x20, s0, s16, $0xb8;
	[tilespmem:$0xDF00] =	vst v63  }
0x73: {  	_ =	swait.ge [sflag:s23], $0x1000  }
0x74: {  	[sflag:s23] =	ssyncset.done $0x0  }
0x75: {  	s21 =	simm.s32 $0x4B00;
	[sflag:s23] =	ssyncadd.s32 $0xFFFFF000  }
0x76: {  	[spmem:s3] =	stream.indirect.scatter.add.f32 [tilespmem:s17], [sflag:$0x5], $0x20, s21, s16, $0xb8;
	[tilespmem:$0xDF00] =	vst v63  }
0x77: {  	_ =	swait.ge [sflag:s24], $0x1000  }
0x78: {  	[sflag:s24] =	ssyncset.done $0x0  }
0x79: {  	s1 =	simm.s32 $0x4B80;
	[sflag:s24] =	ssyncadd.s32 $0xFFFFF000  }
0x7a: {  	[spmem:s3] =	stream.indirect.scatter.add.f32 [tilespmem:s18], [sflag:$0x6], $0x20, s1, s16, $0xb8;
	[tilespmem:$0xDF00] =	vst v63  }
0x7b: {  	_ =	swait.ge [sflag:s25], $0x1000  }
0x7c: {  	[sflag:s25] =	ssyncset.done $0x0  }
0x7d: {  	s21 =	simm.s32 $0x4C00;
	[sflag:s25] =	ssyncadd.s32 $0xFFFFF000  }
0x7e: {  	[spmem:s3] =	stream.indirect.scatter.add.f32 [tilespmem:s20], [sflag:$0x7], $0x20, s21, s16, $0xb8;
	[tilespmem:$0xDF00] =	vst v63  }
0x7f: {  	_ =	swait.ge [sflag:s26], $0x1000  }
0x80: {  	[sflag:s26] =	ssyncset.done $0x0  }
0x81: {  	s1 =	simm.s32 $0x4C80;
	[sflag:s26] =	ssyncadd.s32 $0xFFFFF000  }
0x82: {  	[spmem:s3] =	stream.indirect.scatter.add.f32 [tilespmem:s22], [sflag:$0x8], $0x20, s1, s16, $0xb8;
	[tilespmem:$0xDF00] =	vst v63  }
0x83: {  	_ =	swait.ge [sflag:s28], $0x1000  }
0x84: {  	[sflag:s28] =	ssyncset.done $0x0  }
0x85: {  	s21 =	simm.s32 $0x2600;
	[sflag:s28] =	ssyncadd.s32 $0xFFFFF000  }
0x86: {  	[tilespmem:s17], [sflag:$0x1] =	stream.indirect.gather [hbm4b:s2+s16], $0x20, s21, s16, $0xb8;
	[tilespmem:$0xDF00] =	vst v63  }
0x87: {  	_ =	swait.ge [sflag:s29], $0x1000  }
0x88: {  	[sflag:s29] =	ssyncset.done $0x0  }
0x89: {  	s1 =	simm.s32 $0x2680;
	[sflag:s29] =	ssyncadd.s32 $0xFFFFF000  }
0x8a: {  	[tilespmem:s18], [sflag:$0x2] =	stream.indirect.gather [hbm4b:s2+s16], $0x20, s1, s16, $0xb8;
	[tilespmem:$0xDF00] =	vst v63  }
0x8b: {  	_ =	swait.ge [sflag:s30], $0x1000  }
0x8c: {  	[sflag:s30] =	ssyncset.done $0x0  }
0x8d: {  	[sflag:s30] =	ssyncadd.s32 $0xFFFFF000  }
0x8e: {  	_ =	swait.ge [sflag:s31], $0x1000  }
0x8f: {  	[sflag:s31] =	ssyncset.done $0x0  }
0x90: {  	[sflag:s31] =	ssyncadd.s32 $0xFFFFF000  }
0x91: {  	_ =	swait.ge [sflag:s23], $0x1000  }
0x92: {  	[sflag:s23] =	ssyncset.done $0x0  }
0x93: {  	s21 =	simm.s32 $0x4D00;
	[sflag:s23] =	ssyncadd.s32 $0xFFFFF000  }
0x94: {  	[spmem:s3] =	stream.indirect.scatter.add.f32 [tilespmem:s17], [sflag:$0x5], $0x20, s21, s16, $0xb8;
	[tilespmem:$0xDF00] =	vst v63  }
0x95: {  	_ =	swait.ge [sflag:s28], $0x1000  }
0x96: {  	[sflag:s28] =	ssyncset.done $0x0  }
0x97: {  	[sflag:s28] =	ssyncadd.s32 $0xFFFFF000  }
0x98: {  	_ =	swait.ge [sflag:s24], $0x1000  }
0x99: {  	[sflag:s24] =	ssyncset.done $0x0  }
0x9a: {  	[sflag:s24] =	ssyncadd.s32 $0xFFFFF000  }
0x9b: {  	[spmem:s3] =	stream.indirect.scatter.add.f32 [tilespmem:s18], [sflag:$0x6], $0x20, s13, s16, $0xb8;
	[tilespmem:$0xDF00] =	vst v63  }
0x9c: {  	_ =	swait.ge [sflag:s29], $0x1000  }
0x9d: {  	s0 =	simm.s32 @!p0 $0x80;
	[sflag:s29] =	ssyncset.done $0x0  }
0x9e: {  	s1 =	simm.s32 @!p0 $0x4E00;
	s21 =	simm.s32 @!p0 $0x4F00;
	[sflag:s29] =	ssyncadd.s32 $0xFFFFF000  }
0x9f: {  	[tilespmem:s21], [sflag:$0x1] =	stream.indirect.gather @!p0 [hbm4b:s2+s0], $0x20, s1, s0, $0xb8;
	[tilespmem:$0xDF00] =	vst v63  }
0xa0: {  	s1 =	simm.s32 @!p0 $0x1  }
0xa1: {  	_ =	swait.ge @!p0 [sflag:s1], $0x1000  }
0xa2: {  	[sflag:s1] =	ssyncset.done @!p0 $0x0  }
0xa3: {  	[sflag:s1] =	ssyncadd.s32 @!p0 $0xFFFFF000;
	s1 =	simm.s32 @!p0 $0x4E80  }
0xa4: {  	[spmem:s3] =	stream.indirect.scatter.add.f32 @!p0 [tilespmem:s21], [sflag:$0x9], $0x20, s1, s0, $0xb8;
	[tilespmem:$0xDF00] =	vst v63  }
0xa5: {  	s0 =	simm.s32 @!p0 $0x9  }
0xa6: {  	_ =	swait.ge @!p0 [sflag:s0], $0x1000  }
0xa7: {  	s19 =	sadd.s32 $0x1, s19;
	[sflag:s0] =	ssyncset.done @!p0 $0x0  }
0xa8: {  	p1 =	sne.s32 s19, s11;
	[sflag:s0] =	ssyncadd.s32 @!p0 $0xFFFFF000  }
.Ltmp1:
0xa9: {  	[bflag:$0x0] =	sbarrier.arrive $0xFFFF;
	(pc) =	sbr.rel @p1 .LBB2_1-.Ltmp1, $4  }
0xaa: {  	[hbm:s10], [sflag:s14] =	dma.local [spmem:s15], $0xA00  }
0xab: {  	_ =	swait.ge [sflag:s12], $0xA00  }
0xac: {  	[sflag:s12] =	ssyncset.done $0x0  }
0xad: {  	[sflag:s12] =	ssyncadd.s32 $0xFFFFF600  }
0xae: {  	_ =	sfence.sel $0x180000  }
0xaf: {  	[bflag:$0x0] =	sbarrier.arrive $0xFFFF  }
0xb0: {  	_ =	strace $0x9000004D  }
0xb1: {  	s0 =	stileid.u32;
	[bflag:$0x2] =	sbarrier.arrive $0xFFFF  }
0xb2: {  	p0 =	sne.s32 s0, $0x0;
	s0 =	rddreg [dreg:$0x3]  }
0xb3: {  	s0 =	sadd.s32 @!p0 $0x100000, s0  }
0xb4: {  	[sflag:s0] =	ssyncadd.tile.s32 @!p0 $0x1;
	_ =	shalt  }
.Lfunc_end2:
_tile_overlayer_lowered:
.L_overlay_start_2:
0xb5: {  	(tag) =	ssettag $0x2  }
0xb6: {  	s0 =	rddreg [dreg:$0x0];
	s2 =	stileid.u32  }
0xb7: {  	s1 =	rddreg [dreg:$0x1];
	p0 =	sne.s32 s2, $0x0  }
0xb8: {  	s3 =	rddreg [dreg:$0x2];
	[bflag:$0x3] =	sbarrier.arrive $0xFFFF;
	s2 =	simm.s32 @!p0 $0x1C09  }
0xb9: {  	[timem:s3], [sflag:s2] =	dma.local @!p0 [hbm:s0], s1  }
0xba: {  	s0 =	simm.s32 @!p0 $0x9  }
0xbb: {  	_ =	swait.ge @!p0 [sflag:s0], s1  }
0xbc: {  	s1 =	ssub.s32 @!p0 $0x0, s1;
	[sflag:s0] =	ssyncset.done @!p0 $0x0  }
0xbd: {  	[sflag:s0] =	ssyncadd.s32 @!p0 s1  }
0xbe: {  	[bflag:$0x3] =	sbarrier.arrive $0xFFFF  }
0xbf: {  	_ =	shalt  }

// kernel: kernel.9.cloned.1.call-start
scs
__scs_entry_jumppad:
0x0: {  	(pc) =	sbr.rel $0x88, $3  }
0x1: {  	(tag) =	ssettag $0x0;
	lr =	simm.s32 $0x1  }
0x2: {  	[smem:$0x3F8C] =	sst lr;
	_ =	strace $0xD0000000  }
0x3: {  	_ = 	snop  }
0x4: {  	_ = 	snop  }
0x5: {  	_ = 	snop  }
0x6: {  	_ = 	snop  }
0x7: {  	_ = 	snop  }
__scs_overlays_trampoline_lowered:
0x8: {  	[smem:$0x3F9B] =	sst s0  }
0x9: {  	[smem:$0x3F9C] =	sst s1  }
0xa: {  	[smem:$0x3F9D] =	sst s2  }
0xb: {  	[smem:$0x3F9E] =	sst s3  }
0xc: {  	[smem:$0x3F9F] =	sst s4  }
0xd: {  	[smem:$0x3FA0] =	sst s5  }
0xe: {  	[smem:$0x3FA1] =	sst s6  }
0xf: {  	[smem:$0x3FA2] =	sst s7  }
0x10: {  	[smem:$0x3FA3] =	sst s8  }
0x11: {  	[smem:$0x3FA4] =	sst s9;
	s0 =	simm.s32 @!p0 $0x0  }
0x12: {  	s1 =	sld [smem:$0x3F8A];
	s0 =	simm.s32 @p0 $0x1  }
0x13: {  	[smem:$0x3FA5] =	sst s0;
	s0 =	simm.s32 @!p1 $0x0  }
0x14: {  	s2 =	sld [smem:$0x3F89];
	s0 =	simm.s32 @p1 $0x1  }
0x15: {  	[smem:$0x3FA6] =	sst s0;
	s0 =	simm.s32 @!p2 $0x0  }
0x16: {  	s3 =	sld [smem:$0x3FDB];
	s0 =	simm.s32 @p2 $0x1  }
0x17: {  	s4 =	simm.s32 $0x1BF5;
	[smem:$0x3FA8] =	sst s0  }
0x18: {  	s0 =	sld [smem:$0x3F8B];
	_ =	swait.ge [sflag:s4], $0x0  }
0x19: {  	s7 =	sld [smem:$0x3F8C]  }
0x1a: {  	s8 =	sadd.s32 $0xFFFFE003, lr  }
0x1b: {  	s9 =	sadd.s32 $0xFFFFFEF7, lr;
	s5 =	simm.s32 $0xFFFFFFFF;
	p2 =	slt.u32 s8, $0xFFFFF086  }
0x1c: {  	p1 =	slt.u32 s9, $0xF7A;
	s5 =	simm.s32 @!p2 $0x0  }
0x1d: {  	s5 =	simm.s32 @p1 $0x1;
	p0 =	seq.s32 s7, s2  }
0x1e: {  	s7 =	smul.u32 @!p0 $0xF7A, s2;
	p2 =	seq.s32 @!p0 s5, $0x0  }
0x1f: {  	s9 =	smul.u32 $0xF7A, s1;
	s8 =	simm.s32 @!p0 $0x1BF5;
	p2 =	por !p2, p0  }
0x20: {  	[sflag:s8] =	ssyncset.s32 @!p0 $0xFFFFF086;
	s6 =	sadd.s32 @!p0 s3, s7;
	s7 =	simm.s32 @!p0 $0x108  }
0x21: {  	s3 =	sadd.s32 s3, s9;
	s6 =	sadd.s32 @!p0 $0x88, s6;
	s7 =	simm.s32 @p2 $0x1082  }
0x22: {  	[simem:s7], [sflag:s8] =	dma.local @!p0 [hbm:s6], $0xF7A  }
0x23: {  	s9 =	sor.u32 $0xD0000000, s2;
	s6 =	simm.s32 $0x108;
	_ =	swait.ge @!p0 [sflag:s8], $0x0  }
0x24: {  	s3 =	sadd.s32 $0x88, s3;
	s6 =	simm.s32 @!p1 $0x1082;
	[sflag:s4] =	ssyncset.s32 $0xFFFFF086  }
0x25: {  	[simem:s6], [sflag:s4] =	dma.local [hbm:s3], $0xF7A  }
0x26: {  	[smem:$0x3F8C] =	sst s1;
	(tag) =	ssettag s2;
	_ =	strace s9  }
0x27: {  	s1 =	sld [smem:$0x3F9C]  }
0x28: {  	s2 =	sld [smem:$0x3F9D]  }
0x29: {  	s4 =	sld [smem:$0x3F9F]  }
0x2a: {  	p0 =	seq.s32 s5, $0x0;
	s5 =	sld [smem:$0x3FA0]  }
0x2b: {  	s6 =	sld [smem:$0x3FA1]  }
0x2c: {  	s7 =	sld [smem:$0x3FA2]  }
0x2d: {  	s3 =	simm.s32 $0x108;
	s8 =	sld [smem:$0x3FA3]  }
0x2e: {  	s3 =	simm.s32 @!p0 $0x1082;
	s9 =	sld [smem:$0x3FA4]  }
0x2f: {  	lr =	sadd.s32 s0, s3;
	s0 =	sld [smem:$0x3F9B]  }
0x30: {  	s3 =	sld [smem:$0x3F9E]  }
0x31: {  	[smem:$0x3FA7] =	sst s10  }
0x32: {  	s10 =	sld [smem:$0x3FA5];
	_ =	sdelay $0x3  }
0x33: {  	p0 =	seq.s32 s10, $0x1;
	s10 =	sld [smem:$0x3FA7];
	_ =	sdelay $0x3  }
0x34: {  	[smem:$0x3FA7] =	sst s10  }
0x35: {  	s10 =	sld [smem:$0x3FA6];
	_ =	sdelay $0x3  }
0x36: {  	p1 =	seq.s32 s10, $0x1;
	s10 =	sld [smem:$0x3FA7];
	_ =	sdelay $0x3  }
0x37: {  	[smem:$0x3FA7] =	sst s10  }
0x38: {  	s10 =	sld [smem:$0x3FA8]  }
0x39: {  	_ = 	snop;
	(pc) =	sbr.ind lr, $3  }
0x3a: {  	_ = 	snop  }
0x3b: {  	_ = 	snop  }
0x3c: {  	p2 =	seq.s32 s10, $0x1;
	s10 =	sld [smem:$0x3FA7]  }
0x3d: {  	_ =	shalt  }
0x3e: {  	_ =	shalt  }
0x3f: {  	_ =	shalt  }
0x40: {  	_ =	shalt  }
0x41: {  	_ =	shalt  }
0x42: {  	_ =	shalt  }
0x43: {  	_ =	shalt  }
0x44: {  	_ =	shalt  }
0x45: {  	_ =	shalt  }
0x46: {  	_ =	shalt  }
0x47: {  	_ =	shalt  }
0x48: {  	_ =	shalt  }
0x49: {  	_ =	shalt  }
0x4a: {  	_ =	shalt  }
0x4b: {  	_ =	shalt  }
0x4c: {  	_ =	shalt  }
0x4d: {  	_ =	shalt  }
0x4e: {  	_ =	shalt  }
0x4f: {  	_ =	shalt  }
0x50: {  	_ =	shalt  }
0x51: {  	_ =	shalt  }
0x52: {  	_ =	shalt  }
0x53: {  	_ =	shalt  }
0x54: {  	_ =	shalt  }
0x55: {  	_ =	shalt  }
0x56: {  	_ =	shalt  }
0x57: {  	_ =	shalt  }
0x58: {  	_ =	shalt  }
0x59: {  	_ =	shalt  }
0x5a: {  	_ =	shalt  }
0x5b: {  	_ =	shalt  }
0x5c: {  	_ =	shalt  }
0x5d: {  	_ =	shalt  }
0x5e: {  	_ =	shalt  }
0x5f: {  	_ =	shalt  }
0x60: {  	_ =	shalt  }
0x61: {  	_ =	shalt  }
0x62: {  	_ =	shalt  }
0x63: {  	_ =	shalt  }
0x64: {  	_ =	shalt  }
0x65: {  	_ =	shalt  }
0x66: {  	_ =	shalt  }
0x67: {  	_ =	shalt  }
0x68: {  	_ =	shalt  }
0x69: {  	_ =	shalt  }
0x6a: {  	_ =	shalt  }
0x6b: {  	_ =	shalt  }
0x6c: {  	_ =	shalt  }
0x6d: {  	_ =	shalt  }
0x6e: {  	_ =	shalt  }
0x6f: {  	_ =	shalt  }
0x70: {  	_ =	shalt  }
0x71: {  	_ =	shalt  }
0x72: {  	_ =	shalt  }
0x73: {  	_ =	shalt  }
0x74: {  	_ =	shalt  }
0x75: {  	_ =	shalt  }
0x76: {  	_ =	shalt  }
0x77: {  	_ =	shalt  }
0x78: {  	_ =	shalt  }
0x79: {  	_ =	shalt  }
0x7a: {  	_ =	shalt  }
0x7b: {  	_ =	shalt  }
0x7c: {  	_ =	shalt  }
0x7d: {  	_ =	shalt  }
0x7e: {  	_ =	shalt  }
0x7f: {  	_ =	shalt  }
0x80: {  	_ =	shalt  }
0x81: {  	_ =	shalt  }
0x82: {  	_ =	shalt  }
0x83: {  	_ =	shalt  }
0x84: {  	_ =	shalt  }
0x85: {  	_ =	shalt  }
0x86: {  	_ =	shalt  }
0x87: {  	_ =	shalt  }
.Lfunc_end0:
.L_simem_size_0:
called_computation_lowered:
.L_overlay_start_0:
0x88: {  	s2 =	sld [smem:$0x3FD9]  }
0x89: {  	s3 =	sld [smem:$0x3FFE];
	_ =	sdelay $0x1  }
0x8a: {  	s1 =	srdreg.scid  }
0x8b: {  	s0 =	sand.u32 $0x1, s1  }
0x8c: {  	s14 =	sshll.u32 s0, $0xA;
	s2 =	sadd.s32 s3, s2  }
0x8d: {  	s2 =	sadd.s32 s2, s14  }
0x8e: {  	[smem:$0x3FB3] =	sst s2  }
0x8f: {  	_ = 	snop  }
0x90: {  	s2 =	sld [smem:$0x3FD0];
	_ =	sdelay $0x2  }
0x91: {  	s15 =	simm.s32 $0xA;
	s4 =	simm.s32 $0x10  }
0x92: {  	[smem:s4], [sflag:s15] =	dma.local [hbm:s2], $0x1  }
0x93: {  	_ =	swait.eq [sflag:s15], $0x1  }
0x94: {  	[sflag:s15] =	ssyncset.done $0x0  }
0x95: {  	[sflag:s15] =	ssyncadd.s32 $0xFFFFFFFF  }
0x96: {  	s16 =	sld [smem:$0x11];
	(tm) =	ssettm $0x1  }
0x97: {  	s17 =	sld [smem:$0x3FFB];
	_ =	sdelay $0x3  }
0x98: {  	_ =	strace s17  }
0x99: {  	s3 =	sld [smem:$0x3FFC];
	_ =	sdelay $0x3  }
0x9a: {  	_ =	strace s3  }
0x9b: {  	s3 =	sld [smem:$0x3FFD];
	_ =	sdelay $0x3  }
0x9c: {  	_ =	strace s3  }
0x9d: {  	_ =	strace $0x8FFFFFFF  }
0x9e: {  	s18 =	sld [smem:$0x3FDB];
	_ =	sdelay $0x1  }
0x9f: {  	s19 =	simm.s32 $_scs_section_size  }
0xa0: {  	s5 =	simm.s32 $_size__tile_overlayer_lowered;
	s6 =	simm.s32 $_tile_overlayer_lowered  }
0xa1: {  	s22 =	simm.s32 $0x1BFF;
	s21 =	sshll.u32 s6, $0x1;
	s3 =	sadd.s32 s19, s18  }
0xa2: {  	s7 =	simm.s32 $0x0;
	s20 =	sshll.u32 s5, $0x1;
	s5 =	sadd.s32 s21, s3  }
0xa3: {  	[timem:s7], [sflag:s22] =	dma.local [hbm:s5], s20  }
0xa4: {  	_ =	swait.ge [sflag:s22], s20  }
0xa5: {  	s4 =	ssub.s32 $0x0, s20;
	[sflag:s22] =	ssyncset.done $0x0  }
0xa6: {  	[sflag:s22] =	ssyncadd.s32 s4;
	_ =	sdelay $0x1  }
0xa7: {  	s23 =	simm.s32 $0x1B8B  }
0xa8: {  	_ =	swait.ge [sflag:s23], $0x1  }
0xa9: {  	[sflag:s23] =	ssyncset.done $0x0  }
0xaa: {  	s25 =	simm.s32 $0x1B8E;
	s24 =	sld [smem:$0x3FFE];
	[sflag:s23] =	ssyncadd.s32 $0xFFFFFFFF  }
0xab: {  	s26 =	simm.s32 $execute0_lowered;
	[smem:$0x3FD2] =	sst s25  }
0xac: {  	s5 =	sshll.u32 s26, $0x1;
	_ =	strace $0x80000046;
	[dreg:$0x1] =	wrdreg $0xFFFFFFFF  }
0xad: {  	s28 =	simm.s32 $_size_execute0_lowered;
	s3 =	sadd.s32 s3, s5;
	[dreg:$0x0] =	wrdreg $0x0  }
0xae: {  	s5 =	sshll.u32 s28, $0x1;
	[dreg:$0x2] =	wrdreg s3  }
0xaf: {  	[dreg:$0x3] =	wrdreg s5  }
0xb0: {  	[dreg:$0x4] =	wrdreg $0xC0  }
0xb1: {  	_ =	task [dreg:s7], $0x5FFFF  }
0xb2: {  	[dreg:$0x1] =	wrdreg $0xFFFFFFFF  }
0xb3: {  	[dreg:$0x0] =	wrdreg $0x60  }
0xb4: {  	[dreg:$0x2] =	wrdreg s24  }
0xb5: {  	[dreg:$0x3] =	wrdreg s16  }
0xb6: {  	[dreg:$0x4] =	wrdreg $0xCF000  }
0xb7: {  	[dreg:$0x5] =	wrdreg $0x177000  }
0xb8: {  	[dreg:$0x6] =	wrdreg $0x9  }
0xb9: {  	_ =	task.clear_ibuf [dreg:s7], $0x7FFFF;
	_ =	strace $0x90000046  }
0xba: {  	s29 =	simm.s32 $0x9;
	_ =	strace $0x80000048  }
0xbb: {  	_ =	swait.ge [sflag:s29], $0x1  }
0xbc: {  	[sflag:s29] =	ssyncadd.s32 $0xFFFFFFFF  }
0xbd: {  	_ =	strace $0x90000048  }
0xbe: {  	_ =	sfence  }
0xbf: {  	s30 =	sld [smem:$0x0];
	_ =	sdelay $0x2  }
0xc0: {  	s31 =	sshll.u32 s1, $0xD;
	s1 =	sshrl.u32 s1, $0x2  }
0xc1: {  	s3 =	sand.u32 $0x4000, s31;
	s1 =	sadd.s32 s1, s30  }
0xc2: {  	s0 =	sor.u32 s3, s0;
	s1 =	sshll.u32 s1, $0x11  }
0xc3: {  	s0 =	sor.u32 s1, s0  }
0xc4: {  	s0 =	sadd.s32 $0x8F2B, s0  }
0xc5: {  	[sflag:s0] =	ssyncadd.remote.s32 $0x1  }
0xc6: {  	_ =	sfence.sel $0xFFFF  }
0xc7: {  	[dreg:$0x0] =	wrdreg $0xFFFFFFFF;
	(pc) =	sbr.abs _section_cstart, $3  }
0xc8: {  	[dreg:$0x1] =	wrdreg $0xFFFFFFFF  }
0xc9: {  	_ =	task.clear_ibuf [dreg:s7], $0x2FFFF;
	_ =	strace $0x9FFFFFFF  }
0xca: {  	(tm) =	ssettm $0x7FFFFFFF  }
0xcb: {  	_ =	shalt  }
tec
execute0_lowered:
.L_overlay_start_1:
0x0: {  	(tag) =	ssettag $0x1  }
0x1: {  	s0 =	rddreg [dreg:$0x0]  }
0x2: {  	s1 =	rddreg [dreg:$0x1]  }
0x3: {  	s2 =	rddreg [dreg:$0x2]  }
0x4: {  	s16 =	stileid.u32;
	s4 =	srdreg.scid  }
0x5: {  	s3 =	rddreg [dreg:$0x3];
	s5 =	simm.s32 $0x0;
	s28 =	simm.s32 $0x1  }
0x6: {  	s29 =	simm.s32 $0x16F00;
	s30 =	simm.s32 $0x2;
	s31 =	simm.s32 $0x3  }
0x7: {  	s6 =	smul.u32 $0xA000, s16;
	s4 =	sand.u32 $0x1, s4;
	[smem:$0x7FF] =	sst s5  }
0x8: {  	s8 =	smul.u32 $0x2800, s16;
	s5 =	sadd.s32 $0x17A00, s0;
	s10 =	sadd.s32 $0x4000, s0  }
0x9: {  	s18 =	sshll.u32 s16, $0x4;
	s26 =	sshll.u32 s16, $0x6;
	s7 =	smul.u32 $0xA0000, s4  }
0xa: {  	_ =	strace $0x80000047;
	s9 =	smul.u32 $0x28000, s4;
	s12 =	sshll.u32 s4, $0x4  }
0xb: {  	s4 =	ssub.s32 $0x2, s4;
	s19 =	sadd.s32 s18, s10;
	s11 =	sshrl.u32 s6, $0x3  }
0xc: {  	s12 =	sor.u32 s16, s12;
	s14 =	sshrl.u32 s4, $0x1;
	s21 =	sadd.s32 $0x9C00, s19  }
0xd: {  	s22 =	sshrl.u32 s8, $0x3;
	s16 =	simm.s32 $0x9;
	s7 =	sadd.s32 s6, s7  }
0xe: {  	s9 =	sadd.s32 s8, s9;
	s13 =	smul.u32 $0x2700, s12;
	s11 =	sadd.s32 s11, s0  }
0xf: {  	s4 =	ssub.s32 s4, s14;
	[dreg:$0x7] =	wrdreg s21;
	s6 =	sadd.s32 s6, s2  }
0x10: {  	s8 =	sadd.s32 s8, s3;
	s1 =	sadd.s32 s1, s22;
	p0 =	sgt.u32 s12, $0x3  }
0x11: {  	s21 =	simm.s32 $0x4F00;
	s22 =	simm.s32 $0x6F00;
	s14 =	simm.s32 $0x4D80  }
0x12: {  	s7 =	sshrl.u32 s7, $0x3;
	s9 =	sshrl.u32 s9, $0x3;
	s23 =	sadd.s32 $0x2B400, s11  }
0x13: {  	[dreg:$0xa] =	wrdreg s1;
	s25 =	smax.u32 s4, $0x1;
	s18 =	sshrl.u32 s6, $0x3  }
0x14: {  	s1 =	simm.s32 $0x4;
	s4 =	simm.s32 $0x7;
	s7 =	sadd.s32 s7, s0  }
0x15: {  	s0 =	sadd.s32 s9, s0;
	s17 =	sshrl.u32 s13, $0x3;
	[dreg:$0x9] =	wrdreg s23  }
0x16: {  	s9 =	sadd.s32 $0x13840, s19;
	[dreg:$0xd] =	wrdreg s25;
	s19 =	sshrl.u32 s8, $0x3  }
0x17: {  	s23 =	simm.s32 $0x6;
	s25 =	simm.s32 $0xA;
	s8 =	simm.s32 $0x8  }
0x18: {  	s15 =	sadd.s32 s10, s17;
	[dreg:$0x8] =	wrdreg s9;
	s24 =	sadd.s32 $0x49400, s7  }
0x19: {  	s0 =	sadd.s32 $0x3F400, s0;
	s17 =	sor.u32 $0x1C0D, s26;
	s26 =	simm.s32 $0xAF00  }
0x1a: {  	s7 =	simm.s32 $0xB;
	s9 =	simm.s32 $0xC;
	[dreg:$0x5] =	wrdreg s15  }
0x1b: {  	s10 =	simm.s32 $0x0;
	s20 =	sadd.s32 $0x9C40, s15;
	[dreg:$0xb] =	wrdreg s24  }
0x1c: {  	[dreg:$0xc] =	wrdreg s0;
	s15 =	simm.s32 $0xD;
	s24 =	simm.s32 $0x8F00  }
0x1d: {  	v0 =	vimm.f32 $1.000000000e+00;
	s0 =	simm.s32 $0x5;
	[dreg:$0x6] =	wrdreg s20;
	s20 =	simm.s32 $0x80  }
.LBB2_1:
0x1e: {  	s6 =	simm.s32 $0x0;
	s11 =	rddreg [dreg:$0x5]  }
0x1f: {  	[tilespmem:s6], [sflag:$0xD] =	stream.linear.gather [hbm4b:s11+s6], $0x2700, $0x38;
	[tilespmem:$0x19F00] =	vst v63  }
0x20: {  	_ =	swait.ge [sflag:s15], $0x2700  }
0x21: {  	[sflag:s15] =	ssyncset.done $0x0  }
0x22: {  	s12 =	simm.s32 $0x2700;
	s13 =	rddreg [dreg:$0x6];
	[sflag:s15] =	ssyncadd.s32 $0xFFFFD900  }
0x23: {  	[tilespmem:s12], [sflag:$0xD] =	stream.linear.gather [hbm4b:s13+s6], $0x2700, $0x38;
	[tilespmem:$0x19F00] =	vst v63  }
0x24: {  	_ =	swait.ge [sflag:s15], $0x2700  }
0x25: {  	s11 =	simm.s32 @!p0 $0x0;
	[sflag:s15] =	ssyncset.done $0x0  }
0x26: {  	s12 =	simm.s32 @!p0 $0x4E00;
	s6 =	rddreg [dreg:$0x7];
	[sflag:s15] =	ssyncadd.s32 $0xFFFFD900  }
0x27: {  	[tilespmem:s12], [sflag:$0xD] =	stream.linear.gather @!p0 [hbm4b:s6+s11], $0x80, $0x38;
	[tilespmem:$0x19F00] =	vst v63  }
0x28: {  	s12 =	simm.s32 @!p0 $0xD  }
0x29: {  	_ =	swait.ge @!p0 [sflag:s12], $0x80  }
0x2a: {  	[sflag:s12] =	ssyncset.done @!p0 $0x0  }
0x2b: {  	s6 =	simm.s32 @!p0 $0x4E80;
	s13 =	rddreg [dreg:$0x8];
	[sflag:s12] =	ssyncadd.s32 @!p0 $0xFFFFFF80  }
0x2c: {  	[tilespmem:s6], [sflag:$0xD] =	stream.linear.gather @!p0 [hbm4b:s13+s11], $0x80, $0x38;
	[tilespmem:$0x19F00] =	vst v63  }
0x2d: {  	_ =	swait.ge @!p0 [sflag:s12], $0x80  }
0x2e: {  	[sflag:s12] =	ssyncset.done @!p0 $0x0  }
0x2f: {  	[sflag:s12] =	ssyncadd.s32 @!p0 $0xFFFFFF80;
	s12 =	rddreg [dreg:$0x9]  }
0x30: {  	[spmem:s18], [sflag:s17] =	dma.local [hbm:s12], $0x1400  }
0x31: {  	_ =	swait.ge [sflag:s15], $0x1400  }
0x32: {  	[sflag:s15] =	ssyncset.done $0x0  }
0x33: {  	s13 =	rddreg [dreg:$0xa];
	[sflag:s15] =	ssyncadd.s32 $0xFFFFEC00  }
0x34: {  	[spmem:s19], [sflag:s17] =	dma.local [hbm:s13], $0x500  }
0x35: {  	_ =	swait.ge [sflag:s15], $0x500  }
0x36: {  	[sflag:s15] =	ssyncset.done $0x0  }
0x37: {  	s11 =	simm.s32 $0x40;
	s12 =	simm.s32 $0x0;
	[sflag:s15] =	ssyncadd.s32 $0xFFFFFB00  }
.LBB2_2:
0x38: {  	p1 =	sne.s32 s11, $0x1FC0;
	[tilespmem:s12+$0x16F00] =	vst v0;
	s6 =	smov.u32 s11;
	s11 =	sadd.s32 $0x40, s11  }
.Ltmp0:
0x39: {  	(pc) =	sbr.rel @p1 .LBB2_2-.Ltmp0, $2  }
0x3a: {  	_ =	sdelay $0x2  }
0x3b: {  	s12 =	sshra.s32 s6, $0x2  }
0x3c: {  	[tilespmem:s12+$0x16F00] =	vst v0  }
0x3d: {  	s6 =	simm.s32 $0x0;
	[bflag:$0x0] =	sbarrier.arrive $0xFFFF  }
0x3e: {  	[tilespmem:s21], [sflag:$0x1] =	stream.indirect.gather [hbm4b:s5+s20], $0x40, s6, s20, $0xb8;
	[tilespmem:$0x19F00] =	vst v63  }
0x3f: {  	_ = 	snop  }
0x40: {  	[tilespmem:s22], [sflag:$0x2] =	stream.indirect.gather [hbm4b:s5+s20], $0x40, s20, s20, $0xb8;
	[tilespmem:$0x19F00] =	vst v63  }
0x41: {  	s11 =	simm.s32 $0x100  }
0x42: {  	[tilespmem:s24], [sflag:$0x3] =	stream.indirect.gather [hbm4b:s5+s20], $0x40, s11, s20, $0xb8;
	[tilespmem:$0x19F00] =	vst v63  }
0x43: {  	s12 =	simm.s32 $0x180  }
0x44: {  	[tilespmem:s26], [sflag:$0x4] =	stream.indirect.gather [hbm4b:s5+s20], $0x40, s12, s20, $0xb8;
	[tilespmem:$0x19F00] =	vst v63  }
0x45: {  	_ =	swait.ge [sflag:s28], $0x2000  }
0x46: {  	[sflag:s28] =	ssyncset.done $0x0  }
0x47: {  	s13 =	simm.s32 $0x2700;
	[sflag:s28] =	ssyncadd.s32 $0xFFFFE000  }
0x48: {  	[spmem:s2] =	stream.indirect.scatter.add.f32 [tilespmem:s21], [sflag:$0x5], $0x40, s13, s20, $0xb8;
	[tilespmem:$0x19F00] =	vst v63  }
0x49: {  	_ = 	snop  }
0x4a: {  	[spmem:s3] =	stream.indirect.scatter.add.f32 [tilespmem:s29], [sflag:$0x9], $0x10, s13, s20, $0xb8;
	[tilespmem:$0x19F00] =	vst v63  }
0x4b: {  	_ =	swait.ge [sflag:s30], $0x2000  }
0x4c: {  	[sflag:s30] =	ssyncset.done $0x0  }
0x4d: {  	s11 =	simm.s32 $0x2780;
	[sflag:s30] =	ssyncadd.s32 $0xFFFFE000  }
0x4e: {  	[spmem:s2] =	stream.indirect.scatter.add.f32 [tilespmem:s22], [sflag:$0x6], $0x40, s11, s20, $0xb8;
	[tilespmem:$0x19F00] =	vst v63  }
0x4f: {  	_ = 	snop  }
0x50: {  	[spmem:s3] =	stream.indirect.scatter.add.f32 [tilespmem:s29], [sflag:$0xA], $0x10, s11, s20, $0xb8;
	[tilespmem:$0x19F00] =	vst v63  }
0x51: {  	_ =	swait.ge [sflag:s31], $0x2000  }
0x52: {  	[sflag:s31] =	ssyncset.done $0x0  }
0x53: {  	s12 =	simm.s32 $0x2800;
	[sflag:s31] =	ssyncadd.s32 $0xFFFFE000  }
0x54: {  	[spmem:s2] =	stream.indirect.scatter.add.f32 [tilespmem:s24], [sflag:$0x7], $0x40, s12, s20, $0xb8;
	[tilespmem:$0x19F00] =	vst v63  }
0x55: {  	_ = 	snop  }
0x56: {  	[spmem:s3] =	stream.indirect.scatter.add.f32 [tilespmem:s29], [sflag:$0xB], $0x10, s12, s20, $0xb8;
	[tilespmem:$0x19F00] =	vst v63  }
0x57: {  	_ =	swait.ge [sflag:s1], $0x2000  }
0x58: {  	[sflag:s1] =	ssyncset.done $0x0  }
0x59: {  	s13 =	simm.s32 $0x2880;
	[sflag:s1] =	ssyncadd.s32 $0xFFFFE000  }
0x5a: {  	[spmem:s2] =	stream.indirect.scatter.add.f32 [tilespmem:s26], [sflag:$0x8], $0x40, s13, s20, $0xb8;
	[tilespmem:$0x19F00] =	vst v63  }
0x5b: {  	_ = 	snop  }
0x5c: {  	[spmem:s3] =	stream.indirect.scatter.add.f32 [tilespmem:s29], [sflag:$0xC], $0x10, s13, s20, $0xb8;
	[tilespmem:$0x19F00] =	vst v63  }
0x5d: {  	_ =	swait.ge [sflag:s0], $0x2000  }
0x5e: {  	[sflag:s0] =	ssyncset.done $0x0  }
0x5f: {  	[sflag:s0] =	ssyncadd.s32 $0xFFFFE000  }
0x60: {  	_ =	swait.ge [sflag:s16], $0x800  }
0x61: {  	[sflag:s16] =	ssyncset.done $0x0  }
0x62: {  	s11 =	simm.s32 $0x200;
	[sflag:s16] =	ssyncadd.s32 $0xFFFFF800  }
0x63: {  	[tilespmem:s21], [sflag:$0x1] =	stream.indirect.gather [hbm4b:s5+s20], $0x40, s11, s20, $0xb8;
	[tilespmem:$0x19F00] =	vst v63  }
0x64: {  	_ =	swait.ge [sflag:s23], $0x2000  }
0x65: {  	[sflag:s23] =	ssyncset.done $0x0  }
0x66: {  	[sflag:s23] =	ssyncadd.s32 $0xFFFFE000  }
0x67: {  	_ =	swait.ge [sflag:s25], $0x800  }
0x68: {  	[sflag:s25] =	ssyncset.done $0x0  }
0x69: {  	s12 =	simm.s32 $0x280;
	[sflag:s25] =	ssyncadd.s32 $0xFFFFF800  }
0x6a: {  	[tilespmem:s22], [sflag:$0x2] =	stream.indirect.gather [hbm4b:s5+s20], $0x40, s12, s20, $0xb8;
	[tilespmem:$0x19F00] =	vst v63  }
0x6b: {  	_ =	swait.ge [sflag:s4], $0x2000  }
0x6c: {  	[sflag:s4] =	ssyncset.done $0x0  }
0x6d: {  	[sflag:s4] =	ssyncadd.s32 $0xFFFFE000  }
0x6e: {  	_ =	swait.ge [sflag:s7], $0x800  }
0x6f: {  	[sflag:s7] =	ssyncset.done $0x0  }
0x70: {  	s13 =	simm.s32 $0x300;
	[sflag:s7] =	ssyncadd.s32 $0xFFFFF800  }
0x71: {  	[tilespmem:s24], [sflag:$0x3] =	stream.indirect.gather [hbm4b:s5+s20], $0x40, s13, s20, $0xb8;
	[tilespmem:$0x19F00] =	vst v63  }
0x72: {  	_ =	swait.ge [sflag:s8], $0x2000  }
0x73: {  	[sflag:s8] =	ssyncset.done $0x0  }
0x74: {  	[sflag:s8] =	ssyncadd.s32 $0xFFFFE000  }
0x75: {  	_ =	swait.ge [sflag:s9], $0x800  }
0x76: {  	[sflag:s9] =	ssyncset.done $0x0  }
0x77: {  	s11 =	simm.s32 $0x800;
	s12 =	simm.s32 $0x380;
	[sflag:s9] =	ssyncadd.s32 $0xFFFFF800  }
.LBB2_4:
0x78: {  	[tilespmem:s26], [sflag:$0x4] =	stream.indirect.gather [hbm4b:s5+s20], $0x40, s12, s20, $0xb8;
	[tilespmem:$0x19F00] =	vst v63  }
0x79: {  	s6 =	smov.u32 s11  }
0x7a: {  	p1 =	sne.s32 s11, $0x8800;
	s11 =	sadd.s32 $0x800, s11;
	_ =	swait.ge [sflag:s28], $0x2000  }
0x7b: {  	s12 =	sshra.s32 s6, $0x2;
	[sflag:s28] =	ssyncset.done $0x0  }
0x7c: {  	s6 =	sadd.s32 $0x2700, s12;
	[sflag:s28] =	ssyncadd.s32 $0xFFFFE000  }
0x7d: {  	[spmem:s2] =	stream.indirect.scatter.add.f32 [tilespmem:s21], [sflag:$0x5], $0x40, s6, s20, $0xb8;
	[tilespmem:$0x19F00] =	vst v63  }
0x7e: {  	_ = 	snop  }
0x7f: {  	[spmem:s3] =	stream.indirect.scatter.add.f32 [tilespmem:s29], [sflag:$0x9], $0x10, s6, s20, $0xb8;
	[tilespmem:$0x19F00] =	vst v63  }
0x80: {  	_ =	swait.ge [sflag:s30], $0x2000  }
0x81: {  	[sflag:s30] =	ssyncset.done $0x0  }
0x82: {  	s6 =	sadd.s32 $0x2780, s12;
	[sflag:s30] =	ssyncadd.s32 $0xFFFFE000  }
0x83: {  	[spmem:s2] =	stream.indirect.scatter.add.f32 [tilespmem:s22], [sflag:$0x6], $0x40, s6, s20, $0xb8;
	[tilespmem:$0x19F00] =	vst v63  }
0x84: {  	_ = 	snop  }
0x85: {  	[spmem:s3] =	stream.indirect.scatter.add.f32 [tilespmem:s29], [sflag:$0xA], $0x10, s6, s20, $0xb8;
	[tilespmem:$0x19F00] =	vst v63  }
0x86: {  	_ =	swait.ge [sflag:s31], $0x2000  }
0x87: {  	[sflag:s31] =	ssyncset.done $0x0  }
0x88: {  	s6 =	sadd.s32 $0x2800, s12;
	[sflag:s31] =	ssyncadd.s32 $0xFFFFE000  }
0x89: {  	[spmem:s2] =	stream.indirect.scatter.add.f32 [tilespmem:s24], [sflag:$0x7], $0x40, s6, s20, $0xb8;
	[tilespmem:$0x19F00] =	vst v63  }
0x8a: {  	_ = 	snop  }
0x8b: {  	[spmem:s3] =	stream.indirect.scatter.add.f32 [tilespmem:s29], [sflag:$0xB], $0x10, s6, s20, $0xb8;
	[tilespmem:$0x19F00] =	vst v63  }
0x8c: {  	_ =	swait.ge [sflag:s1], $0x2000  }
0x8d: {  	[sflag:s1] =	ssyncset.done $0x0  }
0x8e: {  	s6 =	sadd.s32 $0x2880, s12;
	[sflag:s1] =	ssyncadd.s32 $0xFFFFE000  }
0x8f: {  	[spmem:s2] =	stream.indirect.scatter.add.f32 [tilespmem:s26], [sflag:$0x8], $0x40, s6, s20, $0xb8;
	[tilespmem:$0x19F00] =	vst v63  }
0x90: {  	_ = 	snop  }
0x91: {  	[spmem:s3] =	stream.indirect.scatter.add.f32 [tilespmem:s29], [sflag:$0xC], $0x10, s6, s20, $0xb8;
	[tilespmem:$0x19F00] =	vst v63  }
0x92: {  	_ =	swait.ge [sflag:s0], $0x2000  }
0x93: {  	[sflag:s0] =	ssyncset.done $0x0  }
0x94: {  	[sflag:s0] =	ssyncadd.s32 $0xFFFFE000  }
0x95: {  	_ =	swait.ge [sflag:s16], $0x800  }
0x96: {  	[sflag:s16] =	ssyncset.done $0x0  }
0x97: {  	s6 =	sadd.s32 $0x200, s12;
	[sflag:s16] =	ssyncadd.s32 $0xFFFFF800  }
0x98: {  	[tilespmem:s21], [sflag:$0x1] =	stream.indirect.gather [hbm4b:s5+s20], $0x40, s6, s20, $0xb8;
	[tilespmem:$0x19F00] =	vst v63  }
0x99: {  	_ =	swait.ge [sflag:s23], $0x2000  }
0x9a: {  	[sflag:s23] =	ssyncset.done $0x0  }
0x9b: {  	[sflag:s23] =	ssyncadd.s32 $0xFFFFE000  }
0x9c: {  	_ =	swait.ge [sflag:s25], $0x800  }
0x9d: {  	[sflag:s25] =	ssyncset.done $0x0  }
0x9e: {  	s6 =	sadd.s32 $0x280, s12;
	[sflag:s25] =	ssyncadd.s32 $0xFFFFF800  }
0x9f: {  	[tilespmem:s22], [sflag:$0x2] =	stream.indirect.gather [hbm4b:s5+s20], $0x40, s6, s20, $0xb8;
	[tilespmem:$0x19F00] =	vst v63  }
0xa0: {  	_ =	swait.ge [sflag:s4], $0x2000  }
0xa1: {  	[sflag:s4] =	ssyncset.done $0x0  }
0xa2: {  	[sflag:s4] =	ssyncadd.s32 $0xFFFFE000  }
0xa3: {  	_ =	swait.ge [sflag:s7], $0x800  }
0xa4: {  	[sflag:s7] =	ssyncset.done $0x0  }
0xa5: {  	s6 =	sadd.s32 $0x300, s12;
	[sflag:s7] =	ssyncadd.s32 $0xFFFFF800  }
0xa6: {  	[tilespmem:s24], [sflag:$0x3] =	stream.indirect.gather [hbm4b:s5+s20], $0x40, s6, s20, $0xb8;
	[tilespmem:$0x19F00] =	vst v63  }
0xa7: {  	_ =	swait.ge [sflag:s8], $0x2000  }
.Ltmp1:
0xa8: {  	[sflag:s8] =	ssyncset.done $0x0;
	(pc) =	sbr.rel @p1 .LBB2_4-.Ltmp1, $4  }
0xa9: {  	[sflag:s8] =	ssyncadd.s32 $0xFFFFE000  }
0xaa: {  	_ =	swait.ge [sflag:s9], $0x800  }
0xab: {  	[sflag:s9] =	ssyncset.done $0x0  }
0xac: {  	s12 =	sadd.s32 $0x380, s12;
	[sflag:s9] =	ssyncadd.s32 $0xFFFFF800  }
0xad: {  	[tilespmem:s26], [sflag:$0x4] =	stream.indirect.gather [hbm4b:s5+s20], $0x40, s12, s20, $0xb8;
	[tilespmem:$0x19F00] =	vst v63  }
0xae: {  	_ =	swait.ge [sflag:s28], $0x2000  }
0xaf: {  	[sflag:s28] =	ssyncset.done $0x0  }
0xb0: {  	s6 =	simm.s32 $0x4B00;
	[sflag:s28] =	ssyncadd.s32 $0xFFFFE000  }
0xb1: {  	[spmem:s2] =	stream.indirect.scatter.add.f32 [tilespmem:s21], [sflag:$0x5], $0x40, s6, s20, $0xb8;
	[tilespmem:$0x19F00] =	vst v63  }
0xb2: {  	_ = 	snop  }
0xb3: {  	[spmem:s3] =	stream.indirect.scatter.add.f32 [tilespmem:s29], [sflag:$0x9], $0x10, s6, s20, $0xb8;
	[tilespmem:$0x19F00] =	vst v63  }
0xb4: {  	_ =	swait.ge [sflag:s30], $0x2000  }
0xb5: {  	[sflag:s30] =	ssyncset.done $0x0  }
0xb6: {  	s11 =	simm.s32 $0x4B80;
	[sflag:s30] =	ssyncadd.s32 $0xFFFFE000  }
0xb7: {  	[spmem:s2] =	stream.indirect.scatter.add.f32 [tilespmem:s22], [sflag:$0x6], $0x40, s11, s20, $0xb8;
	[tilespmem:$0x19F00] =	vst v63  }
0xb8: {  	_ = 	snop  }
0xb9: {  	[spmem:s3] =	stream.indirect.scatter.add.f32 [tilespmem:s29], [sflag:$0xA], $0x10, s11, s20, $0xb8;
	[tilespmem:$0x19F00] =	vst v63  }
0xba: {  	_ =	swait.ge [sflag:s31], $0x2000  }
0xbb: {  	[sflag:s31] =	ssyncset.done $0x0  }
0xbc: {  	s12 =	simm.s32 $0x4C00;
	[sflag:s31] =	ssyncadd.s32 $0xFFFFE000  }
0xbd: {  	[spmem:s2] =	stream.indirect.scatter.add.f32 [tilespmem:s24], [sflag:$0x7], $0x40, s12, s20, $0xb8;
	[tilespmem:$0x19F00] =	vst v63  }
0xbe: {  	_ = 	snop  }
0xbf: {  	[spmem:s3] =	stream.indirect.scatter.add.f32 [tilespmem:s29], [sflag:$0xB], $0x10, s12, s20, $0xb8;
	[tilespmem:$0x19F00] =	vst v63  }
0xc0: {  	_ =	swait.ge [sflag:s1], $0x2000  }
0xc1: {  	[sflag:s1] =	ssyncset.done $0x0  }
0xc2: {  	s13 =	simm.s32 $0x4C80;
	[sflag:s1] =	ssyncadd.s32 $0xFFFFE000  }
0xc3: {  	[spmem:s2] =	stream.indirect.scatter.add.f32 [tilespmem:s26], [sflag:$0x8], $0x40, s13, s20, $0xb8;
	[tilespmem:$0x19F00] =	vst v63  }
0xc4: {  	_ = 	snop  }
0xc5: {  	[spmem:s3] =	stream.indirect.scatter.add.f32 [tilespmem:s29], [sflag:$0xC], $0x10, s13, s20, $0xb8;
	[tilespmem:$0x19F00] =	vst v63  }
0xc6: {  	_ =	swait.ge [sflag:s0], $0x2000  }
0xc7: {  	[sflag:s0] =	ssyncset.done $0x0  }
0xc8: {  	[sflag:s0] =	ssyncadd.s32 $0xFFFFE000  }
0xc9: {  	_ =	swait.ge [sflag:s16], $0x800  }
0xca: {  	[sflag:s16] =	ssyncset.done $0x0  }
0xcb: {  	s11 =	simm.s32 $0x2600;
	[sflag:s16] =	ssyncadd.s32 $0xFFFFF800  }
0xcc: {  	[tilespmem:s21], [sflag:$0x1] =	stream.indirect.gather [hbm4b:s5+s20], $0x40, s11, s20, $0xb8;
	[tilespmem:$0x19F00] =	vst v63  }
0xcd: {  	_ =	swait.ge [sflag:s23], $0x2000  }
0xce: {  	[sflag:s23] =	ssyncset.done $0x0  }
0xcf: {  	[sflag:s23] =	ssyncadd.s32 $0xFFFFE000  }
0xd0: {  	_ =	swait.ge [sflag:s25], $0x800  }
0xd1: {  	[sflag:s25] =	ssyncset.done $0x0  }
0xd2: {  	s12 =	simm.s32 $0x2680;
	[sflag:s25] =	ssyncadd.s32 $0xFFFFF800  }
0xd3: {  	[tilespmem:s22], [sflag:$0x2] =	stream.indirect.gather [hbm4b:s5+s20], $0x40, s12, s20, $0xb8;
	[tilespmem:$0x19F00] =	vst v63  }
0xd4: {  	_ =	swait.ge [sflag:s4], $0x2000  }
0xd5: {  	[sflag:s4] =	ssyncset.done $0x0  }
0xd6: {  	[sflag:s4] =	ssyncadd.s32 $0xFFFFE000  }
0xd7: {  	_ =	swait.ge [sflag:s7], $0x800  }
0xd8: {  	[sflag:s7] =	ssyncset.done $0x0  }
0xd9: {  	[sflag:s7] =	ssyncadd.s32 $0xFFFFF800  }
0xda: {  	_ =	swait.ge [sflag:s8], $0x2000  }
0xdb: {  	[sflag:s8] =	ssyncset.done $0x0  }
0xdc: {  	[sflag:s8] =	ssyncadd.s32 $0xFFFFE000  }
0xdd: {  	_ =	swait.ge [sflag:s9], $0x800  }
0xde: {  	[sflag:s9] =	ssyncset.done $0x0  }
0xdf: {  	[sflag:s9] =	ssyncadd.s32 $0xFFFFF800  }
0xe0: {  	_ =	swait.ge [sflag:s28], $0x2000  }
0xe1: {  	[sflag:s28] =	ssyncset.done $0x0  }
0xe2: {  	s13 =	simm.s32 $0x4D00;
	[sflag:s28] =	ssyncadd.s32 $0xFFFFE000  }
0xe3: {  	[spmem:s2] =	stream.indirect.scatter.add.f32 [tilespmem:s21], [sflag:$0x5], $0x40, s13, s20, $0xb8;
	[tilespmem:$0x19F00] =	vst v63  }
0xe4: {  	_ = 	snop  }
0xe5: {  	[spmem:s3] =	stream.indirect.scatter.add.f32 [tilespmem:s29], [sflag:$0x9], $0x10, s13, s20, $0xb8;
	[tilespmem:$0x19F00] =	vst v63  }
0xe6: {  	_ =	swait.ge [sflag:s0], $0x2000  }
0xe7: {  	[sflag:s0] =	ssyncset.done $0x0  }
0xe8: {  	[sflag:s0] =	ssyncadd.s32 $0xFFFFE000  }
0xe9: {  	_ =	swait.ge [sflag:s16], $0x800  }
0xea: {  	[sflag:s16] =	ssyncset.done $0x0  }
0xeb: {  	[sflag:s16] =	ssyncadd.s32 $0xFFFFF800  }
0xec: {  	_ =	swait.ge [sflag:s30], $0x2000  }
0xed: {  	[sflag:s30] =	ssyncset.done $0x0  }
0xee: {  	[sflag:s30] =	ssyncadd.s32 $0xFFFFE000  }
0xef: {  	[spmem:s2] =	stream.indirect.scatter.add.f32 [tilespmem:s22], [sflag:$0x6], $0x40, s14, s20, $0xb8;
	[tilespmem:$0x19F00] =	vst v63  }
0xf0: {  	_ = 	snop  }
0xf1: {  	[spmem:s3] =	stream.indirect.scatter.add.f32 [tilespmem:s29], [sflag:$0xA], $0x10, s14, s20, $0xb8;
	[tilespmem:$0x19F00] =	vst v63  }
0xf2: {  	_ =	swait.ge [sflag:s23], $0x2000  }
0xf3: {  	[sflag:s23] =	ssyncset.done $0x0  }
0xf4: {  	[sflag:s23] =	ssyncadd.s32 $0xFFFFE000  }
0xf5: {  	_ =	swait.ge [sflag:s25], $0x800  }
0xf6: {  	s6 =	simm.s32 @!p0 $0x80;
	[sflag:s25] =	ssyncset.done $0x0  }
0xf7: {  	s11 =	simm.s32 @!p0 $0x4E00;
	s12 =	simm.s32 @!p0 $0x4F00;
	[sflag:s25] =	ssyncadd.s32 $0xFFFFF800  }
0xf8: {  	[tilespmem:s12], [sflag:$0x1] =	stream.indirect.gather @!p0 [hbm4b:s5+s6], $0x40, s11, s6, $0xb8;
	[tilespmem:$0x19F00] =	vst v63  }
0xf9: {  	s11 =	simm.s32 @!p0 $0x1  }
0xfa: {  	_ =	swait.ge @!p0 [sflag:s11], $0x2000  }
0xfb: {  	[sflag:s11] =	ssyncset.done @!p0 $0x0  }
0xfc: {  	[sflag:s11] =	ssyncadd.s32 @!p0 $0xFFFFE000;
	s11 =	simm.s32 @!p0 $0x4E80  }
0xfd: {  	[spmem:s2] =	stream.indirect.scatter.add.f32 @!p0 [tilespmem:s12], [sflag:$0xD], $0x40, s11, s6, $0xb8;
	[tilespmem:$0x19F00] =	vst v63  }
0xfe: {  	s12 =	simm.s32 @!p0 $0xD  }
0xff: {  	_ =	swait.ge @!p0 [sflag:s12], $0x2000  }
0x100: {  	[sflag:s12] =	ssyncset.done @!p0 $0x0  }
0x101: {  	s13 =	simm.s32 @!p0 $0x16F00;
	[sflag:s12] =	ssyncadd.s32 @!p0 $0xFFFFE000  }
0x102: {  	[spmem:s3] =	stream.indirect.scatter.add.f32 @!p0 [tilespmem:s13], [sflag:$0xD], $0x10, s11, s6, $0xb8;
	[tilespmem:$0x19F00] =	vst v63  }
0x103: {  	_ =	swait.ge @!p0 [sflag:s12], $0x800  }
0x104: {  	[sflag:s12] =	ssyncset.done @!p0 $0x0  }
0x105: {  	[sflag:s12] =	ssyncadd.s32 @!p0 $0xFFFFF800  }
0x106: {  	[bflag:$0x0] =	sbarrier.arrive $0xFFFF  }
0x107: {  	s11 =	rddreg [dreg:$0xb]  }
0x108: {  	[hbm:s11], [sflag:s17] =	dma.local [spmem:s18], $0x1400  }
0x109: {  	_ =	swait.ge [sflag:s15], $0x1400  }
0x10a: {  	[sflag:s15] =	ssyncset.done $0x0  }
0x10b: {  	s12 =	rddreg [dreg:$0xc];
	[sflag:s15] =	ssyncadd.s32 $0xFFFFEC00  }
0x10c: {  	[hbm:s12], [sflag:s17] =	dma.local [spmem:s19], $0x500  }
0x10d: {  	_ =	swait.ge [sflag:s15], $0x500  }
0x10e: {  	s10 =	sadd.s32 $0x1, s10;
	s13 =	rddreg [dreg:$0xd]  }
0x10f: {  	p1 =	sne.s32 s10, s13  }
.Ltmp2:
0x110: {  	_ = 	snop;
	(pc) =	sbr.rel @p1 .LBB2_1-.Ltmp2, $3  }
0x111: {  	_ =	sdelay $0x1  }
0x112: {  	[sflag:s15] =	ssyncset.done $0x0  }
0x113: {  	[sflag:s15] =	ssyncadd.s32 $0xFFFFFB00  }
0x114: {  	_ =	sfence.sel $0x180000  }
0x115: {  	[bflag:$0x0] =	sbarrier.arrive $0xFFFF  }
0x116: {  	_ =	strace $0x90000047  }
0x117: {  	s0 =	stileid.u32;
	[bflag:$0x2] =	sbarrier.arrive $0xFFFF  }
0x118: {  	p0 =	sne.s32 s0, $0x0;
	s0 =	rddreg [dreg:$0x4]  }
0x119: {  	s0 =	sadd.s32 @!p0 $0x100000, s0  }
0x11a: {  	[sflag:s0] =	ssyncadd.tile.s32 @!p0 $0x1;
	_ =	shalt  }
.Lfunc_end2:
_tile_overlayer_lowered:
.L_overlay_start_2:
0x11b: {  	(tag) =	ssettag $0x2  }
0x11c: {  	s0 =	rddreg [dreg:$0x0];
	s2 =	stileid.u32  }
0x11d: {  	s1 =	rddreg [dreg:$0x1];
	p0 =	sne.s32 s2, $0x0  }
0x11e: {  	s3 =	rddreg [dreg:$0x2];
	[bflag:$0x3] =	sbarrier.arrive $0xFFFF;
	s2 =	simm.s32 @!p0 $0x1C0D  }
0x11f: {  	[timem:s3], [sflag:s2] =	dma.local @!p0 [hbm:s0], s1  }
0x120: {  	s0 =	simm.s32 @!p0 $0xD  }
0x121: {  	_ =	swait.ge @!p0 [sflag:s0], s1  }
0x122: {  	s1 =	ssub.s32 @!p0 $0x0, s1;
	[sflag:s0] =	ssyncset.done @!p0 $0x0  }
0x123: {  	[sflag:s0] =	ssyncadd.s32 @!p0 s1  }
0x124: {  	[bflag:$0x3] =	sbarrier.arrive $0xFFFF  }
0x125: {  	_ =	shalt  }

</sc_bundles>
